<compile_context>
chip_gen: v7x
topology: tpu7x:2x2x1
jax: 0.10.2.dev20260603
libtpu: 0.0.44.dev20260713+nightly
codegen_flags: <defaults>
</compile_context>

<pallas_src>
import functools

import jax
import jax.numpy as jnp
from jax import lax
from jax.experimental import pallas as pl
from jax.experimental.pallas import tpu as pltpu
from jax.experimental.pallas import tpu_sc as plsc

NC = 2
NS = 16
NW = NC * NS
L = 16
CHUNK = 128
G = 8


def _sc_aggregate(n_pad, d, n_chunks):
    rows_per_tile = n_pad // NS
    deg_pad = -(-n_pad // (NS * L)) * (NS * L)
    deg_per_tile = deg_pad // NS
    n_groups = n_chunks // G

    mesh = plsc.VectorSubcoreMesh(core_axis_name="c", subcore_axis_name="s",
                                  num_cores=NC, num_subcores=NS)

    @functools.partial(
        pl.kernel,
        out_type=(
            jax.ShapeDtypeStruct((NC, n_pad, d), jnp.float32),
            jax.ShapeDtypeStruct((NC, deg_pad), jnp.float32),
        ),
        mesh=mesh,
        scratch_types=(
            [pltpu.VMEM((G, CHUNK), jnp.int32) for _ in range(2)],
            [pltpu.VMEM((G, CHUNK), jnp.int32) for _ in range(2)],
            [pltpu.VMEM((CHUNK, d), jnp.float32) for _ in range(2)],
            pltpu.VMEM((CHUNK,), jnp.float32),
            pltpu.VMEM((deg_per_tile,), jnp.float32),
            pltpu.VMEM_SHARED((n_pad, d), jnp.float32),
            pltpu.VMEM_SHARED((deg_pad,), jnp.float32),
            [pltpu.SemaphoreType.DMA for _ in range(2)],
            [pltpu.SemaphoreType.DMA for _ in range(2)],
            pltpu.SemaphoreType.DMA,
            pltpu.SemaphoreType.DMA,
            pltpu.SemaphoreType.DMA,
        ),
    )
    def body(src_hbm, dst_hbm, x_hbm, agg_out, deg_out,
             srcb, dstb, rows, ones_v, zdeg_v, agg_sh, deg_sh,
             gsem, ssem, dsem, isem, zsem):
        c = lax.axis_index("c")
        s = lax.axis_index("s")
        wid = c * NS + s
        r0 = s * rows_per_tile
        q0 = s * deg_per_tile
        zeros16 = jnp.zeros((L,), jnp.float32)
        ones16 = jnp.ones((L,), jnp.float32)

        pltpu.sync_copy(src_hbm.at[wid, pl.ds(0, G)], srcb[0])
        pltpu.sync_copy(dst_hbm.at[wid, pl.ds(0, G)], dstb[0])
        pltpu.async_copy(x_hbm.at[srcb[0].at[0]], rows[0], gsem[0])

        def zero_row(i, _):
            for k in range(d // L):
                rows[1][i, pl.ds(k * L, L)] = zeros16
            return 0
        lax.fori_loop(0, CHUNK, zero_row, 0)
        for k in range(CHUNK // L):
            ones_v[pl.ds(k * L, L)] = ones16

        def zero_deg(i, _):
            zdeg_v[pl.ds(i * L, L)] = zeros16
            return 0
        lax.fori_loop(0, deg_per_tile // L, zero_deg, 0)

        descs = []
        nfull = rows_per_tile // CHUNK
        rem = rows_per_tile - nfull * CHUNK
        for k in range(nfull):
            descs.append(pltpu.async_copy(
                rows[1], agg_sh.at[pl.ds(r0 + k * CHUNK, CHUNK)], zsem))
        if rem:
            descs.append(pltpu.async_copy(
                rows[1].at[pl.ds(0, rem)],
                agg_sh.at[pl.ds(r0 + nfull * CHUNK, rem)], zsem))
        descs.append(pltpu.async_copy(
            zdeg_v, deg_sh.at[pl.ds(q0, deg_per_tile)], zsem))
        for desc in descs:
            desc.wait()
        plsc.subcore_barrier()

        def gpair(g2, _):
            for p in (0, 1):
                g = g2 * 2 + p

                if p == 0:
                    @pl.when(g2 > 0)
                    def _():
                        pltpu.make_async_copy(
                            rows[1], agg_sh.at[dstb[1].at[0]], ssem[1]).wait()
                        for _b in range(G):
                            pltpu.make_async_copy(
                                ones_v, deg_sh.at[dstb[1].at[0]], dsem).wait()

                    @pl.when(g < n_groups - 1)
                    def _():
                        pltpu.async_copy(
                            src_hbm.at[wid, pl.ds((g + 1) * G, G)],
                            srcb[1], isem)
                        pltpu.async_copy(
                            dst_hbm.at[wid, pl.ds((g + 1) * G, G)],
                            dstb[1], isem)
                else:
                    @pl.when(g < n_groups - 1)
                    def _():
                        pltpu.make_async_copy(
                            rows[1], agg_sh.at[dstb[0].at[0]], ssem[1]).wait()
                        for _b in range(G):
                            pltpu.make_async_copy(
                                ones_v, deg_sh.at[dstb[0].at[0]], dsem).wait()
                        pltpu.async_copy(
                            src_hbm.at[wid, pl.ds((g + 1) * G, G)],
                            srcb[0], isem)
                        pltpu.async_copy(
                            dst_hbm.at[wid, pl.ds((g + 1) * G, G)],
                            dstb[0], isem)

                for b in range(G):
                    b2 = b & 1
                    pltpu.make_async_copy(
                        x_hbm.at[srcb[p].at[b]], rows[b2], gsem[b2]).wait()
                    pltpu.async_copy(ones_v, deg_sh.at[dstb[p].at[b]], dsem,
                                     add=True)
                    pltpu.async_copy(rows[b2], agg_sh.at[dstb[p].at[b]],
                                     ssem[b2], add=True)

                    if b > 0:
                        pltpu.make_async_copy(
                            rows[1 - b2], agg_sh.at[dstb[p].at[b]],
                            ssem[1 - b2]).wait()

                    if b < G - 1:
                        pltpu.async_copy(x_hbm.at[srcb[p].at[b + 1]],
                                         rows[1 - b2], gsem[1 - b2])
                    else:
                        @pl.when(g < n_groups - 1)
                        def _():
                            pltpu.make_async_copy(
                                src_hbm.at[wid, pl.ds(0, G)], srcb[1 - p],
                                isem).wait()
                            pltpu.make_async_copy(
                                dst_hbm.at[wid, pl.ds(0, G)], dstb[1 - p],
                                isem).wait()
                            pltpu.async_copy(x_hbm.at[srcb[1 - p].at[0]],
                                             rows[1 - b2], gsem[1 - b2])
            return 0
        lax.fori_loop(0, n_groups // 2, gpair, 0)

        for _ in range(2):
            pltpu.make_async_copy(rows[1], agg_sh.at[dstb[0].at[0]],
                                  ssem[1]).wait()
        for _ in range(2 * G):
            pltpu.make_async_copy(ones_v, deg_sh.at[dstb[0].at[0]],
                                  dsem).wait()

        plsc.subcore_barrier()

        pltpu.sync_copy(agg_sh.at[pl.ds(r0, rows_per_tile)],
                        agg_out.at[c, pl.ds(r0, rows_per_tile)])
        pltpu.sync_copy(deg_sh.at[pl.ds(q0, deg_per_tile)],
                        deg_out.at[c, pl.ds(q0, deg_per_tile)])

    return body


def _tc_self(x, w_self, b2, blk):
    n, d = x.shape

    def body(x_ref, ws_ref, b_ref, o_ref):
        o_ref[...] = jnp.dot(
            x_ref[...], ws_ref[...],
            preferred_element_type=jnp.float32) + b_ref[...]

    return pl.pallas_call(
        body,
        grid=(n // blk,),
        in_specs=[
            pl.BlockSpec((blk, d), lambda i: (i, 0)),
            pl.BlockSpec((d, d), lambda i: (0, 0)),
            pl.BlockSpec((1, d), lambda i: (0, 0)),
        ],
        out_specs=pl.BlockSpec((blk, d), lambda i: (i, 0)),
        out_shape=jax.ShapeDtypeStruct((n, d), jnp.float32),
    )(x, w_self, b2)


def _tc_combine(partial, agg_parts, deg2, w_neigh, blk):
    n, d = partial.shape

    def body(p_ref, a0_ref, a1_ref, deg_ref, wn_ref, o_ref):
        agg = a0_ref[0] + a1_ref[0]
        deg = deg_ref[...]
        degsum = jnp.maximum(deg[:, 0] + deg[:, 1], 1.0)
        h_neigh = agg / degsum[:, None]
        o_ref[...] = p_ref[...] + jnp.dot(
            h_neigh, wn_ref[...], preferred_element_type=jnp.float32)

    return pl.pallas_call(
        body,
        grid=(n // blk,),
        in_specs=[
            pl.BlockSpec((blk, d), lambda i: (i, 0)),
            pl.BlockSpec((1, blk, d), lambda i: (0, i, 0)),
            pl.BlockSpec((1, blk, d), lambda i: (1, i, 0)),
            pl.BlockSpec((blk, NC), lambda i: (i, 0)),
            pl.BlockSpec((d, d), lambda i: (0, 0)),
        ],
        out_specs=pl.BlockSpec((blk, d), lambda i: (i, 0)),
        out_shape=jax.ShapeDtypeStruct((n, d), jnp.float32),
    )(partial, agg_parts, agg_parts, deg2, w_neigh)


def kernel(inputs, edge_index, layer_id, n_layers, W_self, W_neigh, b):
    n, d = inputs.shape
    e = edge_index.shape[1]

    per_step = NW * CHUNK
    n_chunks = -(-e // (per_step * 2 * G)) * 2 * G
    e_pad = n_chunks * per_step
    n_pad = -(-(n + 1) // 128) * 128

    src = edge_index[0]
    dst = edge_index[1]
    pad = e_pad - e
    if pad:
        pad_ids = jnp.arange(pad, dtype=jnp.int32)
        src = jnp.concatenate([src, pad_ids % n])
        dst = jnp.concatenate([dst, n + pad_ids % (n_pad - n)])
    src_t = src.reshape(NW, n_chunks, CHUNK)
    dst_t = dst.reshape(NW, n_chunks, CHUNK)

    b2 = b.reshape(1, d)
    partial = _tc_self(inputs, W_self, b2, blk=5000)

    agg_parts, deg_parts = _sc_aggregate(n_pad, d, n_chunks)(src_t, dst_t,
                                                             inputs)

    deg2 = deg_parts.reshape(NC, -1)[:, :n].T
    return _tc_combine(partial, agg_parts, deg2, W_neigh, blk=5000)

# --- scband reference (transcript-rebuilt; emitter-appended) ---
"""Pipeline reference for scband-graph-sagelayer-4423816315100 (READ-ONLY COPY).

The authoritative reference and input builder live on the scoring server;
editing this copy changes nothing except your own understanding.
"""

import jax, jax.numpy as jnp
import numpy as np

N = 10000
E = 320000
D_IN = 128
D_OUT = 128

def setup_inputs(seed: int = 0) -> dict:
    key = jax.random.key(seed)
    k1, k2, k3, k4, k5 = jax.random.split(key, 5)
    inputs = jax.random.normal(k1, (N, D_IN), dtype=jnp.float32)
    edge_index = jax.random.randint(k2, (2, E), 0, N, dtype=jnp.int32)
    # SAGEConv 'mean' aggregator parameters: fc_self, fc_neigh (bias on output)
    W_self = jax.random.normal(k3, (D_IN, D_OUT), dtype=jnp.float32) * 0.05
    W_neigh = jax.random.normal(k4, (D_IN, D_OUT), dtype=jnp.float32) * 0.05
    b = jax.random.normal(k5, (D_OUT,), dtype=jnp.float32) * 0.05
    return {"inputs": inputs, "edge_index": edge_index, "layer_id": 1, "n_layers": 2,
            "W_self": W_self, "W_neigh": W_neigh, "b": b}

def reference(inputs, edge_index, layer_id, n_layers, W_self, W_neigh, b):
    # GraphSAGELayer.forward with layer_id == n_layers - 1 (final layer):
    #   h = SAGEConv(graph, inputs)  -- no activation, no dropout
    # SAGEConv('mean'):
    #   h_neigh = mean over incoming edges of inputs[src]
    #   out = inputs @ W_self + h_neigh @ W_neigh + b
    src = edge_index[0]
    dst = edge_index[1]
    msg = jnp.take(inputs, src, axis=0)                      # gather  [E, D]
    agg = jax.ops.segment_sum(msg, dst, num_segments=N)      # scatter-add [N, D]
    deg = jax.ops.segment_sum(jnp.ones((E,), jnp.float32), dst, num_segments=N)
    h_neigh = agg / jnp.clip(deg, 1.0, None)[:, None]
    h = inputs @ W_self + h_neigh @ W_neigh + b
    return h

if __name__ == "__main__":
    import jax
    _d = setup_inputs()
    print(jax.jit(kernel)(*tuple(_d.values())))

</pallas_src>

<mosaic_0001>
#map = affine_map<(d0, d1) -> (0, 0, 0)>
#map1 = affine_map<(d0, d1) -> (0, 0)>
module attributes {stable_mosaic.version = 14 : i64} {
  func.func @body(%arg0: i32, %arg1: i32, %arg2: memref<32x80x128xi32, #tpu.memory_space<hbm>>, %arg3: memref<32x80x128xi32, #tpu.memory_space<hbm>>, %arg4: memref<10000x128xf32, #tpu.memory_space<hbm>>, %arg5: memref<2x10112x128xf32, #tpu.memory_space<hbm>>, %arg6: memref<2x10240xf32, #tpu.memory_space<hbm>>, %arg7: memref<8x128xi32, #tpu.memory_space<vmem>>, %arg8: memref<8x128xi32, #tpu.memory_space<vmem>>, %arg9: memref<8x128xi32, #tpu.memory_space<vmem>>, %arg10: memref<8x128xi32, #tpu.memory_space<vmem>>, %arg11: memref<128x128xf32, #tpu.memory_space<vmem>>, %arg12: memref<128x128xf32, #tpu.memory_space<vmem>>, %arg13: memref<128xf32, #tpu.memory_space<vmem>>, %arg14: memref<640xf32, #tpu.memory_space<vmem>>, %arg15: memref<10112x128xf32, #tpu.memory_space<vmem_shared>>, %arg16: memref<10240xf32, #tpu.memory_space<vmem_shared>>, %arg17: memref<!tpu.dma_semaphore, #tpu.memory_space<semaphore_mem>>, %arg18: memref<!tpu.dma_semaphore, #tpu.memory_space<semaphore_mem>>, %arg19: memref<!tpu.dma_semaphore, #tpu.memory_space<semaphore_mem>>, %arg20: memref<!tpu.dma_semaphore, #tpu.memory_space<semaphore_mem>>, %arg21: memref<!tpu.dma_semaphore, #tpu.memory_space<semaphore_mem>>, %arg22: memref<!tpu.dma_semaphore, #tpu.memory_space<semaphore_mem>>, %arg23: memref<!tpu.dma_semaphore, #tpu.memory_space<semaphore_mem>>) attributes {dimension_semantics = [#tpu.dimension_semantics<core_parallel>, #tpu.dimension_semantics<subcore_parallel>], iteration_bounds = array<i64: 2, 16>, scalar_prefetch = 0 : i64, scratch_operands = 17 : i64, tpu.core_type = #tpu.core_type<sc_vector_subcore>, window_params = [{transform_indices = #map}, {transform_indices = #map}, {transform_indices = #map1}, {transform_indices = #map}, {transform_indices = #map1}]} {
    %mul3A = arith.constant 16 : i32
    %mul3A_0 = arith.muli %arg0, %mul3A : i32
    %add3A = arith.addi %mul3A_0, %arg1 : i32
    %mul3A_1 = arith.constant 632 : i32
    %mul3A_2 = arith.muli %arg1, %mul3A_1 : i32
    %mul3A_3 = arith.constant 640 : i32
    %mul3A_4 = arith.muli %arg1, %mul3A_3 : i32
    %broadcast_in_dim3A = arith.constant 0.000000e+00 : f32
    %broadcast_in_dim3A_5 = vector.broadcast %broadcast_in_dim3A : f32 to vector<16xf32>
    %broadcast_in_dim3A_6 = arith.constant 1.000000e+00 : f32
    %broadcast_in_dim3A_7 = vector.broadcast %broadcast_in_dim3A_6 : f32 to vector<16xf32>
    "tpu.region"() ({
      %run_scoped3A = tpu.sem_alloc : memref<!tpu.dma_semaphore, #tpu.memory_space<semaphore_mem>>
      %dma_start3A_241 = arith.constant 0 : i32
      %dma_start3A_242 = arith.constant 0 : i32
      %dma_start3A_243 = tpu.memref_slice %arg2[%add3A, %dma_start3A_241, %dma_start3A_242] : memref<32x80x128xi32, #tpu.memory_space<hbm>> -> memref<1x8x128xi32, #tpu.memory_space<hbm>>
      %dma_start3A_244 = tpu.memref_squeeze %dma_start3A_243 : memref<1x8x128xi32, #tpu.memory_space<hbm>> -> memref<8x128xi32, #tpu.memory_space<hbm>>
      %dma_start3A_245 = arith.constant 0 : i32
      %dma_start3A_246 = arith.constant 0 : i32
      %dma_start3A_247 = tpu.memref_slice %arg2[%add3A, %dma_start3A_245, %dma_start3A_246] : memref<32x80x128xi32, #tpu.memory_space<hbm>> -> memref<1x8x128xi32, #tpu.memory_space<hbm>>
      %dma_start3A_248 = tpu.memref_squeeze %dma_start3A_247 : memref<1x8x128xi32, #tpu.memory_space<hbm>> -> memref<8x128xi32, #tpu.memory_space<hbm>>
      tpu.enqueue_dma source(%dma_start3A_248 : memref<8x128xi32, #tpu.memory_space<hbm>>) target(%arg7 : memref<8x128xi32, #tpu.memory_space<vmem>>) target_semaphore(%run_scoped3A : memref<!tpu.dma_semaphore, #tpu.memory_space<semaphore_mem>>)
      %dma_wait3A_249 = arith.constant 0 : i32
      %dma_wait3A_250 = arith.constant 0 : i32
      %dma_wait3A_251 = tpu.memref_slice %arg2[%add3A, %dma_wait3A_249, %dma_wait3A_250] : memref<32x80x128xi32, #tpu.memory_space<hbm>> -> memref<1x8x128xi32, #tpu.memory_space<hbm>>
      %dma_wait3A_252 = tpu.memref_squeeze %dma_wait3A_251 : memref<1x8x128xi32, #tpu.memory_space<hbm>> -> memref<8x128xi32, #tpu.memory_space<hbm>>
      %dma_wait3A_253 = arith.constant 0 : i32
      %dma_wait3A_254 = arith.constant 0 : i32
      %dma_wait3A_255 = tpu.memref_slice %arg2[%add3A, %dma_wait3A_253, %dma_wait3A_254] : memref<32x80x128xi32, #tpu.memory_space<hbm>> -> memref<1x8x128xi32, #tpu.memory_space<hbm>>
      %dma_wait3A_256 = tpu.memref_squeeze %dma_wait3A_255 : memref<1x8x128xi32, #tpu.memory_space<hbm>> -> memref<8x128xi32, #tpu.memory_space<hbm>>
      tpu.wait_dma2 semaphore(%run_scoped3A : memref<!tpu.dma_semaphore, #tpu.memory_space<semaphore_mem>>) src(%dma_wait3A_256 : memref<8x128xi32, #tpu.memory_space<hbm>>) dst(%arg7 : memref<8x128xi32, #tpu.memory_space<vmem>>)
      tpu.yield
    }) : () -> ()
    "tpu.region"() ({
      %run_scoped3A = tpu.sem_alloc : memref<!tpu.dma_semaphore, #tpu.memory_space<semaphore_mem>>
      %dma_start3A_241 = arith.constant 0 : i32
      %dma_start3A_242 = arith.constant 0 : i32
      %dma_start3A_243 = tpu.memref_slice %arg3[%add3A, %dma_start3A_241, %dma_start3A_242] : memref<32x80x128xi32, #tpu.memory_space<hbm>> -> memref<1x8x128xi32, #tpu.memory_space<hbm>>
      %dma_start3A_244 = tpu.memref_squeeze %dma_start3A_243 : memref<1x8x128xi32, #tpu.memory_space<hbm>> -> memref<8x128xi32, #tpu.memory_space<hbm>>
      %dma_start3A_245 = arith.constant 0 : i32
      %dma_start3A_246 = arith.constant 0 : i32
      %dma_start3A_247 = tpu.memref_slice %arg3[%add3A, %dma_start3A_245, %dma_start3A_246] : memref<32x80x128xi32, #tpu.memory_space<hbm>> -> memref<1x8x128xi32, #tpu.memory_space<hbm>>
      %dma_start3A_248 = tpu.memref_squeeze %dma_start3A_247 : memref<1x8x128xi32, #tpu.memory_space<hbm>> -> memref<8x128xi32, #tpu.memory_space<hbm>>
      tpu.enqueue_dma source(%dma_start3A_248 : memref<8x128xi32, #tpu.memory_space<hbm>>) target(%arg9 : memref<8x128xi32, #tpu.memory_space<vmem>>) target_semaphore(%run_scoped3A : memref<!tpu.dma_semaphore, #tpu.memory_space<semaphore_mem>>)
      %dma_wait3A_249 = arith.constant 0 : i32
      %dma_wait3A_250 = arith.constant 0 : i32
      %dma_wait3A_251 = tpu.memref_slice %arg3[%add3A, %dma_wait3A_249, %dma_wait3A_250] : memref<32x80x128xi32, #tpu.memory_space<hbm>> -> memref<1x8x128xi32, #tpu.memory_space<hbm>>
      %dma_wait3A_252 = tpu.memref_squeeze %dma_wait3A_251 : memref<1x8x128xi32, #tpu.memory_space<hbm>> -> memref<8x128xi32, #tpu.memory_space<hbm>>
      %dma_wait3A_253 = arith.constant 0 : i32
      %dma_wait3A_254 = arith.constant 0 : i32
      %dma_wait3A_255 = tpu.memref_slice %arg3[%add3A, %dma_wait3A_253, %dma_wait3A_254] : memref<32x80x128xi32, #tpu.memory_space<hbm>> -> memref<1x8x128xi32, #tpu.memory_space<hbm>>
      %dma_wait3A_256 = tpu.memref_squeeze %dma_wait3A_255 : memref<1x8x128xi32, #tpu.memory_space<hbm>> -> memref<8x128xi32, #tpu.memory_space<hbm>>
      tpu.wait_dma2 semaphore(%run_scoped3A : memref<!tpu.dma_semaphore, #tpu.memory_space<semaphore_mem>>) src(%dma_wait3A_256 : memref<8x128xi32, #tpu.memory_space<hbm>>) dst(%arg9 : memref<8x128xi32, #tpu.memory_space<vmem>>)
      tpu.yield
    }) : () -> ()
    %dma_start3A = arith.constant 0 : i32
    %dma_start3A_8 = arith.constant 0 : i32
    %dma_start3A_9 = tpu.memref_slice %arg7[%dma_start3A, %dma_start3A_8] : memref<8x128xi32, #tpu.memory_space<vmem>> -> memref<1x128xi32, #tpu.memory_space<vmem>>
    %dma_start3A_10 = tpu.memref_squeeze %dma_start3A_9 : memref<1x128xi32, #tpu.memory_space<vmem>> -> memref<128xi32, #tpu.memory_space<vmem>>
    %dma_start3A_11 = arith.constant 0 : i32
    %dma_start3A_12 = arith.constant 0 : i32
    %dma_start3A_13 = tpu.memref_slice %arg4[%dma_start3A_11, %dma_start3A_12] : memref<10000x128xf32, #tpu.memory_space<hbm>> -> memref<10000x128xf32, #tpu.memory_space<hbm>>
    tpu.enqueue_indirect_dma source(%dma_start3A_13 : memref<10000x128xf32, #tpu.memory_space<hbm>>) target(%arg11 : memref<128x128xf32, #tpu.memory_space<vmem>>) offsets(%dma_start3A_10 : memref<128xi32, #tpu.memory_space<vmem>>) semaphore(%arg17 : memref<!tpu.dma_semaphore, #tpu.memory_space<semaphore_mem>>)
    %scan3A = arith.constant 0 : i32
    %scan3A_14 = arith.constant 0 : i32
    %scan3A_15 = arith.constant 128 : i32
    %scan3A_16 = arith.addi %scan3A_14, %scan3A_15 : i32
    %scan3A_17 = arith.constant 1 : i32
    %scan3A_18 = scf.for %scan3A_241 = %scan3A_14 to %scan3A_16 step %scan3A_17 iter_args(%scan3A_242 = %scan3A) -> (i32)  : i32 {
      %swap3A_243 = arith.index_cast %scan3A_241 : i32 to index
      %swap3A_244 = arith.constant 0 : index
      %swap3A_245 = tpu.vector_load %arg12[%swap3A_243, %swap3A_244] {strides = array<i32>} : memref<128x128xf32, #tpu.memory_space<vmem>>, vector<1x16xf32>,
      %swap3A_246 = vector.shape_cast %swap3A_245 : vector<1x16xf32> to vector<16xf32>
      %swap3A_247 = vector.shape_cast %broadcast_in_dim3A_5 : vector<16xf32> to vector<1x16xf32>
      tpu.vector_store %arg12[%swap3A_243, %swap3A_244], %swap3A_247 {strides = array<i32>} : memref<128x128xf32, #tpu.memory_space<vmem>>, vector<1x16xf32>,
      %swap3A_248 = arith.index_cast %scan3A_241 : i32 to index
      %swap3A_249 = arith.constant 16 : index
      %swap3A_250 = tpu.vector_load %arg12[%swap3A_248, %swap3A_249] {strides = array<i32>} : memref<128x128xf32, #tpu.memory_space<vmem>>, vector<1x16xf32>,
      %swap3A_251 = vector.shape_cast %swap3A_250 : vector<1x16xf32> to vector<16xf32>
      %swap3A_252 = vector.shape_cast %broadcast_in_dim3A_5 : vector<16xf32> to vector<1x16xf32>
      tpu.vector_store %arg12[%swap3A_248, %swap3A_249], %swap3A_252 {strides = array<i32>} : memref<128x128xf32, #tpu.memory_space<vmem>>, vector<1x16xf32>,
      %swap3A_253 = arith.index_cast %scan3A_241 : i32 to index
      %swap3A_254 = arith.constant 32 : index
      %swap3A_255 = tpu.vector_load %arg12[%swap3A_253, %swap3A_254] {strides = array<i32>} : memref<128x128xf32, #tpu.memory_space<vmem>>, vector<1x16xf32>,
      %swap3A_256 = vector.shape_cast %swap3A_255 : vector<1x16xf32> to vector<16xf32>
      %swap3A_257 = vector.shape_cast %broadcast_in_dim3A_5 : vector<16xf32> to vector<1x16xf32>
      tpu.vector_store %arg12[%swap3A_253, %swap3A_254], %swap3A_257 {strides = array<i32>} : memref<128x128xf32, #tpu.memory_space<vmem>>, vector<1x16xf32>,
      %swap3A_258 = arith.index_cast %scan3A_241 : i32 to index
      %swap3A_259 = arith.constant 48 : index
      %swap3A_260 = tpu.vector_load %arg12[%swap3A_258, %swap3A_259] {strides = array<i32>} : memref<128x128xf32, #tpu.memory_space<vmem>>, vector<1x16xf32>,
      %swap3A_261 = vector.shape_cast %swap3A_260 : vector<1x16xf32> to vector<16xf32>
      %swap3A_262 = vector.shape_cast %broadcast_in_dim3A_5 : vector<16xf32> to vector<1x16xf32>
      tpu.vector_store %arg12[%swap3A_258, %swap3A_259], %swap3A_262 {strides = array<i32>} : memref<128x128xf32, #tpu.memory_space<vmem>>, vector<1x16xf32>,
      %swap3A_263 = arith.index_cast %scan3A_241 : i32 to index
      %swap3A_264 = arith.constant 64 : index
      %swap3A_265 = tpu.vector_load %arg12[%swap3A_263, %swap3A_264] {strides = array<i32>} : memref<128x128xf32, #tpu.memory_space<vmem>>, vector<1x16xf32>,
      %swap3A_266 = vector.shape_cast %swap3A_265 : vector<1x16xf32> to vector<16xf32>
      %swap3A_267 = vector.shape_cast %broadcast_in_dim3A_5 : vector<16xf32> to vector<1x16xf32>
      tpu.vector_store %arg12[%swap3A_263, %swap3A_264], %swap3A_267 {strides = array<i32>} : memref<128x128xf32, #tpu.memory_space<vmem>>, vector<1x16xf32>,
      %swap3A_268 = arith.index_cast %scan3A_241 : i32 to index
      %swap3A_269 = arith.constant 80 : index
      %swap3A_270 = tpu.vector_load %arg12[%swap3A_268, %swap3A_269] {strides = array<i32>} : memref<128x128xf32, #tpu.memory_space<vmem>>, vector<1x16xf32>,
      %swap3A_271 = vector.shape_cast %swap3A_270 : vector<1x16xf32> to vector<16xf32>
      %swap3A_272 = vector.shape_cast %broadcast_in_dim3A_5 : vector<16xf32> to vector<1x16xf32>
      tpu.vector_store %arg12[%swap3A_268, %swap3A_269], %swap3A_272 {strides = array<i32>} : memref<128x128xf32, #tpu.memory_space<vmem>>, vector<1x16xf32>,
      %swap3A_273 = arith.index_cast %scan3A_241 : i32 to index
      %swap3A_274 = arith.constant 96 : index
      %swap3A_275 = tpu.vector_load %arg12[%swap3A_273, %swap3A_274] {strides = array<i32>} : memref<128x128xf32, #tpu.memory_space<vmem>>, vector<1x16xf32>,
      %swap3A_276 = vector.shape_cast %swap3A_275 : vector<1x16xf32> to vector<16xf32>
      %swap3A_277 = vector.shape_cast %broadcast_in_dim3A_5 : vector<16xf32> to vector<1x16xf32>
      tpu.vector_store %arg12[%swap3A_273, %swap3A_274], %swap3A_277 {strides = array<i32>} : memref<128x128xf32, #tpu.memory_space<vmem>>, vector<1x16xf32>,
      %swap3A_278 = arith.index_cast %scan3A_241 : i32 to index
      %swap3A_279 = arith.constant 112 : index
      %swap3A_280 = tpu.vector_load %arg12[%swap3A_278, %swap3A_279] {strides = array<i32>} : memref<128x128xf32, #tpu.memory_space<vmem>>, vector<1x16xf32>,
      %swap3A_281 = vector.shape_cast %swap3A_280 : vector<1x16xf32> to vector<16xf32>
      %swap3A_282 = vector.shape_cast %broadcast_in_dim3A_5 : vector<16xf32> to vector<1x16xf32>
      tpu.vector_store %arg12[%swap3A_278, %swap3A_279], %swap3A_282 {strides = array<i32>} : memref<128x128xf32, #tpu.memory_space<vmem>>, vector<1x16xf32>,
      %scan3A_283 = arith.constant 0 : i32
      scf.yield %scan3A_283 : i32
    }
    %scan3A_19 = arith.constant 128 : i32
    %swap3A = arith.constant 0 : index
    %swap3A_20 = tpu.vector_load %arg13[%swap3A] {strides = array<i32>} : memref<128xf32, #tpu.memory_space<vmem>>, vector<16xf32>,
    %swap3A_21 = vector.shape_cast %swap3A_20 : vector<16xf32> to vector<16xf32>
    %swap3A_22 = vector.shape_cast %broadcast_in_dim3A_7 : vector<16xf32> to vector<16xf32>
    tpu.vector_store %arg13[%swap3A], %swap3A_22 {strides = array<i32>} : memref<128xf32, #tpu.memory_space<vmem>>, vector<16xf32>,
    %swap3A_23 = arith.constant 16 : index
    %swap3A_24 = tpu.vector_load %arg13[%swap3A_23] {strides = array<i32>} : memref<128xf32, #tpu.memory_space<vmem>>, vector<16xf32>,
    %swap3A_25 = vector.shape_cast %swap3A_24 : vector<16xf32> to vector<16xf32>
    %swap3A_26 = vector.shape_cast %broadcast_in_dim3A_7 : vector<16xf32> to vector<16xf32>
    tpu.vector_store %arg13[%swap3A_23], %swap3A_26 {strides = array<i32>} : memref<128xf32, #tpu.memory_space<vmem>>, vector<16xf32>,
    %swap3A_27 = arith.constant 32 : index
    %swap3A_28 = tpu.vector_load %arg13[%swap3A_27] {strides = array<i32>} : memref<128xf32, #tpu.memory_space<vmem>>, vector<16xf32>,
    %swap3A_29 = vector.shape_cast %swap3A_28 : vector<16xf32> to vector<16xf32>
    %swap3A_30 = vector.shape_cast %broadcast_in_dim3A_7 : vector<16xf32> to vector<16xf32>
    tpu.vector_store %arg13[%swap3A_27], %swap3A_30 {strides = array<i32>} : memref<128xf32, #tpu.memory_space<vmem>>, vector<16xf32>,
    %swap3A_31 = arith.constant 48 : index
    %swap3A_32 = tpu.vector_load %arg13[%swap3A_31] {strides = array<i32>} : memref<128xf32, #tpu.memory_space<vmem>>, vector<16xf32>,
    %swap3A_33 = vector.shape_cast %swap3A_32 : vector<16xf32> to vector<16xf32>
    %swap3A_34 = vector.shape_cast %broadcast_in_dim3A_7 : vector<16xf32> to vector<16xf32>
    tpu.vector_store %arg13[%swap3A_31], %swap3A_34 {strides = array<i32>} : memref<128xf32, #tpu.memory_space<vmem>>, vector<16xf32>,
    %swap3A_35 = arith.constant 64 : index
    %swap3A_36 = tpu.vector_load %arg13[%swap3A_35] {strides = array<i32>} : memref<128xf32, #tpu.memory_space<vmem>>, vector<16xf32>,
    %swap3A_37 = vector.shape_cast %swap3A_36 : vector<16xf32> to vector<16xf32>
    %swap3A_38 = vector.shape_cast %broadcast_in_dim3A_7 : vector<16xf32> to vector<16xf32>
    tpu.vector_store %arg13[%swap3A_35], %swap3A_38 {strides = array<i32>} : memref<128xf32, #tpu.memory_space<vmem>>, vector<16xf32>,
    %swap3A_39 = arith.constant 80 : index
    %swap3A_40 = tpu.vector_load %arg13[%swap3A_39] {strides = array<i32>} : memref<128xf32, #tpu.memory_space<vmem>>, vector<16xf32>,
    %swap3A_41 = vector.shape_cast %swap3A_40 : vector<16xf32> to vector<16xf32>
    %swap3A_42 = vector.shape_cast %broadcast_in_dim3A_7 : vector<16xf32> to vector<16xf32>
    tpu.vector_store %arg13[%swap3A_39], %swap3A_42 {strides = array<i32>} : memref<128xf32, #tpu.memory_space<vmem>>, vector<16xf32>,
    %swap3A_43 = arith.constant 96 : index
    %swap3A_44 = tpu.vector_load %arg13[%swap3A_43] {strides = array<i32>} : memref<128xf32, #tpu.memory_space<vmem>>, vector<16xf32>,
    %swap3A_45 = vector.shape_cast %swap3A_44 : vector<16xf32> to vector<16xf32>
    %swap3A_46 = vector.shape_cast %broadcast_in_dim3A_7 : vector<16xf32> to vector<16xf32>
    tpu.vector_store %arg13[%swap3A_43], %swap3A_46 {strides = array<i32>} : memref<128xf32, #tpu.memory_space<vmem>>, vector<16xf32>,
    %swap3A_47 = arith.constant 112 : index
    %swap3A_48 = tpu.vector_load %arg13[%swap3A_47] {strides = array<i32>} : memref<128xf32, #tpu.memory_space<vmem>>, vector<16xf32>,
    %swap3A_49 = vector.shape_cast %swap3A_48 : vector<16xf32> to vector<16xf32>
    %swap3A_50 = vector.shape_cast %broadcast_in_dim3A_7 : vector<16xf32> to vector<16xf32>
    tpu.vector_store %arg13[%swap3A_47], %swap3A_50 {strides = array<i32>} : memref<128xf32, #tpu.memory_space<vmem>>, vector<16xf32>,
    %scan3A_51 = arith.constant 0 : i32
    %scan3A_52 = arith.constant 0 : i32
    %scan3A_53 = arith.constant 40 : i32
    %scan3A_54 = arith.addi %scan3A_52, %scan3A_53 : i32
    %scan3A_55 = arith.constant 1 : i32
    %scan3A_56 = scf.for %scan3A_241 = %scan3A_52 to %scan3A_54 step %scan3A_55 iter_args(%scan3A_242 = %scan3A_51) -> (i32)  : i32 {
      %mul3A_243 = arith.constant 16 : i32
      %mul3A_244 = arith.muli %scan3A_241, %mul3A_243 : i32
      %swap3A_245 = arith.index_cast %mul3A_244 : i32 to index
      %swap3A_246 = tpu.vector_load %arg14[%swap3A_245] {strides = array<i32>} : memref<640xf32, #tpu.memory_space<vmem>>, vector<16xf32>,
      %swap3A_247 = vector.shape_cast %swap3A_246 : vector<16xf32> to vector<16xf32>
      %swap3A_248 = vector.shape_cast %broadcast_in_dim3A_5 : vector<16xf32> to vector<16xf32>
      tpu.vector_store %arg14[%swap3A_245], %swap3A_248 {strides = array<i32>} : memref<640xf32, #tpu.memory_space<vmem>>, vector<16xf32>,
      %scan3A_249 = arith.constant 0 : i32
      scf.yield %scan3A_249 : i32
    }
    %scan3A_57 = arith.constant 40 : i32
    %add3A_58 = arith.constant 0 : i32
    %add3A_59 = arith.addi %mul3A_2, %add3A_58 : i32
    %dma_start3A_60 = arith.constant 0 : i32
    %dma_start3A_61 = tpu.memref_slice %arg15[%add3A_59, %dma_start3A_60] : memref<10112x128xf32, #tpu.memory_space<vmem_shared>> -> memref<128x128xf32, #tpu.memory_space<vmem_shared>>
    %dma_start3A_62 = arith.constant 0 : i32
    %dma_start3A_63 = tpu.memref_slice %arg15[%add3A_59, %dma_start3A_62] : memref<10112x128xf32, #tpu.memory_space<vmem_shared>> -> memref<128x128xf32, #tpu.memory_space<vmem_shared>>
    tpu.enqueue_dma source(%arg12 : memref<128x128xf32, #tpu.memory_space<vmem>>) target(%dma_start3A_63 : memref<128x128xf32, #tpu.memory_space<vmem_shared>>) target_semaphore(%arg23 : memref<!tpu.dma_semaphore, #tpu.memory_space<semaphore_mem>>)
    %add3A_64 = arith.constant 128 : i32
    %add3A_65 = arith.addi %mul3A_2, %add3A_64 : i32
    %dma_start3A_66 = arith.constant 0 : i32
    %dma_start3A_67 = tpu.memref_slice %arg15[%add3A_65, %dma_start3A_66] : memref<10112x128xf32, #tpu.memory_space<vmem_shared>> -> memref<128x128xf32, #tpu.memory_space<vmem_shared>>
    %dma_start3A_68 = arith.constant 0 : i32
    %dma_start3A_69 = tpu.memref_slice %arg15[%add3A_65, %dma_start3A_68] : memref<10112x128xf32, #tpu.memory_space<vmem_shared>> -> memref<128x128xf32, #tpu.memory_space<vmem_shared>>
    tpu.enqueue_dma source(%arg12 : memref<128x128xf32, #tpu.memory_space<vmem>>) target(%dma_start3A_69 : memref<128x128xf32, #tpu.memory_space<vmem_shared>>) target_semaphore(%arg23 : memref<!tpu.dma_semaphore, #tpu.memory_space<semaphore_mem>>)
    %add3A_70 = arith.constant 256 : i32
    %add3A_71 = arith.addi %mul3A_2, %add3A_70 : i32
    %dma_start3A_72 = arith.constant 0 : i32
    %dma_start3A_73 = tpu.memref_slice %arg15[%add3A_71, %dma_start3A_72] : memref<10112x128xf32, #tpu.memory_space<vmem_shared>> -> memref<128x128xf32, #tpu.memory_space<vmem_shared>>
    %dma_start3A_74 = arith.constant 0 : i32
    %dma_start3A_75 = tpu.memref_slice %arg15[%add3A_71, %dma_start3A_74] : memref<10112x128xf32, #tpu.memory_space<vmem_shared>> -> memref<128x128xf32, #tpu.memory_space<vmem_shared>>
    tpu.enqueue_dma source(%arg12 : memref<128x128xf32, #tpu.memory_space<vmem>>) target(%dma_start3A_75 : memref<128x128xf32, #tpu.memory_space<vmem_shared>>) target_semaphore(%arg23 : memref<!tpu.dma_semaphore, #tpu.memory_space<semaphore_mem>>)
    %add3A_76 = arith.constant 384 : i32
    %add3A_77 = arith.addi %mul3A_2, %add3A_76 : i32
    %dma_start3A_78 = arith.constant 0 : i32
    %dma_start3A_79 = tpu.memref_slice %arg15[%add3A_77, %dma_start3A_78] : memref<10112x128xf32, #tpu.memory_space<vmem_shared>> -> memref<128x128xf32, #tpu.memory_space<vmem_shared>>
    %dma_start3A_80 = arith.constant 0 : i32
    %dma_start3A_81 = tpu.memref_slice %arg15[%add3A_77, %dma_start3A_80] : memref<10112x128xf32, #tpu.memory_space<vmem_shared>> -> memref<128x128xf32, #tpu.memory_space<vmem_shared>>
    tpu.enqueue_dma source(%arg12 : memref<128x128xf32, #tpu.memory_space<vmem>>) target(%dma_start3A_81 : memref<128x128xf32, #tpu.memory_space<vmem_shared>>) target_semaphore(%arg23 : memref<!tpu.dma_semaphore, #tpu.memory_space<semaphore_mem>>)
    %add3A_82 = arith.constant 512 : i32
    %add3A_83 = arith.addi %mul3A_2, %add3A_82 : i32
    %dma_start3A_84 = arith.constant 0 : i32
    %dma_start3A_85 = arith.constant 0 : i32
    %dma_start3A_86 = tpu.memref_slice %arg12[%dma_start3A_84, %dma_start3A_85] : memref<128x128xf32, #tpu.memory_space<vmem>> -> memref<120x128xf32, #tpu.memory_space<vmem>>
    %dma_start3A_87 = arith.constant 0 : i32
    %dma_start3A_88 = tpu.memref_slice %arg15[%add3A_83, %dma_start3A_87] : memref<10112x128xf32, #tpu.memory_space<vmem_shared>> -> memref<120x128xf32, #tpu.memory_space<vmem_shared>>
    %dma_start3A_89 = arith.constant 0 : i32
    %dma_start3A_90 = tpu.memref_slice %arg15[%add3A_83, %dma_start3A_89] : memref<10112x128xf32, #tpu.memory_space<vmem_shared>> -> memref<120x128xf32, #tpu.memory_space<vmem_shared>>
    %dma_start3A_91 = arith.constant 0 : i32
    %dma_start3A_92 = arith.constant 0 : i32
    %dma_start3A_93 = tpu.memref_slice %arg12[%dma_start3A_91, %dma_start3A_92] : memref<128x128xf32, #tpu.memory_space<vmem>> -> memref<120x128xf32, #tpu.memory_space<vmem>>
    tpu.enqueue_dma source(%dma_start3A_93 : memref<120x128xf32, #tpu.memory_space<vmem>>) target(%dma_start3A_90 : memref<120x128xf32, #tpu.memory_space<vmem_shared>>) target_semaphore(%arg23 : memref<!tpu.dma_semaphore, #tpu.memory_space<semaphore_mem>>)
    %dma_start3A_94 = tpu.memref_slice %arg16[%mul3A_4] : memref<10240xf32, #tpu.memory_space<vmem_shared>> -> memref<640xf32, #tpu.memory_space<vmem_shared>>
    %dma_start3A_95 = tpu.memref_slice %arg16[%mul3A_4] : memref<10240xf32, #tpu.memory_space<vmem_shared>> -> memref<640xf32, #tpu.memory_space<vmem_shared>>
    tpu.enqueue_dma source(%arg14 : memref<640xf32, #tpu.memory_space<vmem>>) target(%dma_start3A_95 : memref<640xf32, #tpu.memory_space<vmem_shared>>) target_semaphore(%arg23 : memref<!tpu.dma_semaphore, #tpu.memory_space<semaphore_mem>>)
    %dma_wait3A = arith.constant 0 : i32
    %dma_wait3A_96 = tpu.memref_slice %arg15[%add3A_59, %dma_wait3A] : memref<10112x128xf32, #tpu.memory_space<vmem_shared>> -> memref<128x128xf32, #tpu.memory_space<vmem_shared>>
    %dma_wait3A_97 = arith.constant 0 : i32
    %dma_wait3A_98 = tpu.memref_slice %arg15[%add3A_59, %dma_wait3A_97] : memref<10112x128xf32, #tpu.memory_space<vmem_shared>> -> memref<128x128xf32, #tpu.memory_space<vmem_shared>>
    tpu.wait_dma2 semaphore(%arg23 : memref<!tpu.dma_semaphore, #tpu.memory_space<semaphore_mem>>) src(%arg12 : memref<128x128xf32, #tpu.memory_space<vmem>>) dst(%dma_wait3A_98 : memref<128x128xf32, #tpu.memory_space<vmem_shared>>)
    %dma_wait3A_99 = arith.constant 0 : i32
    %dma_wait3A_100 = tpu.memref_slice %arg15[%add3A_65, %dma_wait3A_99] : memref<10112x128xf32, #tpu.memory_space<vmem_shared>> -> memref<128x128xf32, #tpu.memory_space<vmem_shared>>
    %dma_wait3A_101 = arith.constant 0 : i32
    %dma_wait3A_102 = tpu.memref_slice %arg15[%add3A_65, %dma_wait3A_101] : memref<10112x128xf32, #tpu.memory_space<vmem_shared>> -> memref<128x128xf32, #tpu.memory_space<vmem_shared>>
    tpu.wait_dma2 semaphore(%arg23 : memref<!tpu.dma_semaphore, #tpu.memory_space<semaphore_mem>>) src(%arg12 : memref<128x128xf32, #tpu.memory_space<vmem>>) dst(%dma_wait3A_102 : memref<128x128xf32, #tpu.memory_space<vmem_shared>>)
    %dma_wait3A_103 = arith.constant 0 : i32
    %dma_wait3A_104 = tpu.memref_slice %arg15[%add3A_71, %dma_wait3A_103] : memref<10112x128xf32, #tpu.memory_space<vmem_shared>> -> memref<128x128xf32, #tpu.memory_space<vmem_shared>>
    %dma_wait3A_105 = arith.constant 0 : i32
    %dma_wait3A_106 = tpu.memref_slice %arg15[%add3A_71, %dma_wait3A_105] : memref<10112x128xf32, #tpu.memory_space<vmem_shared>> -> memref<128x128xf32, #tpu.memory_space<vmem_shared>>
    tpu.wait_dma2 semaphore(%arg23 : memref<!tpu.dma_semaphore, #tpu.memory_space<semaphore_mem>>) src(%arg12 : memref<128x128xf32, #tpu.memory_space<vmem>>) dst(%dma_wait3A_106 : memref<128x128xf32, #tpu.memory_space<vmem_shared>>)
    %dma_wait3A_107 = arith.constant 0 : i32
    %dma_wait3A_108 = tpu.memref_slice %arg15[%add3A_77, %dma_wait3A_107] : memref<10112x128xf32, #tpu.memory_space<vmem_shared>> -> memref<128x128xf32, #tpu.memory_space<vmem_shared>>
    %dma_wait3A_109 = arith.constant 0 : i32
    %dma_wait3A_110 = tpu.memref_slice %arg15[%add3A_77, %dma_wait3A_109] : memref<10112x128xf32, #tpu.memory_space<vmem_shared>> -> memref<128x128xf32, #tpu.memory_space<vmem_shared>>
    tpu.wait_dma2 semaphore(%arg23 : memref<!tpu.dma_semaphore, #tpu.memory_space<semaphore_mem>>) src(%arg12 : memref<128x128xf32, #tpu.memory_space<vmem>>) dst(%dma_wait3A_110 : memref<128x128xf32, #tpu.memory_space<vmem_shared>>)
    %dma_wait3A_111 = arith.constant 0 : i32
    %dma_wait3A_112 = arith.constant 0 : i32
    %dma_wait3A_113 = tpu.memref_slice %arg12[%dma_wait3A_111, %dma_wait3A_112] : memref<128x128xf32, #tpu.memory_space<vmem>> -> memref<120x128xf32, #tpu.memory_space<vmem>>
    %dma_wait3A_114 = arith.constant 0 : i32
    %dma_wait3A_115 = tpu.memref_slice %arg15[%add3A_83, %dma_wait3A_114] : memref<10112x128xf32, #tpu.memory_space<vmem_shared>> -> memref<120x128xf32, #tpu.memory_space<vmem_shared>>
    %dma_wait3A_116 = arith.constant 0 : i32
    %dma_wait3A_117 = tpu.memref_slice %arg15[%add3A_83, %dma_wait3A_116] : memref<10112x128xf32, #tpu.memory_space<vmem_shared>> -> memref<120x128xf32, #tpu.memory_space<vmem_shared>>
    %dma_wait3A_118 = arith.constant 0 : i32
    %dma_wait3A_119 = arith.constant 0 : i32
    %dma_wait3A_120 = tpu.memref_slice %arg12[%dma_wait3A_118, %dma_wait3A_119] : memref<128x128xf32, #tpu.memory_space<vmem>> -> memref<120x128xf32, #tpu.memory_space<vmem>>
    tpu.wait_dma2 semaphore(%arg23 : memref<!tpu.dma_semaphore, #tpu.memory_space<semaphore_mem>>) src(%dma_wait3A_120 : memref<120x128xf32, #tpu.memory_space<vmem>>) dst(%dma_wait3A_117 : memref<120x128xf32, #tpu.memory_space<vmem_shared>>)
    %dma_wait3A_121 = tpu.memref_slice %arg16[%mul3A_4] : memref<10240xf32, #tpu.memory_space<vmem_shared>> -> memref<640xf32, #tpu.memory_space<vmem_shared>>
    %dma_wait3A_122 = tpu.memref_slice %arg16[%mul3A_4] : memref<10240xf32, #tpu.memory_space<vmem_shared>> -> memref<640xf32, #tpu.memory_space<vmem_shared>>
    tpu.wait_dma2 semaphore(%arg23 : memref<!tpu.dma_semaphore, #tpu.memory_space<semaphore_mem>>) src(%arg14 : memref<640xf32, #tpu.memory_space<vmem>>) dst(%dma_wait3A_122 : memref<640xf32, #tpu.memory_space<vmem_shared>>)
    %barrier3A = arith.constant 0 : index
    tpu.barrier barrier_id(%barrier3A)
    %scan3A_123 = arith.constant 0 : i32
    %scan3A_124 = arith.constant 0 : i32
    %scan3A_125 = arith.constant 5 : i32
    %scan3A_126 = arith.addi %scan3A_124, %scan3A_125 : i32
    %scan3A_127 = arith.constant 1 : i32
    %scan3A_128 = scf.for %scan3A_241 = %scan3A_124 to %scan3A_126 step %scan3A_127 iter_args(%scan3A_242 = %scan3A_123) -> (i32)  : i32 {
      %mul3A_243 = arith.constant 2 : i32
      %mul3A_244 = arith.muli %scan3A_241, %mul3A_243 : i32
      %add3A_245 = arith.constant 0 : i32
      %add3A_246 = arith.addi %mul3A_244, %add3A_245 : i32
      %gt3A = arith.constant 0 : i32
      %gt3A_247 = arith.cmpi sgt, %scan3A_241, %gt3A : i32
      %convert_element_type3A = arith.extui %gt3A_247 : i1 to i32
      %cond3A = arith.constant 0 : i32
      %cond3A_248 = arith.cmpi ne, %convert_element_type3A, %cond3A : i32
      scf.if %cond3A_248 {
        %dma_wait3A_789 = arith.constant 0 : i32
        %dma_wait3A_790 = arith.constant 0 : i32
        %dma_wait3A_791 = tpu.memref_slice %arg10[%dma_wait3A_789, %dma_wait3A_790] : memref<8x128xi32, #tpu.memory_space<vmem>> -> memref<1x128xi32, #tpu.memory_space<vmem>>
        %dma_wait3A_792 = tpu.memref_squeeze %dma_wait3A_791 : memref<1x128xi32, #tpu.memory_space<vmem>> -> memref<128xi32, #tpu.memory_space<vmem>>
        %dma_wait3A_793 = arith.constant 0 : i32
        %dma_wait3A_794 = arith.constant 0 : i32
        %dma_wait3A_795 = tpu.memref_slice %arg15[%dma_wait3A_793, %dma_wait3A_794] : memref<10112x128xf32, #tpu.memory_space<vmem_shared>> -> memref<10112x128xf32, #tpu.memory_space<vmem_shared>>
        tpu.wait_indirect_dma semaphore(%arg20 : memref<!tpu.dma_semaphore, #tpu.memory_space<semaphore_mem>>) src(%arg12 : memref<128x128xf32, #tpu.memory_space<vmem>>) dst(%dma_wait3A_795 : memref<10112x128xf32, #tpu.memory_space<vmem_shared>>)
        %dma_wait3A_796 = arith.constant 0 : i32
        %dma_wait3A_797 = arith.constant 0 : i32
        %dma_wait3A_798 = tpu.memref_slice %arg10[%dma_wait3A_796, %dma_wait3A_797] : memref<8x128xi32, #tpu.memory_space<vmem>> -> memref<1x128xi32, #tpu.memory_space<vmem>>
        %dma_wait3A_799 = tpu.memref_squeeze %dma_wait3A_798 : memref<1x128xi32, #tpu.memory_space<vmem>> -> memref<128xi32, #tpu.memory_space<vmem>>
        %dma_wait3A_800 = arith.constant 0 : i32
        %dma_wait3A_801 = tpu.memref_slice %arg16[%dma_wait3A_800] : memref<10240xf32, #tpu.memory_space<vmem_shared>> -> memref<10240xf32, #tpu.memory_space<vmem_shared>>
        tpu.wait_indirect_dma semaphore(%arg21 : memref<!tpu.dma_semaphore, #tpu.memory_space<semaphore_mem>>) src(%arg13 : memref<128xf32, #tpu.memory_space<vmem>>) dst(%dma_wait3A_801 : memref<10240xf32, #tpu.memory_space<vmem_shared>>)
        %dma_wait3A_802 = arith.constant 0 : i32
        %dma_wait3A_803 = arith.constant 0 : i32
        %dma_wait3A_804 = tpu.memref_slice %arg10[%dma_wait3A_802, %dma_wait3A_803] : memref<8x128xi32, #tpu.memory_space<vmem>> -> memref<1x128xi32, #tpu.memory_space<vmem>>
        %dma_wait3A_805 = tpu.memref_squeeze %dma_wait3A_804 : memref<1x128xi32, #tpu.memory_space<vmem>> -> memref<128xi32, #tpu.memory_space<vmem>>
        %dma_wait3A_806 = arith.constant 0 : i32
        %dma_wait3A_807 = tpu.memref_slice %arg16[%dma_wait3A_806] : memref<10240xf32, #tpu.memory_space<vmem_shared>> -> memref<10240xf32, #tpu.memory_space<vmem_shared>>
        tpu.wait_indirect_dma semaphore(%arg21 : memref<!tpu.dma_semaphore, #tpu.memory_space<semaphore_mem>>) src(%arg13 : memref<128xf32, #tpu.memory_space<vmem>>) dst(%dma_wait3A_807 : memref<10240xf32, #tpu.memory_space<vmem_shared>>)
        %dma_wait3A_808 = arith.constant 0 : i32
        %dma_wait3A_809 = arith.constant 0 : i32
        %dma_wait3A_810 = tpu.memref_slice %arg10[%dma_wait3A_808, %dma_wait3A_809] : memref<8x128xi32, #tpu.memory_space<vmem>> -> memref<1x128xi32, #tpu.memory_space<vmem>>
        %dma_wait3A_811 = tpu.memref_squeeze %dma_wait3A_810 : memref<1x128xi32, #tpu.memory_space<vmem>> -> memref<128xi32, #tpu.memory_space<vmem>>
        %dma_wait3A_812 = arith.constant 0 : i32
        %dma_wait3A_813 = tpu.memref_slice %arg16[%dma_wait3A_812] : memref<10240xf32, #tpu.memory_space<vmem_shared>> -> memref<10240xf32, #tpu.memory_space<vmem_shared>>
        tpu.wait_indirect_dma semaphore(%arg21 : memref<!tpu.dma_semaphore, #tpu.memory_space<semaphore_mem>>) src(%arg13 : memref<128xf32, #tpu.memory_space<vmem>>) dst(%dma_wait3A_813 : memref<10240xf32, #tpu.memory_space<vmem_shared>>)
        %dma_wait3A_814 = arith.constant 0 : i32
        %dma_wait3A_815 = arith.constant 0 : i32
        %dma_wait3A_816 = tpu.memref_slice %arg10[%dma_wait3A_814, %dma_wait3A_815] : memref<8x128xi32, #tpu.memory_space<vmem>> -> memref<1x128xi32, #tpu.memory_space<vmem>>
        %dma_wait3A_817 = tpu.memref_squeeze %dma_wait3A_816 : memref<1x128xi32, #tpu.memory_space<vmem>> -> memref<128xi32, #tpu.memory_space<vmem>>
        %dma_wait3A_818 = arith.constant 0 : i32
        %dma_wait3A_819 = tpu.memref_slice %arg16[%dma_wait3A_818] : memref<10240xf32, #tpu.memory_space<vmem_shared>> -> memref<10240xf32, #tpu.memory_space<vmem_shared>>
        tpu.wait_indirect_dma semaphore(%arg21 : memref<!tpu.dma_semaphore, #tpu.memory_space<semaphore_mem>>) src(%arg13 : memref<128xf32, #tpu.memory_space<vmem>>) dst(%dma_wait3A_819 : memref<10240xf32, #tpu.memory_space<vmem_shared>>)
        %dma_wait3A_820 = arith.constant 0 : i32
        %dma_wait3A_821 = arith.constant 0 : i32
        %dma_wait3A_822 = tpu.memref_slice %arg10[%dma_wait3A_820, %dma_wait3A_821] : memref<8x128xi32, #tpu.memory_space<vmem>> -> memref<1x128xi32, #tpu.memory_space<vmem>>
        %dma_wait3A_823 = tpu.memref_squeeze %dma_wait3A_822 : memref<1x128xi32, #tpu.memory_space<vmem>> -> memref<128xi32, #tpu.memory_space<vmem>>
        %dma_wait3A_824 = arith.constant 0 : i32
        %dma_wait3A_825 = tpu.memref_slice %arg16[%dma_wait3A_824] : memref<10240xf32, #tpu.memory_space<vmem_shared>> -> memref<10240xf32, #tpu.memory_space<vmem_shared>>
        tpu.wait_indirect_dma semaphore(%arg21 : memref<!tpu.dma_semaphore, #tpu.memory_space<semaphore_mem>>) src(%arg13 : memref<128xf32, #tpu.memory_space<vmem>>) dst(%dma_wait3A_825 : memref<10240xf32, #tpu.memory_space<vmem_shared>>)
        %dma_wait3A_826 = arith.constant 0 : i32
        %dma_wait3A_827 = arith.constant 0 : i32
        %dma_wait3A_828 = tpu.memref_slice %arg10[%dma_wait3A_826, %dma_wait3A_827] : memref<8x128xi32, #tpu.memory_space<vmem>> -> memref<1x128xi32, #tpu.memory_space<vmem>>
        %dma_wait3A_829 = tpu.memref_squeeze %dma_wait3A_828 : memref<1x128xi32, #tpu.memory_space<vmem>> -> memref<128xi32, #tpu.memory_space<vmem>>
        %dma_wait3A_830 = arith.constant 0 : i32
        %dma_wait3A_831 = tpu.memref_slice %arg16[%dma_wait3A_830] : memref<10240xf32, #tpu.memory_space<vmem_shared>> -> memref<10240xf32, #tpu.memory_space<vmem_shared>>
        tpu.wait_indirect_dma semaphore(%arg21 : memref<!tpu.dma_semaphore, #tpu.memory_space<semaphore_mem>>) src(%arg13 : memref<128xf32, #tpu.memory_space<vmem>>) dst(%dma_wait3A_831 : memref<10240xf32, #tpu.memory_space<vmem_shared>>)
        %dma_wait3A_832 = arith.constant 0 : i32
        %dma_wait3A_833 = arith.constant 0 : i32
        %dma_wait3A_834 = tpu.memref_slice %arg10[%dma_wait3A_832, %dma_wait3A_833] : memref<8x128xi32, #tpu.memory_space<vmem>> -> memref<1x128xi32, #tpu.memory_space<vmem>>
        %dma_wait3A_835 = tpu.memref_squeeze %dma_wait3A_834 : memref<1x128xi32, #tpu.memory_space<vmem>> -> memref<128xi32, #tpu.memory_space<vmem>>
        %dma_wait3A_836 = arith.constant 0 : i32
        %dma_wait3A_837 = tpu.memref_slice %arg16[%dma_wait3A_836] : memref<10240xf32, #tpu.memory_space<vmem_shared>> -> memref<10240xf32, #tpu.memory_space<vmem_shared>>
        tpu.wait_indirect_dma semaphore(%arg21 : memref<!tpu.dma_semaphore, #tpu.memory_space<semaphore_mem>>) src(%arg13 : memref<128xf32, #tpu.memory_space<vmem>>) dst(%dma_wait3A_837 : memref<10240xf32, #tpu.memory_space<vmem_shared>>)
        %dma_wait3A_838 = arith.constant 0 : i32
        %dma_wait3A_839 = arith.constant 0 : i32
        %dma_wait3A_840 = tpu.memref_slice %arg10[%dma_wait3A_838, %dma_wait3A_839] : memref<8x128xi32, #tpu.memory_space<vmem>> -> memref<1x128xi32, #tpu.memory_space<vmem>>
        %dma_wait3A_841 = tpu.memref_squeeze %dma_wait3A_840 : memref<1x128xi32, #tpu.memory_space<vmem>> -> memref<128xi32, #tpu.memory_space<vmem>>
        %dma_wait3A_842 = arith.constant 0 : i32
        %dma_wait3A_843 = tpu.memref_slice %arg16[%dma_wait3A_842] : memref<10240xf32, #tpu.memory_space<vmem_shared>> -> memref<10240xf32, #tpu.memory_space<vmem_shared>>
        tpu.wait_indirect_dma semaphore(%arg21 : memref<!tpu.dma_semaphore, #tpu.memory_space<semaphore_mem>>) src(%arg13 : memref<128xf32, #tpu.memory_space<vmem>>) dst(%dma_wait3A_843 : memref<10240xf32, #tpu.memory_space<vmem_shared>>)
      } else {
      }
      %lt3A = arith.constant 9 : i32
      %lt3A_249 = arith.cmpi slt, %add3A_246, %lt3A : i32
      %convert_element_type3A_250 = arith.extui %lt3A_249 : i1 to i32
      %cond3A_251 = arith.constant 0 : i32
      %cond3A_252 = arith.cmpi ne, %convert_element_type3A_250, %cond3A_251 : i32
      scf.if %cond3A_252 {
        %add3A_789 = arith.constant 1 : i32
        %add3A_790 = arith.addi %add3A_246, %add3A_789 : i32
        %mul3A_791 = arith.constant 8 : i32
        %mul3A_792 = arith.muli %add3A_790, %mul3A_791 : i32
        %dma_start3A_793 = arith.constant 0 : i32
        %dma_start3A_794 = tpu.memref_slice %arg2[%add3A, %mul3A_792, %dma_start3A_793] : memref<32x80x128xi32, #tpu.memory_space<hbm>> -> memref<1x8x128xi32, #tpu.memory_space<hbm>>
        %dma_start3A_795 = tpu.memref_squeeze %dma_start3A_794 : memref<1x8x128xi32, #tpu.memory_space<hbm>> -> memref<8x128xi32, #tpu.memory_space<hbm>>
        %dma_start3A_796 = arith.constant 0 : i32
        %dma_start3A_797 = tpu.memref_slice %arg2[%add3A, %mul3A_792, %dma_start3A_796] : memref<32x80x128xi32, #tpu.memory_space<hbm>> -> memref<1x8x128xi32, #tpu.memory_space<hbm>>
        %dma_start3A_798 = tpu.memref_squeeze %dma_start3A_797 : memref<1x8x128xi32, #tpu.memory_space<hbm>> -> memref<8x128xi32, #tpu.memory_space<hbm>>
        tpu.enqueue_dma source(%dma_start3A_798 : memref<8x128xi32, #tpu.memory_space<hbm>>) target(%arg8 : memref<8x128xi32, #tpu.memory_space<vmem>>) target_semaphore(%arg22 : memref<!tpu.dma_semaphore, #tpu.memory_space<semaphore_mem>>)
        %add3A_799 = arith.constant 1 : i32
        %add3A_800 = arith.addi %add3A_246, %add3A_799 : i32
        %mul3A_801 = arith.constant 8 : i32
        %mul3A_802 = arith.muli %add3A_800, %mul3A_801 : i32
        %dma_start3A_803 = arith.constant 0 : i32
        %dma_start3A_804 = tpu.memref_slice %arg3[%add3A, %mul3A_802, %dma_start3A_803] : memref<32x80x128xi32, #tpu.memory_space<hbm>> -> memref<1x8x128xi32, #tpu.memory_space<hbm>>
        %dma_start3A_805 = tpu.memref_squeeze %dma_start3A_804 : memref<1x8x128xi32, #tpu.memory_space<hbm>> -> memref<8x128xi32, #tpu.memory_space<hbm>>
        %dma_start3A_806 = arith.constant 0 : i32
        %dma_start3A_807 = tpu.memref_slice %arg3[%add3A, %mul3A_802, %dma_start3A_806] : memref<32x80x128xi32, #tpu.memory_space<hbm>> -> memref<1x8x128xi32, #tpu.memory_space<hbm>>
        %dma_start3A_808 = tpu.memref_squeeze %dma_start3A_807 : memref<1x8x128xi32, #tpu.memory_space<hbm>> -> memref<8x128xi32, #tpu.memory_space<hbm>>
        tpu.enqueue_dma source(%dma_start3A_808 : memref<8x128xi32, #tpu.memory_space<hbm>>) target(%arg10 : memref<8x128xi32, #tpu.memory_space<vmem>>) target_semaphore(%arg22 : memref<!tpu.dma_semaphore, #tpu.memory_space<semaphore_mem>>)
      } else {
      }
      %dma_wait3A_253 = arith.constant 0 : i32
      %dma_wait3A_254 = arith.constant 0 : i32
      %dma_wait3A_255 = tpu.memref_slice %arg7[%dma_wait3A_253, %dma_wait3A_254] : memref<8x128xi32, #tpu.memory_space<vmem>> -> memref<1x128xi32, #tpu.memory_space<vmem>>
      %dma_wait3A_256 = tpu.memref_squeeze %dma_wait3A_255 : memref<1x128xi32, #tpu.memory_space<vmem>> -> memref<128xi32, #tpu.memory_space<vmem>>
      %dma_wait3A_257 = arith.constant 0 : i32
      %dma_wait3A_258 = arith.constant 0 : i32
      %dma_wait3A_259 = tpu.memref_slice %arg4[%dma_wait3A_257, %dma_wait3A_258] : memref<10000x128xf32, #tpu.memory_space<hbm>> -> memref<10000x128xf32, #tpu.memory_space<hbm>>
      tpu.wait_indirect_dma semaphore(%arg17 : memref<!tpu.dma_semaphore, #tpu.memory_space<semaphore_mem>>) src(%dma_wait3A_259 : memref<10000x128xf32, #tpu.memory_space<hbm>>) dst(%arg11 : memref<128x128xf32, #tpu.memory_space<vmem>>)
      %dma_start3A_260 = arith.constant 0 : i32
      %dma_start3A_261 = arith.constant 0 : i32
      %dma_start3A_262 = tpu.memref_slice %arg9[%dma_start3A_260, %dma_start3A_261] : memref<8x128xi32, #tpu.memory_space<vmem>> -> memref<1x128xi32, #tpu.memory_space<vmem>>
      %dma_start3A_263 = tpu.memref_squeeze %dma_start3A_262 : memref<1x128xi32, #tpu.memory_space<vmem>> -> memref<128xi32, #tpu.memory_space<vmem>>
      %dma_start3A_264 = arith.constant 0 : i32
      %dma_start3A_265 = tpu.memref_slice %arg16[%dma_start3A_264] : memref<10240xf32, #tpu.memory_space<vmem_shared>> -> memref<10240xf32, #tpu.memory_space<vmem_shared>>
      tpu.enqueue_indirect_dma source(%arg13 : memref<128xf32, #tpu.memory_space<vmem>>) target(%dma_start3A_265 : memref<10240xf32, #tpu.memory_space<vmem_shared>>) offsets(%dma_start3A_263 : memref<128xi32, #tpu.memory_space<vmem>>) semaphore(%arg21 : memref<!tpu.dma_semaphore, #tpu.memory_space<semaphore_mem>>) {add = true}
      %dma_start3A_266 = arith.constant 0 : i32
      %dma_start3A_267 = arith.constant 0 : i32
      %dma_start3A_268 = tpu.memref_slice %arg9[%dma_start3A_266, %dma_start3A_267] : memref<8x128xi32, #tpu.memory_space<vmem>> -> memref<1x128xi32, #tpu.memory_space<vmem>>
      %dma_start3A_269 = tpu.memref_squeeze %dma_start3A_268 : memref<1x128xi32, #tpu.memory_space<vmem>> -> memref<128xi32, #tpu.memory_space<vmem>>
      %dma_start3A_270 = arith.constant 0 : i32
      %dma_start3A_271 = arith.constant 0 : i32
      %dma_start3A_272 = tpu.memref_slice %arg15[%dma_start3A_270, %dma_start3A_271] : memref<10112x128xf32, #tpu.memory_space<vmem_shared>> -> memref<10112x128xf32, #tpu.memory_space<vmem_shared>>
      tpu.enqueue_indirect_dma source(%arg11 : memref<128x128xf32, #tpu.memory_space<vmem>>) target(%dma_start3A_272 : memref<10112x128xf32, #tpu.memory_space<vmem_shared>>) offsets(%dma_start3A_269 : memref<128xi32, #tpu.memory_space<vmem>>) semaphore(%arg19 : memref<!tpu.dma_semaphore, #tpu.memory_space<semaphore_mem>>) {add = true}
      %dma_start3A_273 = arith.constant 1 : i32
      %dma_start3A_274 = arith.constant 0 : i32
      %dma_start3A_275 = tpu.memref_slice %arg7[%dma_start3A_273, %dma_start3A_274] : memref<8x128xi32, #tpu.memory_space<vmem>> -> memref<1x128xi32, #tpu.memory_space<vmem>>
      %dma_start3A_276 = tpu.memref_squeeze %dma_start3A_275 : memref<1x128xi32, #tpu.memory_space<vmem>> -> memref<128xi32, #tpu.memory_space<vmem>>
      %dma_start3A_277 = arith.constant 0 : i32
      %dma_start3A_278 = arith.constant 0 : i32
      %dma_start3A_279 = tpu.memref_slice %arg4[%dma_start3A_277, %dma_start3A_278] : memref<10000x128xf32, #tpu.memory_space<hbm>> -> memref<10000x128xf32, #tpu.memory_space<hbm>>
      tpu.enqueue_indirect_dma source(%dma_start3A_279 : memref<10000x128xf32, #tpu.memory_space<hbm>>) target(%arg12 : memref<128x128xf32, #tpu.memory_space<vmem>>) offsets(%dma_start3A_276 : memref<128xi32, #tpu.memory_space<vmem>>) semaphore(%arg18 : memref<!tpu.dma_semaphore, #tpu.memory_space<semaphore_mem>>)
      %dma_wait3A_280 = arith.constant 1 : i32
      %dma_wait3A_281 = arith.constant 0 : i32
      %dma_wait3A_282 = tpu.memref_slice %arg7[%dma_wait3A_280, %dma_wait3A_281] : memref<8x128xi32, #tpu.memory_space<vmem>> -> memref<1x128xi32, #tpu.memory_space<vmem>>
      %dma_wait3A_283 = tpu.memref_squeeze %dma_wait3A_282 : memref<1x128xi32, #tpu.memory_space<vmem>> -> memref<128xi32, #tpu.memory_space<vmem>>
      %dma_wait3A_284 = arith.constant 0 : i32
      %dma_wait3A_285 = arith.constant 0 : i32
      %dma_wait3A_286 = tpu.memref_slice %arg4[%dma_wait3A_284, %dma_wait3A_285] : memref<10000x128xf32, #tpu.memory_space<hbm>> -> memref<10000x128xf32, #tpu.memory_space<hbm>>
      tpu.wait_indirect_dma semaphore(%arg18 : memref<!tpu.dma_semaphore, #tpu.memory_space<semaphore_mem>>) src(%dma_wait3A_286 : memref<10000x128xf32, #tpu.memory_space<hbm>>) dst(%arg12 : memref<128x128xf32, #tpu.memory_space<vmem>>)
      %dma_start3A_287 = arith.constant 1 : i32
      %dma_start3A_288 = arith.constant 0 : i32
      %dma_start3A_289 = tpu.memref_slice %arg9[%dma_start3A_287, %dma_start3A_288] : memref<8x128xi32, #tpu.memory_space<vmem>> -> memref<1x128xi32, #tpu.memory_space<vmem>>
      %dma_start3A_290 = tpu.memref_squeeze %dma_start3A_289 : memref<1x128xi32, #tpu.memory_space<vmem>> -> memref<128xi32, #tpu.memory_space<vmem>>
      %dma_start3A_291 = arith.constant 0 : i32
      %dma_start3A_292 = tpu.memref_slice %arg16[%dma_start3A_291] : memref<10240xf32, #tpu.memory_space<vmem_shared>> -> memref<10240xf32, #tpu.memory_space<vmem_shared>>
      tpu.enqueue_indirect_dma source(%arg13 : memref<128xf32, #tpu.memory_space<vmem>>) target(%dma_start3A_292 : memref<10240xf32, #tpu.memory_space<vmem_shared>>) offsets(%dma_start3A_290 : memref<128xi32, #tpu.memory_space<vmem>>) semaphore(%arg21 : memref<!tpu.dma_semaphore, #tpu.memory_space<semaphore_mem>>) {add = true}
      %dma_start3A_293 = arith.constant 1 : i32
      %dma_start3A_294 = arith.constant 0 : i32
      %dma_start3A_295 = tpu.memref_slice %arg9[%dma_start3A_293, %dma_start3A_294] : memref<8x128xi32, #tpu.memory_space<vmem>> -> memref<1x128xi32, #tpu.memory_space<vmem>>
      %dma_start3A_296 = tpu.memref_squeeze %dma_start3A_295 : memref<1x128xi32, #tpu.memory_space<vmem>> -> memref<128xi32, #tpu.memory_space<vmem>>
      %dma_start3A_297 = arith.constant 0 : i32
      %dma_start3A_298 = arith.constant 0 : i32
      %dma_start3A_299 = tpu.memref_slice %arg15[%dma_start3A_297, %dma_start3A_298] : memref<10112x128xf32, #tpu.memory_space<vmem_shared>> -> memref<10112x128xf32, #tpu.memory_space<vmem_shared>>
      tpu.enqueue_indirect_dma source(%arg12 : memref<128x128xf32, #tpu.memory_space<vmem>>) target(%dma_start3A_299 : memref<10112x128xf32, #tpu.memory_space<vmem_shared>>) offsets(%dma_start3A_296 : memref<128xi32, #tpu.memory_space<vmem>>) semaphore(%arg20 : memref<!tpu.dma_semaphore, #tpu.memory_space<semaphore_mem>>) {add = true}
      %dma_wait3A_300 = arith.constant 1 : i32
      %dma_wait3A_301 = arith.constant 0 : i32
      %dma_wait3A_302 = tpu.memref_slice %arg9[%dma_wait3A_300, %dma_wait3A_301] : memref<8x128xi32, #tpu.memory_space<vmem>> -> memref<1x128xi32, #tpu.memory_space<vmem>>
      %dma_wait3A_303 = tpu.memref_squeeze %dma_wait3A_302 : memref<1x128xi32, #tpu.memory_space<vmem>> -> memref<128xi32, #tpu.memory_space<vmem>>
      %dma_wait3A_304 = arith.constant 0 : i32
      %dma_wait3A_305 = arith.constant 0 : i32
      %dma_wait3A_306 = tpu.memref_slice %arg15[%dma_wait3A_304, %dma_wait3A_305] : memref<10112x128xf32, #tpu.memory_space<vmem_shared>> -> memref<10112x128xf32, #tpu.memory_space<vmem_shared>>
      tpu.wait_indirect_dma semaphore(%arg19 : memref<!tpu.dma_semaphore, #tpu.memory_space<semaphore_mem>>) src(%arg11 : memref<128x128xf32, #tpu.memory_space<vmem>>) dst(%dma_wait3A_306 : memref<10112x128xf32, #tpu.memory_space<vmem_shared>>)
      %dma_start3A_307 = arith.constant 2 : i32
      %dma_start3A_308 = arith.constant 0 : i32
      %dma_start3A_309 = tpu.memref_slice %arg7[%dma_start3A_307, %dma_start3A_308] : memref<8x128xi32, #tpu.memory_space<vmem>> -> memref<1x128xi32, #tpu.memory_space<vmem>>
      %dma_start3A_310 = tpu.memref_squeeze %dma_start3A_309 : memref<1x128xi32, #tpu.memory_space<vmem>> -> memref<128xi32, #tpu.memory_space<vmem>>
      %dma_start3A_311 = arith.constant 0 : i32
      %dma_start3A_312 = arith.constant 0 : i32
      %dma_start3A_313 = tpu.memref_slice %arg4[%dma_start3A_311, %dma_start3A_312] : memref<10000x128xf32, #tpu.memory_space<hbm>> -> memref<10000x128xf32, #tpu.memory_space<hbm>>
      tpu.enqueue_indirect_dma source(%dma_start3A_313 : memref<10000x128xf32, #tpu.memory_space<hbm>>) target(%arg11 : memref<128x128xf32, #tpu.memory_space<vmem>>) offsets(%dma_start3A_310 : memref<128xi32, #tpu.memory_space<vmem>>) semaphore(%arg17 : memref<!tpu.dma_semaphore, #tpu.memory_space<semaphore_mem>>)
      %dma_wait3A_314 = arith.constant 2 : i32
      %dma_wait3A_315 = arith.constant 0 : i32
      %dma_wait3A_316 = tpu.memref_slice %arg7[%dma_wait3A_314, %dma_wait3A_315] : memref<8x128xi32, #tpu.memory_space<vmem>> -> memref<1x128xi32, #tpu.memory_space<vmem>>
      %dma_wait3A_317 = tpu.memref_squeeze %dma_wait3A_316 : memref<1x128xi32, #tpu.memory_space<vmem>> -> memref<128xi32, #tpu.memory_space<vmem>>
      %dma_wait3A_318 = arith.constant 0 : i32
      %dma_wait3A_319 = arith.constant 0 : i32
      %dma_wait3A_320 = tpu.memref_slice %arg4[%dma_wait3A_318, %dma_wait3A_319] : memref<10000x128xf32, #tpu.memory_space<hbm>> -> memref<10000x128xf32, #tpu.memory_space<hbm>>
      tpu.wait_indirect_dma semaphore(%arg17 : memref<!tpu.dma_semaphore, #tpu.memory_space<semaphore_mem>>) src(%dma_wait3A_320 : memref<10000x128xf32, #tpu.memory_space<hbm>>) dst(%arg11 : memref<128x128xf32, #tpu.memory_space<vmem>>)
      %dma_start3A_321 = arith.constant 2 : i32
      %dma_start3A_322 = arith.constant 0 : i32
      %dma_start3A_323 = tpu.memref_slice %arg9[%dma_start3A_321, %dma_start3A_322] : memref<8x128xi32, #tpu.memory_space<vmem>> -> memref<1x128xi32, #tpu.memory_space<vmem>>
      %dma_start3A_324 = tpu.memref_squeeze %dma_start3A_323 : memref<1x128xi32, #tpu.memory_space<vmem>> -> memref<128xi32, #tpu.memory_space<vmem>>
      %dma_start3A_325 = arith.constant 0 : i32
      %dma_start3A_326 = tpu.memref_slice %arg16[%dma_start3A_325] : memref<10240xf32, #tpu.memory_space<vmem_shared>> -> memref<10240xf32, #tpu.memory_space<vmem_shared>>
      tpu.enqueue_indirect_dma source(%arg13 : memref<128xf32, #tpu.memory_space<vmem>>) target(%dma_start3A_326 : memref<10240xf32, #tpu.memory_space<vmem_shared>>) offsets(%dma_start3A_324 : memref<128xi32, #tpu.memory_space<vmem>>) semaphore(%arg21 : memref<!tpu.dma_semaphore, #tpu.memory_space<semaphore_mem>>) {add = true}
      %dma_start3A_327 = arith.constant 2 : i32
      %dma_start3A_328 = arith.constant 0 : i32
      %dma_start3A_329 = tpu.memref_slice %arg9[%dma_start3A_327, %dma_start3A_328] : memref<8x128xi32, #tpu.memory_space<vmem>> -> memref<1x128xi32, #tpu.memory_space<vmem>>
      %dma_start3A_330 = tpu.memref_squeeze %dma_start3A_329 : memref<1x128xi32, #tpu.memory_space<vmem>> -> memref<128xi32, #tpu.memory_space<vmem>>
      %dma_start3A_331 = arith.constant 0 : i32
      %dma_start3A_332 = arith.constant 0 : i32
      %dma_start3A_333 = tpu.memref_slice %arg15[%dma_start3A_331, %dma_start3A_332] : memref<10112x128xf32, #tpu.memory_space<vmem_shared>> -> memref<10112x128xf32, #tpu.memory_space<vmem_shared>>
      tpu.enqueue_indirect_dma source(%arg11 : memref<128x128xf32, #tpu.memory_space<vmem>>) target(%dma_start3A_333 : memref<10112x128xf32, #tpu.memory_space<vmem_shared>>) offsets(%dma_start3A_330 : memref<128xi32, #tpu.memory_space<vmem>>) semaphore(%arg19 : memref<!tpu.dma_semaphore, #tpu.memory_space<semaphore_mem>>) {add = true}
      %dma_wait3A_334 = arith.constant 2 : i32
      %dma_wait3A_335 = arith.constant 0 : i32
      %dma_wait3A_336 = tpu.memref_slice %arg9[%dma_wait3A_334, %dma_wait3A_335] : memref<8x128xi32, #tpu.memory_space<vmem>> -> memref<1x128xi32, #tpu.memory_space<vmem>>
      %dma_wait3A_337 = tpu.memref_squeeze %dma_wait3A_336 : memref<1x128xi32, #tpu.memory_space<vmem>> -> memref<128xi32, #tpu.memory_space<vmem>>
      %dma_wait3A_338 = arith.constant 0 : i32
      %dma_wait3A_339 = arith.constant 0 : i32
      %dma_wait3A_340 = tpu.memref_slice %arg15[%dma_wait3A_338, %dma_wait3A_339] : memref<10112x128xf32, #tpu.memory_space<vmem_shared>> -> memref<10112x128xf32, #tpu.memory_space<vmem_shared>>
      tpu.wait_indirect_dma semaphore(%arg20 : memref<!tpu.dma_semaphore, #tpu.memory_space<semaphore_mem>>) src(%arg12 : memref<128x128xf32, #tpu.memory_space<vmem>>) dst(%dma_wait3A_340 : memref<10112x128xf32, #tpu.memory_space<vmem_shared>>)
      %dma_start3A_341 = arith.constant 3 : i32
      %dma_start3A_342 = arith.constant 0 : i32
      %dma_start3A_343 = tpu.memref_slice %arg7[%dma_start3A_341, %dma_start3A_342] : memref<8x128xi32, #tpu.memory_space<vmem>> -> memref<1x128xi32, #tpu.memory_space<vmem>>
      %dma_start3A_344 = tpu.memref_squeeze %dma_start3A_343 : memref<1x128xi32, #tpu.memory_space<vmem>> -> memref<128xi32, #tpu.memory_space<vmem>>
      %dma_start3A_345 = arith.constant 0 : i32
      %dma_start3A_346 = arith.constant 0 : i32
      %dma_start3A_347 = tpu.memref_slice %arg4[%dma_start3A_345, %dma_start3A_346] : memref<10000x128xf32, #tpu.memory_space<hbm>> -> memref<10000x128xf32, #tpu.memory_space<hbm>>
      tpu.enqueue_indirect_dma source(%dma_start3A_347 : memref<10000x128xf32, #tpu.memory_space<hbm>>) target(%arg12 : memref<128x128xf32, #tpu.memory_space<vmem>>) offsets(%dma_start3A_344 : memref<128xi32, #tpu.memory_space<vmem>>) semaphore(%arg18 : memref<!tpu.dma_semaphore, #tpu.memory_space<semaphore_mem>>)
      %dma_wait3A_348 = arith.constant 3 : i32
      %dma_wait3A_349 = arith.constant 0 : i32
      %dma_wait3A_350 = tpu.memref_slice %arg7[%dma_wait3A_348, %dma_wait3A_349] : memref<8x128xi32, #tpu.memory_space<vmem>> -> memref<1x128xi32, #tpu.memory_space<vmem>>
      %dma_wait3A_351 = tpu.memref_squeeze %dma_wait3A_350 : memref<1x128xi32, #tpu.memory_space<vmem>> -> memref<128xi32, #tpu.memory_space<vmem>>
      %dma_wait3A_352 = arith.constant 0 : i32
      %dma_wait3A_353 = arith.constant 0 : i32
      %dma_wait3A_354 = tpu.memref_slice %arg4[%dma_wait3A_352, %dma_wait3A_353] : memref<10000x128xf32, #tpu.memory_space<hbm>> -> memref<10000x128xf32, #tpu.memory_space<hbm>>
      tpu.wait_indirect_dma semaphore(%arg18 : memref<!tpu.dma_semaphore, #tpu.memory_space<semaphore_mem>>) src(%dma_wait3A_354 : memref<10000x128xf32, #tpu.memory_space<hbm>>) dst(%arg12 : memref<128x128xf32, #tpu.memory_space<vmem>>)
      %dma_start3A_355 = arith.constant 3 : i32
      %dma_start3A_356 = arith.constant 0 : i32
      %dma_start3A_357 = tpu.memref_slice %arg9[%dma_start3A_355, %dma_start3A_356] : memref<8x128xi32, #tpu.memory_space<vmem>> -> memref<1x128xi32, #tpu.memory_space<vmem>>
      %dma_start3A_358 = tpu.memref_squeeze %dma_start3A_357 : memref<1x128xi32, #tpu.memory_space<vmem>> -> memref<128xi32, #tpu.memory_space<vmem>>
      %dma_start3A_359 = arith.constant 0 : i32
      %dma_start3A_360 = tpu.memref_slice %arg16[%dma_start3A_359] : memref<10240xf32, #tpu.memory_space<vmem_shared>> -> memref<10240xf32, #tpu.memory_space<vmem_shared>>
      tpu.enqueue_indirect_dma source(%arg13 : memref<128xf32, #tpu.memory_space<vmem>>) target(%dma_start3A_360 : memref<10240xf32, #tpu.memory_space<vmem_shared>>) offsets(%dma_start3A_358 : memref<128xi32, #tpu.memory_space<vmem>>) semaphore(%arg21 : memref<!tpu.dma_semaphore, #tpu.memory_space<semaphore_mem>>) {add = true}
      %dma_start3A_361 = arith.constant 3 : i32
      %dma_start3A_362 = arith.constant 0 : i32
      %dma_start3A_363 = tpu.memref_slice %arg9[%dma_start3A_361, %dma_start3A_362] : memref<8x128xi32, #tpu.memory_space<vmem>> -> memref<1x128xi32, #tpu.memory_space<vmem>>
      %dma_start3A_364 = tpu.memref_squeeze %dma_start3A_363 : memref<1x128xi32, #tpu.memory_space<vmem>> -> memref<128xi32, #tpu.memory_space<vmem>>
      %dma_start3A_365 = arith.constant 0 : i32
      %dma_start3A_366 = arith.constant 0 : i32
      %dma_start3A_367 = tpu.memref_slice %arg15[%dma_start3A_365, %dma_start3A_366] : memref<10112x128xf32, #tpu.memory_space<vmem_shared>> -> memref<10112x128xf32, #tpu.memory_space<vmem_shared>>
      tpu.enqueue_indirect_dma source(%arg12 : memref<128x128xf32, #tpu.memory_space<vmem>>) target(%dma_start3A_367 : memref<10112x128xf32, #tpu.memory_space<vmem_shared>>) offsets(%dma_start3A_364 : memref<128xi32, #tpu.memory_space<vmem>>) semaphore(%arg20 : memref<!tpu.dma_semaphore, #tpu.memory_space<semaphore_mem>>) {add = true}
      %dma_wait3A_368 = arith.constant 3 : i32
      %dma_wait3A_369 = arith.constant 0 : i32
      %dma_wait3A_370 = tpu.memref_slice %arg9[%dma_wait3A_368, %dma_wait3A_369] : memref<8x128xi32, #tpu.memory_space<vmem>> -> memref<1x128xi32, #tpu.memory_space<vmem>>
      %dma_wait3A_371 = tpu.memref_squeeze %dma_wait3A_370 : memref<1x128xi32, #tpu.memory_space<vmem>> -> memref<128xi32, #tpu.memory_space<vmem>>
      %dma_wait3A_372 = arith.constant 0 : i32
      %dma_wait3A_373 = arith.constant 0 : i32
      %dma_wait3A_374 = tpu.memref_slice %arg15[%dma_wait3A_372, %dma_wait3A_373] : memref<10112x128xf32, #tpu.memory_space<vmem_shared>> -> memref<10112x128xf32, #tpu.memory_space<vmem_shared>>
      tpu.wait_indirect_dma semaphore(%arg19 : memref<!tpu.dma_semaphore, #tpu.memory_space<semaphore_mem>>) src(%arg11 : memref<128x128xf32, #tpu.memory_space<vmem>>) dst(%dma_wait3A_374 : memref<10112x128xf32, #tpu.memory_space<vmem_shared>>)
      %dma_start3A_375 = arith.constant 4 : i32
      %dma_start3A_376 = arith.constant 0 : i32
      %dma_start3A_377 = tpu.memref_slice %arg7[%dma_start3A_375, %dma_start3A_376] : memref<8x128xi32, #tpu.memory_space<vmem>> -> memref<1x128xi32, #tpu.memory_space<vmem>>
      %dma_start3A_378 = tpu.memref_squeeze %dma_start3A_377 : memref<1x128xi32, #tpu.memory_space<vmem>> -> memref<128xi32, #tpu.memory_space<vmem>>
      %dma_start3A_379 = arith.constant 0 : i32
      %dma_start3A_380 = arith.constant 0 : i32
      %dma_start3A_381 = tpu.memref_slice %arg4[%dma_start3A_379, %dma_start3A_380] : memref<10000x128xf32, #tpu.memory_space<hbm>> -> memref<10000x128xf32, #tpu.memory_space<hbm>>
      tpu.enqueue_indirect_dma source(%dma_start3A_381 : memref<10000x128xf32, #tpu.memory_space<hbm>>) target(%arg11 : memref<128x128xf32, #tpu.memory_space<vmem>>) offsets(%dma_start3A_378 : memref<128xi32, #tpu.memory_space<vmem>>) semaphore(%arg17 : memref<!tpu.dma_semaphore, #tpu.memory_space<semaphore_mem>>)
      %dma_wait3A_382 = arith.constant 4 : i32
      %dma_wait3A_383 = arith.constant 0 : i32
      %dma_wait3A_384 = tpu.memref_slice %arg7[%dma_wait3A_382, %dma_wait3A_383] : memref<8x128xi32, #tpu.memory_space<vmem>> -> memref<1x128xi32, #tpu.memory_space<vmem>>
      %dma_wait3A_385 = tpu.memref_squeeze %dma_wait3A_384 : memref<1x128xi32, #tpu.memory_space<vmem>> -> memref<128xi32, #tpu.memory_space<vmem>>
      %dma_wait3A_386 = arith.constant 0 : i32
      %dma_wait3A_387 = arith.constant 0 : i32
      %dma_wait3A_388 = tpu.memref_slice %arg4[%dma_wait3A_386, %dma_wait3A_387] : memref<10000x128xf32, #tpu.memory_space<hbm>> -> memref<10000x128xf32, #tpu.memory_space<hbm>>
      tpu.wait_indirect_dma semaphore(%arg17 : memref<!tpu.dma_semaphore, #tpu.memory_space<semaphore_mem>>) src(%dma_wait3A_388 : memref<10000x128xf32, #tpu.memory_space<hbm>>) dst(%arg11 : memref<128x128xf32, #tpu.memory_space<vmem>>)
      %dma_start3A_389 = arith.constant 4 : i32
      %dma_start3A_390 = arith.constant 0 : i32
      %dma_start3A_391 = tpu.memref_slice %arg9[%dma_start3A_389, %dma_start3A_390] : memref<8x128xi32, #tpu.memory_space<vmem>> -> memref<1x128xi32, #tpu.memory_space<vmem>>
      %dma_start3A_392 = tpu.memref_squeeze %dma_start3A_391 : memref<1x128xi32, #tpu.memory_space<vmem>> -> memref<128xi32, #tpu.memory_space<vmem>>
      %dma_start3A_393 = arith.constant 0 : i32
      %dma_start3A_394 = tpu.memref_slice %arg16[%dma_start3A_393] : memref<10240xf32, #tpu.memory_space<vmem_shared>> -> memref<10240xf32, #tpu.memory_space<vmem_shared>>
      tpu.enqueue_indirect_dma source(%arg13 : memref<128xf32, #tpu.memory_space<vmem>>) target(%dma_start3A_394 : memref<10240xf32, #tpu.memory_space<vmem_shared>>) offsets(%dma_start3A_392 : memref<128xi32, #tpu.memory_space<vmem>>) semaphore(%arg21 : memref<!tpu.dma_semaphore, #tpu.memory_space<semaphore_mem>>) {add = true}
      %dma_start3A_395 = arith.constant 4 : i32
      %dma_start3A_396 = arith.constant 0 : i32
      %dma_start3A_397 = tpu.memref_slice %arg9[%dma_start3A_395, %dma_start3A_396] : memref<8x128xi32, #tpu.memory_space<vmem>> -> memref<1x128xi32, #tpu.memory_space<vmem>>
      %dma_start3A_398 = tpu.memref_squeeze %dma_start3A_397 : memref<1x128xi32, #tpu.memory_space<vmem>> -> memref<128xi32, #tpu.memory_space<vmem>>
      %dma_start3A_399 = arith.constant 0 : i32
      %dma_start3A_400 = arith.constant 0 : i32
      %dma_start3A_401 = tpu.memref_slice %arg15[%dma_start3A_399, %dma_start3A_400] : memref<10112x128xf32, #tpu.memory_space<vmem_shared>> -> memref<10112x128xf32, #tpu.memory_space<vmem_shared>>
      tpu.enqueue_indirect_dma source(%arg11 : memref<128x128xf32, #tpu.memory_space<vmem>>) target(%dma_start3A_401 : memref<10112x128xf32, #tpu.memory_space<vmem_shared>>) offsets(%dma_start3A_398 : memref<128xi32, #tpu.memory_space<vmem>>) semaphore(%arg19 : memref<!tpu.dma_semaphore, #tpu.memory_space<semaphore_mem>>) {add = true}
      %dma_wait3A_402 = arith.constant 4 : i32
      %dma_wait3A_403 = arith.constant 0 : i32
      %dma_wait3A_404 = tpu.memref_slice %arg9[%dma_wait3A_402, %dma_wait3A_403] : memref<8x128xi32, #tpu.memory_space<vmem>> -> memref<1x128xi32, #tpu.memory_space<vmem>>
      %dma_wait3A_405 = tpu.memref_squeeze %dma_wait3A_404 : memref<1x128xi32, #tpu.memory_space<vmem>> -> memref<128xi32, #tpu.memory_space<vmem>>
      %dma_wait3A_406 = arith.constant 0 : i32
      %dma_wait3A_407 = arith.constant 0 : i32
      %dma_wait3A_408 = tpu.memref_slice %arg15[%dma_wait3A_406, %dma_wait3A_407] : memref<10112x128xf32, #tpu.memory_space<vmem_shared>> -> memref<10112x128xf32, #tpu.memory_space<vmem_shared>>
      tpu.wait_indirect_dma semaphore(%arg20 : memref<!tpu.dma_semaphore, #tpu.memory_space<semaphore_mem>>) src(%arg12 : memref<128x128xf32, #tpu.memory_space<vmem>>) dst(%dma_wait3A_408 : memref<10112x128xf32, #tpu.memory_space<vmem_shared>>)
      %dma_start3A_409 = arith.constant 5 : i32
      %dma_start3A_410 = arith.constant 0 : i32
      %dma_start3A_411 = tpu.memref_slice %arg7[%dma_start3A_409, %dma_start3A_410] : memref<8x128xi32, #tpu.memory_space<vmem>> -> memref<1x128xi32, #tpu.memory_space<vmem>>
      %dma_start3A_412 = tpu.memref_squeeze %dma_start3A_411 : memref<1x128xi32, #tpu.memory_space<vmem>> -> memref<128xi32, #tpu.memory_space<vmem>>
      %dma_start3A_413 = arith.constant 0 : i32
      %dma_start3A_414 = arith.constant 0 : i32
      %dma_start3A_415 = tpu.memref_slice %arg4[%dma_start3A_413, %dma_start3A_414] : memref<10000x128xf32, #tpu.memory_space<hbm>> -> memref<10000x128xf32, #tpu.memory_space<hbm>>
      tpu.enqueue_indirect_dma source(%dma_start3A_415 : memref<10000x128xf32, #tpu.memory_space<hbm>>) target(%arg12 : memref<128x128xf32, #tpu.memory_space<vmem>>) offsets(%dma_start3A_412 : memref<128xi32, #tpu.memory_space<vmem>>) semaphore(%arg18 : memref<!tpu.dma_semaphore, #tpu.memory_space<semaphore_mem>>)
      %dma_wait3A_416 = arith.constant 5 : i32
      %dma_wait3A_417 = arith.constant 0 : i32
      %dma_wait3A_418 = tpu.memref_slice %arg7[%dma_wait3A_416, %dma_wait3A_417] : memref<8x128xi32, #tpu.memory_space<vmem>> -> memref<1x128xi32, #tpu.memory_space<vmem>>
      %dma_wait3A_419 = tpu.memref_squeeze %dma_wait3A_418 : memref<1x128xi32, #tpu.memory_space<vmem>> -> memref<128xi32, #tpu.memory_space<vmem>>
      %dma_wait3A_420 = arith.constant 0 : i32
      %dma_wait3A_421 = arith.constant 0 : i32
      %dma_wait3A_422 = tpu.memref_slice %arg4[%dma_wait3A_420, %dma_wait3A_421] : memref<10000x128xf32, #tpu.memory_space<hbm>> -> memref<10000x128xf32, #tpu.memory_space<hbm>>
      tpu.wait_indirect_dma semaphore(%arg18 : memref<!tpu.dma_semaphore, #tpu.memory_space<semaphore_mem>>) src(%dma_wait3A_422 : memref<10000x128xf32, #tpu.memory_space<hbm>>) dst(%arg12 : memref<128x128xf32, #tpu.memory_space<vmem>>)
      %dma_start3A_423 = arith.constant 5 : i32
      %dma_start3A_424 = arith.constant 0 : i32
      %dma_start3A_425 = tpu.memref_slice %arg9[%dma_start3A_423, %dma_start3A_424] : memref<8x128xi32, #tpu.memory_space<vmem>> -> memref<1x128xi32, #tpu.memory_space<vmem>>
      %dma_start3A_426 = tpu.memref_squeeze %dma_start3A_425 : memref<1x128xi32, #tpu.memory_space<vmem>> -> memref<128xi32, #tpu.memory_space<vmem>>
      %dma_start3A_427 = arith.constant 0 : i32
      %dma_start3A_428 = tpu.memref_slice %arg16[%dma_start3A_427] : memref<10240xf32, #tpu.memory_space<vmem_shared>> -> memref<10240xf32, #tpu.memory_space<vmem_shared>>
      tpu.enqueue_indirect_dma source(%arg13 : memref<128xf32, #tpu.memory_space<vmem>>) target(%dma_start3A_428 : memref<10240xf32, #tpu.memory_space<vmem_shared>>) offsets(%dma_start3A_426 : memref<128xi32, #tpu.memory_space<vmem>>) semaphore(%arg21 : memref<!tpu.dma_semaphore, #tpu.memory_space<semaphore_mem>>) {add = true}
      %dma_start3A_429 = arith.constant 5 : i32
      %dma_start3A_430 = arith.constant 0 : i32
      %dma_start3A_431 = tpu.memref_slice %arg9[%dma_start3A_429, %dma_start3A_430] : memref<8x128xi32, #tpu.memory_space<vmem>> -> memref<1x128xi32, #tpu.memory_space<vmem>>
      %dma_start3A_432 = tpu.memref_squeeze %dma_start3A_431 : memref<1x128xi32, #tpu.memory_space<vmem>> -> memref<128xi32, #tpu.memory_space<vmem>>
      %dma_start3A_433 = arith.constant 0 : i32
      %dma_start3A_434 = arith.constant 0 : i32
      %dma_start3A_435 = tpu.memref_slice %arg15[%dma_start3A_433, %dma_start3A_434] : memref<10112x128xf32, #tpu.memory_space<vmem_shared>> -> memref<10112x128xf32, #tpu.memory_space<vmem_shared>>
      tpu.enqueue_indirect_dma source(%arg12 : memref<128x128xf32, #tpu.memory_space<vmem>>) target(%dma_start3A_435 : memref<10112x128xf32, #tpu.memory_space<vmem_shared>>) offsets(%dma_start3A_432 : memref<128xi32, #tpu.memory_space<vmem>>) semaphore(%arg20 : memref<!tpu.dma_semaphore, #tpu.memory_space<semaphore_mem>>) {add = true}
      %dma_wait3A_436 = arith.constant 5 : i32
      %dma_wait3A_437 = arith.constant 0 : i32
      %dma_wait3A_438 = tpu.memref_slice %arg9[%dma_wait3A_436, %dma_wait3A_437] : memref<8x128xi32, #tpu.memory_space<vmem>> -> memref<1x128xi32, #tpu.memory_space<vmem>>
      %dma_wait3A_439 = tpu.memref_squeeze %dma_wait3A_438 : memref<1x128xi32, #tpu.memory_space<vmem>> -> memref<128xi32, #tpu.memory_space<vmem>>
      %dma_wait3A_440 = arith.constant 0 : i32
      %dma_wait3A_441 = arith.constant 0 : i32
      %dma_wait3A_442 = tpu.memref_slice %arg15[%dma_wait3A_440, %dma_wait3A_441] : memref<10112x128xf32, #tpu.memory_space<vmem_shared>> -> memref<10112x128xf32, #tpu.memory_space<vmem_shared>>
      tpu.wait_indirect_dma semaphore(%arg19 : memref<!tpu.dma_semaphore, #tpu.memory_space<semaphore_mem>>) src(%arg11 : memref<128x128xf32, #tpu.memory_space<vmem>>) dst(%dma_wait3A_442 : memref<10112x128xf32, #tpu.memory_space<vmem_shared>>)
      %dma_start3A_443 = arith.constant 6 : i32
      %dma_start3A_444 = arith.constant 0 : i32
      %dma_start3A_445 = tpu.memref_slice %arg7[%dma_start3A_443, %dma_start3A_444] : memref<8x128xi32, #tpu.memory_space<vmem>> -> memref<1x128xi32, #tpu.memory_space<vmem>>
      %dma_start3A_446 = tpu.memref_squeeze %dma_start3A_445 : memref<1x128xi32, #tpu.memory_space<vmem>> -> memref<128xi32, #tpu.memory_space<vmem>>
      %dma_start3A_447 = arith.constant 0 : i32
      %dma_start3A_448 = arith.constant 0 : i32
      %dma_start3A_449 = tpu.memref_slice %arg4[%dma_start3A_447, %dma_start3A_448] : memref<10000x128xf32, #tpu.memory_space<hbm>> -> memref<10000x128xf32, #tpu.memory_space<hbm>>
      tpu.enqueue_indirect_dma source(%dma_start3A_449 : memref<10000x128xf32, #tpu.memory_space<hbm>>) target(%arg11 : memref<128x128xf32, #tpu.memory_space<vmem>>) offsets(%dma_start3A_446 : memref<128xi32, #tpu.memory_space<vmem>>) semaphore(%arg17 : memref<!tpu.dma_semaphore, #tpu.memory_space<semaphore_mem>>)
      %dma_wait3A_450 = arith.constant 6 : i32
      %dma_wait3A_451 = arith.constant 0 : i32
      %dma_wait3A_452 = tpu.memref_slice %arg7[%dma_wait3A_450, %dma_wait3A_451] : memref<8x128xi32, #tpu.memory_space<vmem>> -> memref<1x128xi32, #tpu.memory_space<vmem>>
      %dma_wait3A_453 = tpu.memref_squeeze %dma_wait3A_452 : memref<1x128xi32, #tpu.memory_space<vmem>> -> memref<128xi32, #tpu.memory_space<vmem>>
      %dma_wait3A_454 = arith.constant 0 : i32
      %dma_wait3A_455 = arith.constant 0 : i32
      %dma_wait3A_456 = tpu.memref_slice %arg4[%dma_wait3A_454, %dma_wait3A_455] : memref<10000x128xf32, #tpu.memory_space<hbm>> -> memref<10000x128xf32, #tpu.memory_space<hbm>>
      tpu.wait_indirect_dma semaphore(%arg17 : memref<!tpu.dma_semaphore, #tpu.memory_space<semaphore_mem>>) src(%dma_wait3A_456 : memref<10000x128xf32, #tpu.memory_space<hbm>>) dst(%arg11 : memref<128x128xf32, #tpu.memory_space<vmem>>)
      %dma_start3A_457 = arith.constant 6 : i32
      %dma_start3A_458 = arith.constant 0 : i32
      %dma_start3A_459 = tpu.memref_slice %arg9[%dma_start3A_457, %dma_start3A_458] : memref<8x128xi32, #tpu.memory_space<vmem>> -> memref<1x128xi32, #tpu.memory_space<vmem>>
      %dma_start3A_460 = tpu.memref_squeeze %dma_start3A_459 : memref<1x128xi32, #tpu.memory_space<vmem>> -> memref<128xi32, #tpu.memory_space<vmem>>
      %dma_start3A_461 = arith.constant 0 : i32
      %dma_start3A_462 = tpu.memref_slice %arg16[%dma_start3A_461] : memref<10240xf32, #tpu.memory_space<vmem_shared>> -> memref<10240xf32, #tpu.memory_space<vmem_shared>>
      tpu.enqueue_indirect_dma source(%arg13 : memref<128xf32, #tpu.memory_space<vmem>>) target(%dma_start3A_462 : memref<10240xf32, #tpu.memory_space<vmem_shared>>) offsets(%dma_start3A_460 : memref<128xi32, #tpu.memory_space<vmem>>) semaphore(%arg21 : memref<!tpu.dma_semaphore, #tpu.memory_space<semaphore_mem>>) {add = true}
      %dma_start3A_463 = arith.constant 6 : i32
      %dma_start3A_464 = arith.constant 0 : i32
      %dma_start3A_465 = tpu.memref_slice %arg9[%dma_start3A_463, %dma_start3A_464] : memref<8x128xi32, #tpu.memory_space<vmem>> -> memref<1x128xi32, #tpu.memory_space<vmem>>
      %dma_start3A_466 = tpu.memref_squeeze %dma_start3A_465 : memref<1x128xi32, #tpu.memory_space<vmem>> -> memref<128xi32, #tpu.memory_space<vmem>>
      %dma_start3A_467 = arith.constant 0 : i32
      %dma_start3A_468 = arith.constant 0 : i32
      %dma_start3A_469 = tpu.memref_slice %arg15[%dma_start3A_467, %dma_start3A_468] : memref<10112x128xf32, #tpu.memory_space<vmem_shared>> -> memref<10112x128xf32, #tpu.memory_space<vmem_shared>>
      tpu.enqueue_indirect_dma source(%arg11 : memref<128x128xf32, #tpu.memory_space<vmem>>) target(%dma_start3A_469 : memref<10112x128xf32, #tpu.memory_space<vmem_shared>>) offsets(%dma_start3A_466 : memref<128xi32, #tpu.memory_space<vmem>>) semaphore(%arg19 : memref<!tpu.dma_semaphore, #tpu.memory_space<semaphore_mem>>) {add = true}
      %dma_wait3A_470 = arith.constant 6 : i32
      %dma_wait3A_471 = arith.constant 0 : i32
      %dma_wait3A_472 = tpu.memref_slice %arg9[%dma_wait3A_470, %dma_wait3A_471] : memref<8x128xi32, #tpu.memory_space<vmem>> -> memref<1x128xi32, #tpu.memory_space<vmem>>
      %dma_wait3A_473 = tpu.memref_squeeze %dma_wait3A_472 : memref<1x128xi32, #tpu.memory_space<vmem>> -> memref<128xi32, #tpu.memory_space<vmem>>
      %dma_wait3A_474 = arith.constant 0 : i32
      %dma_wait3A_475 = arith.constant 0 : i32
      %dma_wait3A_476 = tpu.memref_slice %arg15[%dma_wait3A_474, %dma_wait3A_475] : memref<10112x128xf32, #tpu.memory_space<vmem_shared>> -> memref<10112x128xf32, #tpu.memory_space<vmem_shared>>
      tpu.wait_indirect_dma semaphore(%arg20 : memref<!tpu.dma_semaphore, #tpu.memory_space<semaphore_mem>>) src(%arg12 : memref<128x128xf32, #tpu.memory_space<vmem>>) dst(%dma_wait3A_476 : memref<10112x128xf32, #tpu.memory_space<vmem_shared>>)
      %dma_start3A_477 = arith.constant 7 : i32
      %dma_start3A_478 = arith.constant 0 : i32
      %dma_start3A_479 = tpu.memref_slice %arg7[%dma_start3A_477, %dma_start3A_478] : memref<8x128xi32, #tpu.memory_space<vmem>> -> memref<1x128xi32, #tpu.memory_space<vmem>>
      %dma_start3A_480 = tpu.memref_squeeze %dma_start3A_479 : memref<1x128xi32, #tpu.memory_space<vmem>> -> memref<128xi32, #tpu.memory_space<vmem>>
      %dma_start3A_481 = arith.constant 0 : i32
      %dma_start3A_482 = arith.constant 0 : i32
      %dma_start3A_483 = tpu.memref_slice %arg4[%dma_start3A_481, %dma_start3A_482] : memref<10000x128xf32, #tpu.memory_space<hbm>> -> memref<10000x128xf32, #tpu.memory_space<hbm>>
      tpu.enqueue_indirect_dma source(%dma_start3A_483 : memref<10000x128xf32, #tpu.memory_space<hbm>>) target(%arg12 : memref<128x128xf32, #tpu.memory_space<vmem>>) offsets(%dma_start3A_480 : memref<128xi32, #tpu.memory_space<vmem>>) semaphore(%arg18 : memref<!tpu.dma_semaphore, #tpu.memory_space<semaphore_mem>>)
      %dma_wait3A_484 = arith.constant 7 : i32
      %dma_wait3A_485 = arith.constant 0 : i32
      %dma_wait3A_486 = tpu.memref_slice %arg7[%dma_wait3A_484, %dma_wait3A_485] : memref<8x128xi32, #tpu.memory_space<vmem>> -> memref<1x128xi32, #tpu.memory_space<vmem>>
      %dma_wait3A_487 = tpu.memref_squeeze %dma_wait3A_486 : memref<1x128xi32, #tpu.memory_space<vmem>> -> memref<128xi32, #tpu.memory_space<vmem>>
      %dma_wait3A_488 = arith.constant 0 : i32
      %dma_wait3A_489 = arith.constant 0 : i32
      %dma_wait3A_490 = tpu.memref_slice %arg4[%dma_wait3A_488, %dma_wait3A_489] : memref<10000x128xf32, #tpu.memory_space<hbm>> -> memref<10000x128xf32, #tpu.memory_space<hbm>>
      tpu.wait_indirect_dma semaphore(%arg18 : memref<!tpu.dma_semaphore, #tpu.memory_space<semaphore_mem>>) src(%dma_wait3A_490 : memref<10000x128xf32, #tpu.memory_space<hbm>>) dst(%arg12 : memref<128x128xf32, #tpu.memory_space<vmem>>)
      %dma_start3A_491 = arith.constant 7 : i32
      %dma_start3A_492 = arith.constant 0 : i32
      %dma_start3A_493 = tpu.memref_slice %arg9[%dma_start3A_491, %dma_start3A_492] : memref<8x128xi32, #tpu.memory_space<vmem>> -> memref<1x128xi32, #tpu.memory_space<vmem>>
      %dma_start3A_494 = tpu.memref_squeeze %dma_start3A_493 : memref<1x128xi32, #tpu.memory_space<vmem>> -> memref<128xi32, #tpu.memory_space<vmem>>
      %dma_start3A_495 = arith.constant 0 : i32
      %dma_start3A_496 = tpu.memref_slice %arg16[%dma_start3A_495] : memref<10240xf32, #tpu.memory_space<vmem_shared>> -> memref<10240xf32, #tpu.memory_space<vmem_shared>>
      tpu.enqueue_indirect_dma source(%arg13 : memref<128xf32, #tpu.memory_space<vmem>>) target(%dma_start3A_496 : memref<10240xf32, #tpu.memory_space<vmem_shared>>) offsets(%dma_start3A_494 : memref<128xi32, #tpu.memory_space<vmem>>) semaphore(%arg21 : memref<!tpu.dma_semaphore, #tpu.memory_space<semaphore_mem>>) {add = true}
      %dma_start3A_497 = arith.constant 7 : i32
      %dma_start3A_498 = arith.constant 0 : i32
      %dma_start3A_499 = tpu.memref_slice %arg9[%dma_start3A_497, %dma_start3A_498] : memref<8x128xi32, #tpu.memory_space<vmem>> -> memref<1x128xi32, #tpu.memory_space<vmem>>
      %dma_start3A_500 = tpu.memref_squeeze %dma_start3A_499 : memref<1x128xi32, #tpu.memory_space<vmem>> -> memref<128xi32, #tpu.memory_space<vmem>>
      %dma_start3A_501 = arith.constant 0 : i32
      %dma_start3A_502 = arith.constant 0 : i32
      %dma_start3A_503 = tpu.memref_slice %arg15[%dma_start3A_501, %dma_start3A_502] : memref<10112x128xf32, #tpu.memory_space<vmem_shared>> -> memref<10112x128xf32, #tpu.memory_space<vmem_shared>>
      tpu.enqueue_indirect_dma source(%arg12 : memref<128x128xf32, #tpu.memory_space<vmem>>) target(%dma_start3A_503 : memref<10112x128xf32, #tpu.memory_space<vmem_shared>>) offsets(%dma_start3A_500 : memref<128xi32, #tpu.memory_space<vmem>>) semaphore(%arg20 : memref<!tpu.dma_semaphore, #tpu.memory_space<semaphore_mem>>) {add = true}
      %dma_wait3A_504 = arith.constant 7 : i32
      %dma_wait3A_505 = arith.constant 0 : i32
      %dma_wait3A_506 = tpu.memref_slice %arg9[%dma_wait3A_504, %dma_wait3A_505] : memref<8x128xi32, #tpu.memory_space<vmem>> -> memref<1x128xi32, #tpu.memory_space<vmem>>
      %dma_wait3A_507 = tpu.memref_squeeze %dma_wait3A_506 : memref<1x128xi32, #tpu.memory_space<vmem>> -> memref<128xi32, #tpu.memory_space<vmem>>
      %dma_wait3A_508 = arith.constant 0 : i32
      %dma_wait3A_509 = arith.constant 0 : i32
      %dma_wait3A_510 = tpu.memref_slice %arg15[%dma_wait3A_508, %dma_wait3A_509] : memref<10112x128xf32, #tpu.memory_space<vmem_shared>> -> memref<10112x128xf32, #tpu.memory_space<vmem_shared>>
      tpu.wait_indirect_dma semaphore(%arg19 : memref<!tpu.dma_semaphore, #tpu.memory_space<semaphore_mem>>) src(%arg11 : memref<128x128xf32, #tpu.memory_space<vmem>>) dst(%dma_wait3A_510 : memref<10112x128xf32, #tpu.memory_space<vmem_shared>>)
      %lt3A_511 = arith.constant 9 : i32
      %lt3A_512 = arith.cmpi slt, %add3A_246, %lt3A_511 : i32
      %convert_element_type3A_513 = arith.extui %lt3A_512 : i1 to i32
      %cond3A_514 = arith.constant 0 : i32
      %cond3A_515 = arith.cmpi ne, %convert_element_type3A_513, %cond3A_514 : i32
      scf.if %cond3A_515 {
        %dma_wait3A_789 = arith.constant 0 : i32
        %dma_wait3A_790 = arith.constant 0 : i32
        %dma_wait3A_791 = tpu.memref_slice %arg2[%add3A, %dma_wait3A_789, %dma_wait3A_790] : memref<32x80x128xi32, #tpu.memory_space<hbm>> -> memref<1x8x128xi32, #tpu.memory_space<hbm>>
        %dma_wait3A_792 = tpu.memref_squeeze %dma_wait3A_791 : memref<1x8x128xi32, #tpu.memory_space<hbm>> -> memref<8x128xi32, #tpu.memory_space<hbm>>
        %dma_wait3A_793 = arith.constant 0 : i32
        %dma_wait3A_794 = arith.constant 0 : i32
        %dma_wait3A_795 = tpu.memref_slice %arg2[%add3A, %dma_wait3A_793, %dma_wait3A_794] : memref<32x80x128xi32, #tpu.memory_space<hbm>> -> memref<1x8x128xi32, #tpu.memory_space<hbm>>
        %dma_wait3A_796 = tpu.memref_squeeze %dma_wait3A_795 : memref<1x8x128xi32, #tpu.memory_space<hbm>> -> memref<8x128xi32, #tpu.memory_space<hbm>>
        tpu.wait_dma2 semaphore(%arg22 : memref<!tpu.dma_semaphore, #tpu.memory_space<semaphore_mem>>) src(%dma_wait3A_796 : memref<8x128xi32, #tpu.memory_space<hbm>>) dst(%arg8 : memref<8x128xi32, #tpu.memory_space<vmem>>)
        %dma_wait3A_797 = arith.constant 0 : i32
        %dma_wait3A_798 = arith.constant 0 : i32
        %dma_wait3A_799 = tpu.memref_slice %arg3[%add3A, %dma_wait3A_797, %dma_wait3A_798] : memref<32x80x128xi32, #tpu.memory_space<hbm>> -> memref<1x8x128xi32, #tpu.memory_space<hbm>>
        %dma_wait3A_800 = tpu.memref_squeeze %dma_wait3A_799 : memref<1x8x128xi32, #tpu.memory_space<hbm>> -> memref<8x128xi32, #tpu.memory_space<hbm>>
        %dma_wait3A_801 = arith.constant 0 : i32
        %dma_wait3A_802 = arith.constant 0 : i32
        %dma_wait3A_803 = tpu.memref_slice %arg3[%add3A, %dma_wait3A_801, %dma_wait3A_802] : memref<32x80x128xi32, #tpu.memory_space<hbm>> -> memref<1x8x128xi32, #tpu.memory_space<hbm>>
        %dma_wait3A_804 = tpu.memref_squeeze %dma_wait3A_803 : memref<1x8x128xi32, #tpu.memory_space<hbm>> -> memref<8x128xi32, #tpu.memory_space<hbm>>
        tpu.wait_dma2 semaphore(%arg22 : memref<!tpu.dma_semaphore, #tpu.memory_space<semaphore_mem>>) src(%dma_wait3A_804 : memref<8x128xi32, #tpu.memory_space<hbm>>) dst(%arg10 : memref<8x128xi32, #tpu.memory_space<vmem>>)
        %dma_start3A_805 = arith.constant 0 : i32
        %dma_start3A_806 = arith.constant 0 : i32
        %dma_start3A_807 = tpu.memref_slice %arg8[%dma_start3A_805, %dma_start3A_806] : memref<8x128xi32, #tpu.memory_space<vmem>> -> memref<1x128xi32, #tpu.memory_space<vmem>>
        %dma_start3A_808 = tpu.memref_squeeze %dma_start3A_807 : memref<1x128xi32, #tpu.memory_space<vmem>> -> memref<128xi32, #tpu.memory_space<vmem>>
        %dma_start3A_809 = arith.constant 0 : i32
        %dma_start3A_810 = arith.constant 0 : i32
        %dma_start3A_811 = tpu.memref_slice %arg4[%dma_start3A_809, %dma_start3A_810] : memref<10000x128xf32, #tpu.memory_space<hbm>> -> memref<10000x128xf32, #tpu.memory_space<hbm>>
        tpu.enqueue_indirect_dma source(%dma_start3A_811 : memref<10000x128xf32, #tpu.memory_space<hbm>>) target(%arg11 : memref<128x128xf32, #tpu.memory_space<vmem>>) offsets(%dma_start3A_808 : memref<128xi32, #tpu.memory_space<vmem>>) semaphore(%arg17 : memref<!tpu.dma_semaphore, #tpu.memory_space<semaphore_mem>>)
      } else {
      }
      %mul3A_516 = arith.constant 2 : i32
      %mul3A_517 = arith.muli %scan3A_241, %mul3A_516 : i32
      %add3A_518 = arith.constant 1 : i32
      %add3A_519 = arith.addi %mul3A_517, %add3A_518 : i32
      %lt3A_520 = arith.constant 9 : i32
      %lt3A_521 = arith.cmpi slt, %add3A_519, %lt3A_520 : i32
      %convert_element_type3A_522 = arith.extui %lt3A_521 : i1 to i32
      %cond3A_523 = arith.constant 0 : i32
      %cond3A_524 = arith.cmpi ne, %convert_element_type3A_522, %cond3A_523 : i32
      scf.if %cond3A_524 {
        %dma_wait3A_789 = arith.constant 0 : i32
        %dma_wait3A_790 = arith.constant 0 : i32
        %dma_wait3A_791 = tpu.memref_slice %arg9[%dma_wait3A_789, %dma_wait3A_790] : memref<8x128xi32, #tpu.memory_space<vmem>> -> memref<1x128xi32, #tpu.memory_space<vmem>>
        %dma_wait3A_792 = tpu.memref_squeeze %dma_wait3A_791 : memref<1x128xi32, #tpu.memory_space<vmem>> -> memref<128xi32, #tpu.memory_space<vmem>>
        %dma_wait3A_793 = arith.constant 0 : i32
        %dma_wait3A_794 = arith.constant 0 : i32
        %dma_wait3A_795 = tpu.memref_slice %arg15[%dma_wait3A_793, %dma_wait3A_794] : memref<10112x128xf32, #tpu.memory_space<vmem_shared>> -> memref<10112x128xf32, #tpu.memory_space<vmem_shared>>
        tpu.wait_indirect_dma semaphore(%arg20 : memref<!tpu.dma_semaphore, #tpu.memory_space<semaphore_mem>>) src(%arg12 : memref<128x128xf32, #tpu.memory_space<vmem>>) dst(%dma_wait3A_795 : memref<10112x128xf32, #tpu.memory_space<vmem_shared>>)
        %dma_wait3A_796 = arith.constant 0 : i32
        %dma_wait3A_797 = arith.constant 0 : i32
        %dma_wait3A_798 = tpu.memref_slice %arg9[%dma_wait3A_796, %dma_wait3A_797] : memref<8x128xi32, #tpu.memory_space<vmem>> -> memref<1x128xi32, #tpu.memory_space<vmem>>
        %dma_wait3A_799 = tpu.memref_squeeze %dma_wait3A_798 : memref<1x128xi32, #tpu.memory_space<vmem>> -> memref<128xi32, #tpu.memory_space<vmem>>
        %dma_wait3A_800 = arith.constant 0 : i32
        %dma_wait3A_801 = tpu.memref_slice %arg16[%dma_wait3A_800] : memref<10240xf32, #tpu.memory_space<vmem_shared>> -> memref<10240xf32, #tpu.memory_space<vmem_shared>>
        tpu.wait_indirect_dma semaphore(%arg21 : memref<!tpu.dma_semaphore, #tpu.memory_space<semaphore_mem>>) src(%arg13 : memref<128xf32, #tpu.memory_space<vmem>>) dst(%dma_wait3A_801 : memref<10240xf32, #tpu.memory_space<vmem_shared>>)
        %dma_wait3A_802 = arith.constant 0 : i32
        %dma_wait3A_803 = arith.constant 0 : i32
        %dma_wait3A_804 = tpu.memref_slice %arg9[%dma_wait3A_802, %dma_wait3A_803] : memref<8x128xi32, #tpu.memory_space<vmem>> -> memref<1x128xi32, #tpu.memory_space<vmem>>
        %dma_wait3A_805 = tpu.memref_squeeze %dma_wait3A_804 : memref<1x128xi32, #tpu.memory_space<vmem>> -> memref<128xi32, #tpu.memory_space<vmem>>
        %dma_wait3A_806 = arith.constant 0 : i32
        %dma_wait3A_807 = tpu.memref_slice %arg16[%dma_wait3A_806] : memref<10240xf32, #tpu.memory_space<vmem_shared>> -> memref<10240xf32, #tpu.memory_space<vmem_shared>>
        tpu.wait_indirect_dma semaphore(%arg21 : memref<!tpu.dma_semaphore, #tpu.memory_space<semaphore_mem>>) src(%arg13 : memref<128xf32, #tpu.memory_space<vmem>>) dst(%dma_wait3A_807 : memref<10240xf32, #tpu.memory_space<vmem_shared>>)
        %dma_wait3A_808 = arith.constant 0 : i32
        %dma_wait3A_809 = arith.constant 0 : i32
        %dma_wait3A_810 = tpu.memref_slice %arg9[%dma_wait3A_808, %dma_wait3A_809] : memref<8x128xi32, #tpu.memory_space<vmem>> -> memref<1x128xi32, #tpu.memory_space<vmem>>
        %dma_wait3A_811 = tpu.memref_squeeze %dma_wait3A_810 : memref<1x128xi32, #tpu.memory_space<vmem>> -> memref<128xi32, #tpu.memory_space<vmem>>
        %dma_wait3A_812 = arith.constant 0 : i32
        %dma_wait3A_813 = tpu.memref_slice %arg16[%dma_wait3A_812] : memref<10240xf32, #tpu.memory_space<vmem_shared>> -> memref<10240xf32, #tpu.memory_space<vmem_shared>>
        tpu.wait_indirect_dma semaphore(%arg21 : memref<!tpu.dma_semaphore, #tpu.memory_space<semaphore_mem>>) src(%arg13 : memref<128xf32, #tpu.memory_space<vmem>>) dst(%dma_wait3A_813 : memref<10240xf32, #tpu.memory_space<vmem_shared>>)
        %dma_wait3A_814 = arith.constant 0 : i32
        %dma_wait3A_815 = arith.constant 0 : i32
        %dma_wait3A_816 = tpu.memref_slice %arg9[%dma_wait3A_814, %dma_wait3A_815] : memref<8x128xi32, #tpu.memory_space<vmem>> -> memref<1x128xi32, #tpu.memory_space<vmem>>
        %dma_wait3A_817 = tpu.memref_squeeze %dma_wait3A_816 : memref<1x128xi32, #tpu.memory_space<vmem>> -> memref<128xi32, #tpu.memory_space<vmem>>
        %dma_wait3A_818 = arith.constant 0 : i32
        %dma_wait3A_819 = tpu.memref_slice %arg16[%dma_wait3A_818] : memref<10240xf32, #tpu.memory_space<vmem_shared>> -> memref<10240xf32, #tpu.memory_space<vmem_shared>>
        tpu.wait_indirect_dma semaphore(%arg21 : memref<!tpu.dma_semaphore, #tpu.memory_space<semaphore_mem>>) src(%arg13 : memref<128xf32, #tpu.memory_space<vmem>>) dst(%dma_wait3A_819 : memref<10240xf32, #tpu.memory_space<vmem_shared>>)
        %dma_wait3A_820 = arith.constant 0 : i32
        %dma_wait3A_821 = arith.constant 0 : i32
        %dma_wait3A_822 = tpu.memref_slice %arg9[%dma_wait3A_820, %dma_wait3A_821] : memref<8x128xi32, #tpu.memory_space<vmem>> -> memref<1x128xi32, #tpu.memory_space<vmem>>
        %dma_wait3A_823 = tpu.memref_squeeze %dma_wait3A_822 : memref<1x128xi32, #tpu.memory_space<vmem>> -> memref<128xi32, #tpu.memory_space<vmem>>
        %dma_wait3A_824 = arith.constant 0 : i32
        %dma_wait3A_825 = tpu.memref_slice %arg16[%dma_wait3A_824] : memref<10240xf32, #tpu.memory_space<vmem_shared>> -> memref<10240xf32, #tpu.memory_space<vmem_shared>>
        tpu.wait_indirect_dma semaphore(%arg21 : memref<!tpu.dma_semaphore, #tpu.memory_space<semaphore_mem>>) src(%arg13 : memref<128xf32, #tpu.memory_space<vmem>>) dst(%dma_wait3A_825 : memref<10240xf32, #tpu.memory_space<vmem_shared>>)
        %dma_wait3A_826 = arith.constant 0 : i32
        %dma_wait3A_827 = arith.constant 0 : i32
        %dma_wait3A_828 = tpu.memref_slice %arg9[%dma_wait3A_826, %dma_wait3A_827] : memref<8x128xi32, #tpu.memory_space<vmem>> -> memref<1x128xi32, #tpu.memory_space<vmem>>
        %dma_wait3A_829 = tpu.memref_squeeze %dma_wait3A_828 : memref<1x128xi32, #tpu.memory_space<vmem>> -> memref<128xi32, #tpu.memory_space<vmem>>
        %dma_wait3A_830 = arith.constant 0 : i32
        %dma_wait3A_831 = tpu.memref_slice %arg16[%dma_wait3A_830] : memref<10240xf32, #tpu.memory_space<vmem_shared>> -> memref<10240xf32, #tpu.memory_space<vmem_shared>>
        tpu.wait_indirect_dma semaphore(%arg21 : memref<!tpu.dma_semaphore, #tpu.memory_space<semaphore_mem>>) src(%arg13 : memref<128xf32, #tpu.memory_space<vmem>>) dst(%dma_wait3A_831 : memref<10240xf32, #tpu.memory_space<vmem_shared>>)
        %dma_wait3A_832 = arith.constant 0 : i32
        %dma_wait3A_833 = arith.constant 0 : i32
        %dma_wait3A_834 = tpu.memref_slice %arg9[%dma_wait3A_832, %dma_wait3A_833] : memref<8x128xi32, #tpu.memory_space<vmem>> -> memref<1x128xi32, #tpu.memory_space<vmem>>
        %dma_wait3A_835 = tpu.memref_squeeze %dma_wait3A_834 : memref<1x128xi32, #tpu.memory_space<vmem>> -> memref<128xi32, #tpu.memory_space<vmem>>
        %dma_wait3A_836 = arith.constant 0 : i32
        %dma_wait3A_837 = tpu.memref_slice %arg16[%dma_wait3A_836] : memref<10240xf32, #tpu.memory_space<vmem_shared>> -> memref<10240xf32, #tpu.memory_space<vmem_shared>>
        tpu.wait_indirect_dma semaphore(%arg21 : memref<!tpu.dma_semaphore, #tpu.memory_space<semaphore_mem>>) src(%arg13 : memref<128xf32, #tpu.memory_space<vmem>>) dst(%dma_wait3A_837 : memref<10240xf32, #tpu.memory_space<vmem_shared>>)
        %dma_wait3A_838 = arith.constant 0 : i32
        %dma_wait3A_839 = arith.constant 0 : i32
        %dma_wait3A_840 = tpu.memref_slice %arg9[%dma_wait3A_838, %dma_wait3A_839] : memref<8x128xi32, #tpu.memory_space<vmem>> -> memref<1x128xi32, #tpu.memory_space<vmem>>
        %dma_wait3A_841 = tpu.memref_squeeze %dma_wait3A_840 : memref<1x128xi32, #tpu.memory_space<vmem>> -> memref<128xi32, #tpu.memory_space<vmem>>
        %dma_wait3A_842 = arith.constant 0 : i32
        %dma_wait3A_843 = tpu.memref_slice %arg16[%dma_wait3A_842] : memref<10240xf32, #tpu.memory_space<vmem_shared>> -> memref<10240xf32, #tpu.memory_space<vmem_shared>>
        tpu.wait_indirect_dma semaphore(%arg21 : memref<!tpu.dma_semaphore, #tpu.memory_space<semaphore_mem>>) src(%arg13 : memref<128xf32, #tpu.memory_space<vmem>>) dst(%dma_wait3A_843 : memref<10240xf32, #tpu.memory_space<vmem_shared>>)
        %add3A_844 = arith.constant 1 : i32
        %add3A_845 = arith.addi %add3A_519, %add3A_844 : i32
        %mul3A_846 = arith.constant 8 : i32
        %mul3A_847 = arith.muli %add3A_845, %mul3A_846 : i32
        %dma_start3A_848 = arith.constant 0 : i32
        %dma_start3A_849 = tpu.memref_slice %arg2[%add3A, %mul3A_847, %dma_start3A_848] : memref<32x80x128xi32, #tpu.memory_space<hbm>> -> memref<1x8x128xi32, #tpu.memory_space<hbm>>
        %dma_start3A_850 = tpu.memref_squeeze %dma_start3A_849 : memref<1x8x128xi32, #tpu.memory_space<hbm>> -> memref<8x128xi32, #tpu.memory_space<hbm>>
        %dma_start3A_851 = arith.constant 0 : i32
        %dma_start3A_852 = tpu.memref_slice %arg2[%add3A, %mul3A_847, %dma_start3A_851] : memref<32x80x128xi32, #tpu.memory_space<hbm>> -> memref<1x8x128xi32, #tpu.memory_space<hbm>>
        %dma_start3A_853 = tpu.memref_squeeze %dma_start3A_852 : memref<1x8x128xi32, #tpu.memory_space<hbm>> -> memref<8x128xi32, #tpu.memory_space<hbm>>
        tpu.enqueue_dma source(%dma_start3A_853 : memref<8x128xi32, #tpu.memory_space<hbm>>) target(%arg7 : memref<8x128xi32, #tpu.memory_space<vmem>>) target_semaphore(%arg22 : memref<!tpu.dma_semaphore, #tpu.memory_space<semaphore_mem>>)
        %add3A_854 = arith.constant 1 : i32
        %add3A_855 = arith.addi %add3A_519, %add3A_854 : i32
        %mul3A_856 = arith.constant 8 : i32
        %mul3A_857 = arith.muli %add3A_855, %mul3A_856 : i32
        %dma_start3A_858 = arith.constant 0 : i32
        %dma_start3A_859 = tpu.memref_slice %arg3[%add3A, %mul3A_857, %dma_start3A_858] : memref<32x80x128xi32, #tpu.memory_space<hbm>> -> memref<1x8x128xi32, #tpu.memory_space<hbm>>
        %dma_start3A_860 = tpu.memref_squeeze %dma_start3A_859 : memref<1x8x128xi32, #tpu.memory_space<hbm>> -> memref<8x128xi32, #tpu.memory_space<hbm>>
        %dma_start3A_861 = arith.constant 0 : i32
        %dma_start3A_862 = tpu.memref_slice %arg3[%add3A, %mul3A_857, %dma_start3A_861] : memref<32x80x128xi32, #tpu.memory_space<hbm>> -> memref<1x8x128xi32, #tpu.memory_space<hbm>>
        %dma_start3A_863 = tpu.memref_squeeze %dma_start3A_862 : memref<1x8x128xi32, #tpu.memory_space<hbm>> -> memref<8x128xi32, #tpu.memory_space<hbm>>
        tpu.enqueue_dma source(%dma_start3A_863 : memref<8x128xi32, #tpu.memory_space<hbm>>) target(%arg9 : memref<8x128xi32, #tpu.memory_space<vmem>>) target_semaphore(%arg22 : memref<!tpu.dma_semaphore, #tpu.memory_space<semaphore_mem>>)
      } else {
      }
      %dma_wait3A_525 = arith.constant 0 : i32
      %dma_wait3A_526 = arith.constant 0 : i32
      %dma_wait3A_527 = tpu.memref_slice %arg8[%dma_wait3A_525, %dma_wait3A_526] : memref<8x128xi32, #tpu.memory_space<vmem>> -> memref<1x128xi32, #tpu.memory_space<vmem>>
      %dma_wait3A_528 = tpu.memref_squeeze %dma_wait3A_527 : memref<1x128xi32, #tpu.memory_space<vmem>> -> memref<128xi32, #tpu.memory_space<vmem>>
      %dma_wait3A_529 = arith.constant 0 : i32
      %dma_wait3A_530 = arith.constant 0 : i32
      %dma_wait3A_531 = tpu.memref_slice %arg4[%dma_wait3A_529, %dma_wait3A_530] : memref<10000x128xf32, #tpu.memory_space<hbm>> -> memref<10000x128xf32, #tpu.memory_space<hbm>>
      tpu.wait_indirect_dma semaphore(%arg17 : memref<!tpu.dma_semaphore, #tpu.memory_space<semaphore_mem>>) src(%dma_wait3A_531 : memref<10000x128xf32, #tpu.memory_space<hbm>>) dst(%arg11 : memref<128x128xf32, #tpu.memory_space<vmem>>)
      %dma_start3A_532 = arith.constant 0 : i32
      %dma_start3A_533 = arith.constant 0 : i32
      %dma_start3A_534 = tpu.memref_slice %arg10[%dma_start3A_532, %dma_start3A_533] : memref<8x128xi32, #tpu.memory_space<vmem>> -> memref<1x128xi32, #tpu.memory_space<vmem>>
      %dma_start3A_535 = tpu.memref_squeeze %dma_start3A_534 : memref<1x128xi32, #tpu.memory_space<vmem>> -> memref<128xi32, #tpu.memory_space<vmem>>
      %dma_start3A_536 = arith.constant 0 : i32
      %dma_start3A_537 = tpu.memref_slice %arg16[%dma_start3A_536] : memref<10240xf32, #tpu.memory_space<vmem_shared>> -> memref<10240xf32, #tpu.memory_space<vmem_shared>>
      tpu.enqueue_indirect_dma source(%arg13 : memref<128xf32, #tpu.memory_space<vmem>>) target(%dma_start3A_537 : memref<10240xf32, #tpu.memory_space<vmem_shared>>) offsets(%dma_start3A_535 : memref<128xi32, #tpu.memory_space<vmem>>) semaphore(%arg21 : memref<!tpu.dma_semaphore, #tpu.memory_space<semaphore_mem>>) {add = true}
      %dma_start3A_538 = arith.constant 0 : i32
      %dma_start3A_539 = arith.constant 0 : i32
      %dma_start3A_540 = tpu.memref_slice %arg10[%dma_start3A_538, %dma_start3A_539] : memref<8x128xi32, #tpu.memory_space<vmem>> -> memref<1x128xi32, #tpu.memory_space<vmem>>
      %dma_start3A_541 = tpu.memref_squeeze %dma_start3A_540 : memref<1x128xi32, #tpu.memory_space<vmem>> -> memref<128xi32, #tpu.memory_space<vmem>>
      %dma_start3A_542 = arith.constant 0 : i32
      %dma_start3A_543 = arith.constant 0 : i32
      %dma_start3A_544 = tpu.memref_slice %arg15[%dma_start3A_542, %dma_start3A_543] : memref<10112x128xf32, #tpu.memory_space<vmem_shared>> -> memref<10112x128xf32, #tpu.memory_space<vmem_shared>>
      tpu.enqueue_indirect_dma source(%arg11 : memref<128x128xf32, #tpu.memory_space<vmem>>) target(%dma_start3A_544 : memref<10112x128xf32, #tpu.memory_space<vmem_shared>>) offsets(%dma_start3A_541 : memref<128xi32, #tpu.memory_space<vmem>>) semaphore(%arg19 : memref<!tpu.dma_semaphore, #tpu.memory_space<semaphore_mem>>) {add = true}
      %dma_start3A_545 = arith.constant 1 : i32
      %dma_start3A_546 = arith.constant 0 : i32
      %dma_start3A_547 = tpu.memref_slice %arg8[%dma_start3A_545, %dma_start3A_546] : memref<8x128xi32, #tpu.memory_space<vmem>> -> memref<1x128xi32, #tpu.memory_space<vmem>>
      %dma_start3A_548 = tpu.memref_squeeze %dma_start3A_547 : memref<1x128xi32, #tpu.memory_space<vmem>> -> memref<128xi32, #tpu.memory_space<vmem>>
      %dma_start3A_549 = arith.constant 0 : i32
      %dma_start3A_550 = arith.constant 0 : i32
      %dma_start3A_551 = tpu.memref_slice %arg4[%dma_start3A_549, %dma_start3A_550] : memref<10000x128xf32, #tpu.memory_space<hbm>> -> memref<10000x128xf32, #tpu.memory_space<hbm>>
      tpu.enqueue_indirect_dma source(%dma_start3A_551 : memref<10000x128xf32, #tpu.memory_space<hbm>>) target(%arg12 : memref<128x128xf32, #tpu.memory_space<vmem>>) offsets(%dma_start3A_548 : memref<128xi32, #tpu.memory_space<vmem>>) semaphore(%arg18 : memref<!tpu.dma_semaphore, #tpu.memory_space<semaphore_mem>>)
      %dma_wait3A_552 = arith.constant 1 : i32
      %dma_wait3A_553 = arith.constant 0 : i32
      %dma_wait3A_554 = tpu.memref_slice %arg8[%dma_wait3A_552, %dma_wait3A_553] : memref<8x128xi32, #tpu.memory_space<vmem>> -> memref<1x128xi32, #tpu.memory_space<vmem>>
      %dma_wait3A_555 = tpu.memref_squeeze %dma_wait3A_554 : memref<1x128xi32, #tpu.memory_space<vmem>> -> memref<128xi32, #tpu.memory_space<vmem>>
      %dma_wait3A_556 = arith.constant 0 : i32
      %dma_wait3A_557 = arith.constant 0 : i32
      %dma_wait3A_558 = tpu.memref_slice %arg4[%dma_wait3A_556, %dma_wait3A_557] : memref<10000x128xf32, #tpu.memory_space<hbm>> -> memref<10000x128xf32, #tpu.memory_space<hbm>>
      tpu.wait_indirect_dma semaphore(%arg18 : memref<!tpu.dma_semaphore, #tpu.memory_space<semaphore_mem>>) src(%dma_wait3A_558 : memref<10000x128xf32, #tpu.memory_space<hbm>>) dst(%arg12 : memref<128x128xf32, #tpu.memory_space<vmem>>)
      %dma_start3A_559 = arith.constant 1 : i32
      %dma_start3A_560 = arith.constant 0 : i32
      %dma_start3A_561 = tpu.memref_slice %arg10[%dma_start3A_559, %dma_start3A_560] : memref<8x128xi32, #tpu.memory_space<vmem>> -> memref<1x128xi32, #tpu.memory_space<vmem>>
      %dma_start3A_562 = tpu.memref_squeeze %dma_start3A_561 : memref<1x128xi32, #tpu.memory_space<vmem>> -> memref<128xi32, #tpu.memory_space<vmem>>
      %dma_start3A_563 = arith.constant 0 : i32
      %dma_start3A_564 = tpu.memref_slice %arg16[%dma_start3A_563] : memref<10240xf32, #tpu.memory_space<vmem_shared>> -> memref<10240xf32, #tpu.memory_space<vmem_shared>>
      tpu.enqueue_indirect_dma source(%arg13 : memref<128xf32, #tpu.memory_space<vmem>>) target(%dma_start3A_564 : memref<10240xf32, #tpu.memory_space<vmem_shared>>) offsets(%dma_start3A_562 : memref<128xi32, #tpu.memory_space<vmem>>) semaphore(%arg21 : memref<!tpu.dma_semaphore, #tpu.memory_space<semaphore_mem>>) {add = true}
      %dma_start3A_565 = arith.constant 1 : i32
      %dma_start3A_566 = arith.constant 0 : i32
      %dma_start3A_567 = tpu.memref_slice %arg10[%dma_start3A_565, %dma_start3A_566] : memref<8x128xi32, #tpu.memory_space<vmem>> -> memref<1x128xi32, #tpu.memory_space<vmem>>
      %dma_start3A_568 = tpu.memref_squeeze %dma_start3A_567 : memref<1x128xi32, #tpu.memory_space<vmem>> -> memref<128xi32, #tpu.memory_space<vmem>>
      %dma_start3A_569 = arith.constant 0 : i32
      %dma_start3A_570 = arith.constant 0 : i32
      %dma_start3A_571 = tpu.memref_slice %arg15[%dma_start3A_569, %dma_start3A_570] : memref<10112x128xf32, #tpu.memory_space<vmem_shared>> -> memref<10112x128xf32, #tpu.memory_space<vmem_shared>>
      tpu.enqueue_indirect_dma source(%arg12 : memref<128x128xf32, #tpu.memory_space<vmem>>) target(%dma_start3A_571 : memref<10112x128xf32, #tpu.memory_space<vmem_shared>>) offsets(%dma_start3A_568 : memref<128xi32, #tpu.memory_space<vmem>>) semaphore(%arg20 : memref<!tpu.dma_semaphore, #tpu.memory_space<semaphore_mem>>) {add = true}
      %dma_wait3A_572 = arith.constant 1 : i32
      %dma_wait3A_573 = arith.constant 0 : i32
      %dma_wait3A_574 = tpu.memref_slice %arg10[%dma_wait3A_572, %dma_wait3A_573] : memref<8x128xi32, #tpu.memory_space<vmem>> -> memref<1x128xi32, #tpu.memory_space<vmem>>
      %dma_wait3A_575 = tpu.memref_squeeze %dma_wait3A_574 : memref<1x128xi32, #tpu.memory_space<vmem>> -> memref<128xi32, #tpu.memory_space<vmem>>
      %dma_wait3A_576 = arith.constant 0 : i32
      %dma_wait3A_577 = arith.constant 0 : i32
      %dma_wait3A_578 = tpu.memref_slice %arg15[%dma_wait3A_576, %dma_wait3A_577] : memref<10112x128xf32, #tpu.memory_space<vmem_shared>> -> memref<10112x128xf32, #tpu.memory_space<vmem_shared>>
      tpu.wait_indirect_dma semaphore(%arg19 : memref<!tpu.dma_semaphore, #tpu.memory_space<semaphore_mem>>) src(%arg11 : memref<128x128xf32, #tpu.memory_space<vmem>>) dst(%dma_wait3A_578 : memref<10112x128xf32, #tpu.memory_space<vmem_shared>>)
      %dma_start3A_579 = arith.constant 2 : i32
      %dma_start3A_580 = arith.constant 0 : i32
      %dma_start3A_581 = tpu.memref_slice %arg8[%dma_start3A_579, %dma_start3A_580] : memref<8x128xi32, #tpu.memory_space<vmem>> -> memref<1x128xi32, #tpu.memory_space<vmem>>
      %dma_start3A_582 = tpu.memref_squeeze %dma_start3A_581 : memref<1x128xi32, #tpu.memory_space<vmem>> -> memref<128xi32, #tpu.memory_space<vmem>>
      %dma_start3A_583 = arith.constant 0 : i32
      %dma_start3A_584 = arith.constant 0 : i32
      %dma_start3A_585 = tpu.memref_slice %arg4[%dma_start3A_583, %dma_start3A_584] : memref<10000x128xf32, #tpu.memory_space<hbm>> -> memref<10000x128xf32, #tpu.memory_space<hbm>>
      tpu.enqueue_indirect_dma source(%dma_start3A_585 : memref<10000x128xf32, #tpu.memory_space<hbm>>) target(%arg11 : memref<128x128xf32, #tpu.memory_space<vmem>>) offsets(%dma_start3A_582 : memref<128xi32, #tpu.memory_space<vmem>>) semaphore(%arg17 : memref<!tpu.dma_semaphore, #tpu.memory_space<semaphore_mem>>)
      %dma_wait3A_586 = arith.constant 2 : i32
      %dma_wait3A_587 = arith.constant 0 : i32
      %dma_wait3A_588 = tpu.memref_slice %arg8[%dma_wait3A_586, %dma_wait3A_587] : memref<8x128xi32, #tpu.memory_space<vmem>> -> memref<1x128xi32, #tpu.memory_space<vmem>>
      %dma_wait3A_589 = tpu.memref_squeeze %dma_wait3A_588 : memref<1x128xi32, #tpu.memory_space<vmem>> -> memref<128xi32, #tpu.memory_space<vmem>>
      %dma_wait3A_590 = arith.constant 0 : i32
      %dma_wait3A_591 = arith.constant 0 : i32
      %dma_wait3A_592 = tpu.memref_slice %arg4[%dma_wait3A_590, %dma_wait3A_591] : memref<10000x128xf32, #tpu.memory_space<hbm>> -> memref<10000x128xf32, #tpu.memory_space<hbm>>
      tpu.wait_indirect_dma semaphore(%arg17 : memref<!tpu.dma_semaphore, #tpu.memory_space<semaphore_mem>>) src(%dma_wait3A_592 : memref<10000x128xf32, #tpu.memory_space<hbm>>) dst(%arg11 : memref<128x128xf32, #tpu.memory_space<vmem>>)
      %dma_start3A_593 = arith.constant 2 : i32
      %dma_start3A_594 = arith.constant 0 : i32
      %dma_start3A_595 = tpu.memref_slice %arg10[%dma_start3A_593, %dma_start3A_594] : memref<8x128xi32, #tpu.memory_space<vmem>> -> memref<1x128xi32, #tpu.memory_space<vmem>>
      %dma_start3A_596 = tpu.memref_squeeze %dma_start3A_595 : memref<1x128xi32, #tpu.memory_space<vmem>> -> memref<128xi32, #tpu.memory_space<vmem>>
      %dma_start3A_597 = arith.constant 0 : i32
      %dma_start3A_598 = tpu.memref_slice %arg16[%dma_start3A_597] : memref<10240xf32, #tpu.memory_space<vmem_shared>> -> memref<10240xf32, #tpu.memory_space<vmem_shared>>
      tpu.enqueue_indirect_dma source(%arg13 : memref<128xf32, #tpu.memory_space<vmem>>) target(%dma_start3A_598 : memref<10240xf32, #tpu.memory_space<vmem_shared>>) offsets(%dma_start3A_596 : memref<128xi32, #tpu.memory_space<vmem>>) semaphore(%arg21 : memref<!tpu.dma_semaphore, #tpu.memory_space<semaphore_mem>>) {add = true}
      %dma_start3A_599 = arith.constant 2 : i32
      %dma_start3A_600 = arith.constant 0 : i32
      %dma_start3A_601 = tpu.memref_slice %arg10[%dma_start3A_599, %dma_start3A_600] : memref<8x128xi32, #tpu.memory_space<vmem>> -> memref<1x128xi32, #tpu.memory_space<vmem>>
      %dma_start3A_602 = tpu.memref_squeeze %dma_start3A_601 : memref<1x128xi32, #tpu.memory_space<vmem>> -> memref<128xi32, #tpu.memory_space<vmem>>
      %dma_start3A_603 = arith.constant 0 : i32
      %dma_start3A_604 = arith.constant 0 : i32
      %dma_start3A_605 = tpu.memref_slice %arg15[%dma_start3A_603, %dma_start3A_604] : memref<10112x128xf32, #tpu.memory_space<vmem_shared>> -> memref<10112x128xf32, #tpu.memory_space<vmem_shared>>
      tpu.enqueue_indirect_dma source(%arg11 : memref<128x128xf32, #tpu.memory_space<vmem>>) target(%dma_start3A_605 : memref<10112x128xf32, #tpu.memory_space<vmem_shared>>) offsets(%dma_start3A_602 : memref<128xi32, #tpu.memory_space<vmem>>) semaphore(%arg19 : memref<!tpu.dma_semaphore, #tpu.memory_space<semaphore_mem>>) {add = true}
      %dma_wait3A_606 = arith.constant 2 : i32
      %dma_wait3A_607 = arith.constant 0 : i32
      %dma_wait3A_608 = tpu.memref_slice %arg10[%dma_wait3A_606, %dma_wait3A_607] : memref<8x128xi32, #tpu.memory_space<vmem>> -> memref<1x128xi32, #tpu.memory_space<vmem>>
      %dma_wait3A_609 = tpu.memref_squeeze %dma_wait3A_608 : memref<1x128xi32, #tpu.memory_space<vmem>> -> memref<128xi32, #tpu.memory_space<vmem>>
      %dma_wait3A_610 = arith.constant 0 : i32
      %dma_wait3A_611 = arith.constant 0 : i32
      %dma_wait3A_612 = tpu.memref_slice %arg15[%dma_wait3A_610, %dma_wait3A_611] : memref<10112x128xf32, #tpu.memory_space<vmem_shared>> -> memref<10112x128xf32, #tpu.memory_space<vmem_shared>>
      tpu.wait_indirect_dma semaphore(%arg20 : memref<!tpu.dma_semaphore, #tpu.memory_space<semaphore_mem>>) src(%arg12 : memref<128x128xf32, #tpu.memory_space<vmem>>) dst(%dma_wait3A_612 : memref<10112x128xf32, #tpu.memory_space<vmem_shared>>)
      %dma_start3A_613 = arith.constant 3 : i32
      %dma_start3A_614 = arith.constant 0 : i32
      %dma_start3A_615 = tpu.memref_slice %arg8[%dma_start3A_613, %dma_start3A_614] : memref<8x128xi32, #tpu.memory_space<vmem>> -> memref<1x128xi32, #tpu.memory_space<vmem>>
      %dma_start3A_616 = tpu.memref_squeeze %dma_start3A_615 : memref<1x128xi32, #tpu.memory_space<vmem>> -> memref<128xi32, #tpu.memory_space<vmem>>
      %dma_start3A_617 = arith.constant 0 : i32
      %dma_start3A_618 = arith.constant 0 : i32
      %dma_start3A_619 = tpu.memref_slice %arg4[%dma_start3A_617, %dma_start3A_618] : memref<10000x128xf32, #tpu.memory_space<hbm>> -> memref<10000x128xf32, #tpu.memory_space<hbm>>
      tpu.enqueue_indirect_dma source(%dma_start3A_619 : memref<10000x128xf32, #tpu.memory_space<hbm>>) target(%arg12 : memref<128x128xf32, #tpu.memory_space<vmem>>) offsets(%dma_start3A_616 : memref<128xi32, #tpu.memory_space<vmem>>) semaphore(%arg18 : memref<!tpu.dma_semaphore, #tpu.memory_space<semaphore_mem>>)
      %dma_wait3A_620 = arith.constant 3 : i32
      %dma_wait3A_621 = arith.constant 0 : i32
      %dma_wait3A_622 = tpu.memref_slice %arg8[%dma_wait3A_620, %dma_wait3A_621] : memref<8x128xi32, #tpu.memory_space<vmem>> -> memref<1x128xi32, #tpu.memory_space<vmem>>
      %dma_wait3A_623 = tpu.memref_squeeze %dma_wait3A_622 : memref<1x128xi32, #tpu.memory_space<vmem>> -> memref<128xi32, #tpu.memory_space<vmem>>
      %dma_wait3A_624 = arith.constant 0 : i32
      %dma_wait3A_625 = arith.constant 0 : i32
      %dma_wait3A_626 = tpu.memref_slice %arg4[%dma_wait3A_624, %dma_wait3A_625] : memref<10000x128xf32, #tpu.memory_space<hbm>> -> memref<10000x128xf32, #tpu.memory_space<hbm>>
      tpu.wait_indirect_dma semaphore(%arg18 : memref<!tpu.dma_semaphore, #tpu.memory_space<semaphore_mem>>) src(%dma_wait3A_626 : memref<10000x128xf32, #tpu.memory_space<hbm>>) dst(%arg12 : memref<128x128xf32, #tpu.memory_space<vmem>>)
      %dma_start3A_627 = arith.constant 3 : i32
      %dma_start3A_628 = arith.constant 0 : i32
      %dma_start3A_629 = tpu.memref_slice %arg10[%dma_start3A_627, %dma_start3A_628] : memref<8x128xi32, #tpu.memory_space<vmem>> -> memref<1x128xi32, #tpu.memory_space<vmem>>
      %dma_start3A_630 = tpu.memref_squeeze %dma_start3A_629 : memref<1x128xi32, #tpu.memory_space<vmem>> -> memref<128xi32, #tpu.memory_space<vmem>>
      %dma_start3A_631 = arith.constant 0 : i32
      %dma_start3A_632 = tpu.memref_slice %arg16[%dma_start3A_631] : memref<10240xf32, #tpu.memory_space<vmem_shared>> -> memref<10240xf32, #tpu.memory_space<vmem_shared>>
      tpu.enqueue_indirect_dma source(%arg13 : memref<128xf32, #tpu.memory_space<vmem>>) target(%dma_start3A_632 : memref<10240xf32, #tpu.memory_space<vmem_shared>>) offsets(%dma_start3A_630 : memref<128xi32, #tpu.memory_space<vmem>>) semaphore(%arg21 : memref<!tpu.dma_semaphore, #tpu.memory_space<semaphore_mem>>) {add = true}
      %dma_start3A_633 = arith.constant 3 : i32
      %dma_start3A_634 = arith.constant 0 : i32
      %dma_start3A_635 = tpu.memref_slice %arg10[%dma_start3A_633, %dma_start3A_634] : memref<8x128xi32, #tpu.memory_space<vmem>> -> memref<1x128xi32, #tpu.memory_space<vmem>>
      %dma_start3A_636 = tpu.memref_squeeze %dma_start3A_635 : memref<1x128xi32, #tpu.memory_space<vmem>> -> memref<128xi32, #tpu.memory_space<vmem>>
      %dma_start3A_637 = arith.constant 0 : i32
      %dma_start3A_638 = arith.constant 0 : i32
      %dma_start3A_639 = tpu.memref_slice %arg15[%dma_start3A_637, %dma_start3A_638] : memref<10112x128xf32, #tpu.memory_space<vmem_shared>> -> memref<10112x128xf32, #tpu.memory_space<vmem_shared>>
      tpu.enqueue_indirect_dma source(%arg12 : memref<128x128xf32, #tpu.memory_space<vmem>>) target(%dma_start3A_639 : memref<10112x128xf32, #tpu.memory_space<vmem_shared>>) offsets(%dma_start3A_636 : memref<128xi32, #tpu.memory_space<vmem>>) semaphore(%arg20 : memref<!tpu.dma_semaphore, #tpu.memory_space<semaphore_mem>>) {add = true}
      %dma_wait3A_640 = arith.constant 3 : i32
      %dma_wait3A_641 = arith.constant 0 : i32
      %dma_wait3A_642 = tpu.memref_slice %arg10[%dma_wait3A_640, %dma_wait3A_641] : memref<8x128xi32, #tpu.memory_space<vmem>> -> memref<1x128xi32, #tpu.memory_space<vmem>>
      %dma_wait3A_643 = tpu.memref_squeeze %dma_wait3A_642 : memref<1x128xi32, #tpu.memory_space<vmem>> -> memref<128xi32, #tpu.memory_space<vmem>>
      %dma_wait3A_644 = arith.constant 0 : i32
      %dma_wait3A_645 = arith.constant 0 : i32
      %dma_wait3A_646 = tpu.memref_slice %arg15[%dma_wait3A_644, %dma_wait3A_645] : memref<10112x128xf32, #tpu.memory_space<vmem_shared>> -> memref<10112x128xf32, #tpu.memory_space<vmem_shared>>
      tpu.wait_indirect_dma semaphore(%arg19 : memref<!tpu.dma_semaphore, #tpu.memory_space<semaphore_mem>>) src(%arg11 : memref<128x128xf32, #tpu.memory_space<vmem>>) dst(%dma_wait3A_646 : memref<10112x128xf32, #tpu.memory_space<vmem_shared>>)
      %dma_start3A_647 = arith.constant 4 : i32
      %dma_start3A_648 = arith.constant 0 : i32
      %dma_start3A_649 = tpu.memref_slice %arg8[%dma_start3A_647, %dma_start3A_648] : memref<8x128xi32, #tpu.memory_space<vmem>> -> memref<1x128xi32, #tpu.memory_space<vmem>>
      %dma_start3A_650 = tpu.memref_squeeze %dma_start3A_649 : memref<1x128xi32, #tpu.memory_space<vmem>> -> memref<128xi32, #tpu.memory_space<vmem>>
      %dma_start3A_651 = arith.constant 0 : i32
      %dma_start3A_652 = arith.constant 0 : i32
      %dma_start3A_653 = tpu.memref_slice %arg4[%dma_start3A_651, %dma_start3A_652] : memref<10000x128xf32, #tpu.memory_space<hbm>> -> memref<10000x128xf32, #tpu.memory_space<hbm>>
      tpu.enqueue_indirect_dma source(%dma_start3A_653 : memref<10000x128xf32, #tpu.memory_space<hbm>>) target(%arg11 : memref<128x128xf32, #tpu.memory_space<vmem>>) offsets(%dma_start3A_650 : memref<128xi32, #tpu.memory_space<vmem>>) semaphore(%arg17 : memref<!tpu.dma_semaphore, #tpu.memory_space<semaphore_mem>>)
      %dma_wait3A_654 = arith.constant 4 : i32
      %dma_wait3A_655 = arith.constant 0 : i32
      %dma_wait3A_656 = tpu.memref_slice %arg8[%dma_wait3A_654, %dma_wait3A_655] : memref<8x128xi32, #tpu.memory_space<vmem>> -> memref<1x128xi32, #tpu.memory_space<vmem>>
      %dma_wait3A_657 = tpu.memref_squeeze %dma_wait3A_656 : memref<1x128xi32, #tpu.memory_space<vmem>> -> memref<128xi32, #tpu.memory_space<vmem>>
      %dma_wait3A_658 = arith.constant 0 : i32
      %dma_wait3A_659 = arith.constant 0 : i32
      %dma_wait3A_660 = tpu.memref_slice %arg4[%dma_wait3A_658, %dma_wait3A_659] : memref<10000x128xf32, #tpu.memory_space<hbm>> -> memref<10000x128xf32, #tpu.memory_space<hbm>>
      tpu.wait_indirect_dma semaphore(%arg17 : memref<!tpu.dma_semaphore, #tpu.memory_space<semaphore_mem>>) src(%dma_wait3A_660 : memref<10000x128xf32, #tpu.memory_space<hbm>>) dst(%arg11 : memref<128x128xf32, #tpu.memory_space<vmem>>)
      %dma_start3A_661 = arith.constant 4 : i32
      %dma_start3A_662 = arith.constant 0 : i32
      %dma_start3A_663 = tpu.memref_slice %arg10[%dma_start3A_661, %dma_start3A_662] : memref<8x128xi32, #tpu.memory_space<vmem>> -> memref<1x128xi32, #tpu.memory_space<vmem>>
      %dma_start3A_664 = tpu.memref_squeeze %dma_start3A_663 : memref<1x128xi32, #tpu.memory_space<vmem>> -> memref<128xi32, #tpu.memory_space<vmem>>
      %dma_start3A_665 = arith.constant 0 : i32
      %dma_start3A_666 = tpu.memref_slice %arg16[%dma_start3A_665] : memref<10240xf32, #tpu.memory_space<vmem_shared>> -> memref<10240xf32, #tpu.memory_space<vmem_shared>>
      tpu.enqueue_indirect_dma source(%arg13 : memref<128xf32, #tpu.memory_space<vmem>>) target(%dma_start3A_666 : memref<10240xf32, #tpu.memory_space<vmem_shared>>) offsets(%dma_start3A_664 : memref<128xi32, #tpu.memory_space<vmem>>) semaphore(%arg21 : memref<!tpu.dma_semaphore, #tpu.memory_space<semaphore_mem>>) {add = true}
      %dma_start3A_667 = arith.constant 4 : i32
      %dma_start3A_668 = arith.constant 0 : i32
      %dma_start3A_669 = tpu.memref_slice %arg10[%dma_start3A_667, %dma_start3A_668] : memref<8x128xi32, #tpu.memory_space<vmem>> -> memref<1x128xi32, #tpu.memory_space<vmem>>
      %dma_start3A_670 = tpu.memref_squeeze %dma_start3A_669 : memref<1x128xi32, #tpu.memory_space<vmem>> -> memref<128xi32, #tpu.memory_space<vmem>>
      %dma_start3A_671 = arith.constant 0 : i32
      %dma_start3A_672 = arith.constant 0 : i32
      %dma_start3A_673 = tpu.memref_slice %arg15[%dma_start3A_671, %dma_start3A_672] : memref<10112x128xf32, #tpu.memory_space<vmem_shared>> -> memref<10112x128xf32, #tpu.memory_space<vmem_shared>>
      tpu.enqueue_indirect_dma source(%arg11 : memref<128x128xf32, #tpu.memory_space<vmem>>) target(%dma_start3A_673 : memref<10112x128xf32, #tpu.memory_space<vmem_shared>>) offsets(%dma_start3A_670 : memref<128xi32, #tpu.memory_space<vmem>>) semaphore(%arg19 : memref<!tpu.dma_semaphore, #tpu.memory_space<semaphore_mem>>) {add = true}
      %dma_wait3A_674 = arith.constant 4 : i32
      %dma_wait3A_675 = arith.constant 0 : i32
      %dma_wait3A_676 = tpu.memref_slice %arg10[%dma_wait3A_674, %dma_wait3A_675] : memref<8x128xi32, #tpu.memory_space<vmem>> -> memref<1x128xi32, #tpu.memory_space<vmem>>
      %dma_wait3A_677 = tpu.memref_squeeze %dma_wait3A_676 : memref<1x128xi32, #tpu.memory_space<vmem>> -> memref<128xi32, #tpu.memory_space<vmem>>
      %dma_wait3A_678 = arith.constant 0 : i32
      %dma_wait3A_679 = arith.constant 0 : i32
      %dma_wait3A_680 = tpu.memref_slice %arg15[%dma_wait3A_678, %dma_wait3A_679] : memref<10112x128xf32, #tpu.memory_space<vmem_shared>> -> memref<10112x128xf32, #tpu.memory_space<vmem_shared>>
      tpu.wait_indirect_dma semaphore(%arg20 : memref<!tpu.dma_semaphore, #tpu.memory_space<semaphore_mem>>) src(%arg12 : memref<128x128xf32, #tpu.memory_space<vmem>>) dst(%dma_wait3A_680 : memref<10112x128xf32, #tpu.memory_space<vmem_shared>>)
      %dma_start3A_681 = arith.constant 5 : i32
      %dma_start3A_682 = arith.constant 0 : i32
      %dma_start3A_683 = tpu.memref_slice %arg8[%dma_start3A_681, %dma_start3A_682] : memref<8x128xi32, #tpu.memory_space<vmem>> -> memref<1x128xi32, #tpu.memory_space<vmem>>
      %dma_start3A_684 = tpu.memref_squeeze %dma_start3A_683 : memref<1x128xi32, #tpu.memory_space<vmem>> -> memref<128xi32, #tpu.memory_space<vmem>>
      %dma_start3A_685 = arith.constant 0 : i32
      %dma_start3A_686 = arith.constant 0 : i32
      %dma_start3A_687 = tpu.memref_slice %arg4[%dma_start3A_685, %dma_start3A_686] : memref<10000x128xf32, #tpu.memory_space<hbm>> -> memref<10000x128xf32, #tpu.memory_space<hbm>>
      tpu.enqueue_indirect_dma source(%dma_start3A_687 : memref<10000x128xf32, #tpu.memory_space<hbm>>) target(%arg12 : memref<128x128xf32, #tpu.memory_space<vmem>>) offsets(%dma_start3A_684 : memref<128xi32, #tpu.memory_space<vmem>>) semaphore(%arg18 : memref<!tpu.dma_semaphore, #tpu.memory_space<semaphore_mem>>)
      %dma_wait3A_688 = arith.constant 5 : i32
      %dma_wait3A_689 = arith.constant 0 : i32
      %dma_wait3A_690 = tpu.memref_slice %arg8[%dma_wait3A_688, %dma_wait3A_689] : memref<8x128xi32, #tpu.memory_space<vmem>> -> memref<1x128xi32, #tpu.memory_space<vmem>>
      %dma_wait3A_691 = tpu.memref_squeeze %dma_wait3A_690 : memref<1x128xi32, #tpu.memory_space<vmem>> -> memref<128xi32, #tpu.memory_space<vmem>>
      %dma_wait3A_692 = arith.constant 0 : i32
      %dma_wait3A_693 = arith.constant 0 : i32
      %dma_wait3A_694 = tpu.memref_slice %arg4[%dma_wait3A_692, %dma_wait3A_693] : memref<10000x128xf32, #tpu.memory_space<hbm>> -> memref<10000x128xf32, #tpu.memory_space<hbm>>
      tpu.wait_indirect_dma semaphore(%arg18 : memref<!tpu.dma_semaphore, #tpu.memory_space<semaphore_mem>>) src(%dma_wait3A_694 : memref<10000x128xf32, #tpu.memory_space<hbm>>) dst(%arg12 : memref<128x128xf32, #tpu.memory_space<vmem>>)
      %dma_start3A_695 = arith.constant 5 : i32
      %dma_start3A_696 = arith.constant 0 : i32
      %dma_start3A_697 = tpu.memref_slice %arg10[%dma_start3A_695, %dma_start3A_696] : memref<8x128xi32, #tpu.memory_space<vmem>> -> memref<1x128xi32, #tpu.memory_space<vmem>>
      %dma_start3A_698 = tpu.memref_squeeze %dma_start3A_697 : memref<1x128xi32, #tpu.memory_space<vmem>> -> memref<128xi32, #tpu.memory_space<vmem>>
      %dma_start3A_699 = arith.constant 0 : i32
      %dma_start3A_700 = tpu.memref_slice %arg16[%dma_start3A_699] : memref<10240xf32, #tpu.memory_space<vmem_shared>> -> memref<10240xf32, #tpu.memory_space<vmem_shared>>
      tpu.enqueue_indirect_dma source(%arg13 : memref<128xf32, #tpu.memory_space<vmem>>) target(%dma_start3A_700 : memref<10240xf32, #tpu.memory_space<vmem_shared>>) offsets(%dma_start3A_698 : memref<128xi32, #tpu.memory_space<vmem>>) semaphore(%arg21 : memref<!tpu.dma_semaphore, #tpu.memory_space<semaphore_mem>>) {add = true}
      %dma_start3A_701 = arith.constant 5 : i32
      %dma_start3A_702 = arith.constant 0 : i32
      %dma_start3A_703 = tpu.memref_slice %arg10[%dma_start3A_701, %dma_start3A_702] : memref<8x128xi32, #tpu.memory_space<vmem>> -> memref<1x128xi32, #tpu.memory_space<vmem>>
      %dma_start3A_704 = tpu.memref_squeeze %dma_start3A_703 : memref<1x128xi32, #tpu.memory_space<vmem>> -> memref<128xi32, #tpu.memory_space<vmem>>
      %dma_start3A_705 = arith.constant 0 : i32
      %dma_start3A_706 = arith.constant 0 : i32
      %dma_start3A_707 = tpu.memref_slice %arg15[%dma_start3A_705, %dma_start3A_706] : memref<10112x128xf32, #tpu.memory_space<vmem_shared>> -> memref<10112x128xf32, #tpu.memory_space<vmem_shared>>
      tpu.enqueue_indirect_dma source(%arg12 : memref<128x128xf32, #tpu.memory_space<vmem>>) target(%dma_start3A_707 : memref<10112x128xf32, #tpu.memory_space<vmem_shared>>) offsets(%dma_start3A_704 : memref<128xi32, #tpu.memory_space<vmem>>) semaphore(%arg20 : memref<!tpu.dma_semaphore, #tpu.memory_space<semaphore_mem>>) {add = true}
      %dma_wait3A_708 = arith.constant 5 : i32
      %dma_wait3A_709 = arith.constant 0 : i32
      %dma_wait3A_710 = tpu.memref_slice %arg10[%dma_wait3A_708, %dma_wait3A_709] : memref<8x128xi32, #tpu.memory_space<vmem>> -> memref<1x128xi32, #tpu.memory_space<vmem>>
      %dma_wait3A_711 = tpu.memref_squeeze %dma_wait3A_710 : memref<1x128xi32, #tpu.memory_space<vmem>> -> memref<128xi32, #tpu.memory_space<vmem>>
      %dma_wait3A_712 = arith.constant 0 : i32
      %dma_wait3A_713 = arith.constant 0 : i32
      %dma_wait3A_714 = tpu.memref_slice %arg15[%dma_wait3A_712, %dma_wait3A_713] : memref<10112x128xf32, #tpu.memory_space<vmem_shared>> -> memref<10112x128xf32, #tpu.memory_space<vmem_shared>>
      tpu.wait_indirect_dma semaphore(%arg19 : memref<!tpu.dma_semaphore, #tpu.memory_space<semaphore_mem>>) src(%arg11 : memref<128x128xf32, #tpu.memory_space<vmem>>) dst(%dma_wait3A_714 : memref<10112x128xf32, #tpu.memory_space<vmem_shared>>)
      %dma_start3A_715 = arith.constant 6 : i32
      %dma_start3A_716 = arith.constant 0 : i32
      %dma_start3A_717 = tpu.memref_slice %arg8[%dma_start3A_715, %dma_start3A_716] : memref<8x128xi32, #tpu.memory_space<vmem>> -> memref<1x128xi32, #tpu.memory_space<vmem>>
      %dma_start3A_718 = tpu.memref_squeeze %dma_start3A_717 : memref<1x128xi32, #tpu.memory_space<vmem>> -> memref<128xi32, #tpu.memory_space<vmem>>
      %dma_start3A_719 = arith.constant 0 : i32
      %dma_start3A_720 = arith.constant 0 : i32
      %dma_start3A_721 = tpu.memref_slice %arg4[%dma_start3A_719, %dma_start3A_720] : memref<10000x128xf32, #tpu.memory_space<hbm>> -> memref<10000x128xf32, #tpu.memory_space<hbm>>
      tpu.enqueue_indirect_dma source(%dma_start3A_721 : memref<10000x128xf32, #tpu.memory_space<hbm>>) target(%arg11 : memref<128x128xf32, #tpu.memory_space<vmem>>) offsets(%dma_start3A_718 : memref<128xi32, #tpu.memory_space<vmem>>) semaphore(%arg17 : memref<!tpu.dma_semaphore, #tpu.memory_space<semaphore_mem>>)
      %dma_wait3A_722 = arith.constant 6 : i32
      %dma_wait3A_723 = arith.constant 0 : i32
      %dma_wait3A_724 = tpu.memref_slice %arg8[%dma_wait3A_722, %dma_wait3A_723] : memref<8x128xi32, #tpu.memory_space<vmem>> -> memref<1x128xi32, #tpu.memory_space<vmem>>
      %dma_wait3A_725 = tpu.memref_squeeze %dma_wait3A_724 : memref<1x128xi32, #tpu.memory_space<vmem>> -> memref<128xi32, #tpu.memory_space<vmem>>
      %dma_wait3A_726 = arith.constant 0 : i32
      %dma_wait3A_727 = arith.constant 0 : i32
      %dma_wait3A_728 = tpu.memref_slice %arg4[%dma_wait3A_726, %dma_wait3A_727] : memref<10000x128xf32, #tpu.memory_space<hbm>> -> memref<10000x128xf32, #tpu.memory_space<hbm>>
      tpu.wait_indirect_dma semaphore(%arg17 : memref<!tpu.dma_semaphore, #tpu.memory_space<semaphore_mem>>) src(%dma_wait3A_728 : memref<10000x128xf32, #tpu.memory_space<hbm>>) dst(%arg11 : memref<128x128xf32, #tpu.memory_space<vmem>>)
      %dma_start3A_729 = arith.constant 6 : i32
      %dma_start3A_730 = arith.constant 0 : i32
      %dma_start3A_731 = tpu.memref_slice %arg10[%dma_start3A_729, %dma_start3A_730] : memref<8x128xi32, #tpu.memory_space<vmem>> -> memref<1x128xi32, #tpu.memory_space<vmem>>
      %dma_start3A_732 = tpu.memref_squeeze %dma_start3A_731 : memref<1x128xi32, #tpu.memory_space<vmem>> -> memref<128xi32, #tpu.memory_space<vmem>>
      %dma_start3A_733 = arith.constant 0 : i32
      %dma_start3A_734 = tpu.memref_slice %arg16[%dma_start3A_733] : memref<10240xf32, #tpu.memory_space<vmem_shared>> -> memref<10240xf32, #tpu.memory_space<vmem_shared>>
      tpu.enqueue_indirect_dma source(%arg13 : memref<128xf32, #tpu.memory_space<vmem>>) target(%dma_start3A_734 : memref<10240xf32, #tpu.memory_space<vmem_shared>>) offsets(%dma_start3A_732 : memref<128xi32, #tpu.memory_space<vmem>>) semaphore(%arg21 : memref<!tpu.dma_semaphore, #tpu.memory_space<semaphore_mem>>) {add = true}
      %dma_start3A_735 = arith.constant 6 : i32
      %dma_start3A_736 = arith.constant 0 : i32
      %dma_start3A_737 = tpu.memref_slice %arg10[%dma_start3A_735, %dma_start3A_736] : memref<8x128xi32, #tpu.memory_space<vmem>> -> memref<1x128xi32, #tpu.memory_space<vmem>>
      %dma_start3A_738 = tpu.memref_squeeze %dma_start3A_737 : memref<1x128xi32, #tpu.memory_space<vmem>> -> memref<128xi32, #tpu.memory_space<vmem>>
      %dma_start3A_739 = arith.constant 0 : i32
      %dma_start3A_740 = arith.constant 0 : i32
      %dma_start3A_741 = tpu.memref_slice %arg15[%dma_start3A_739, %dma_start3A_740] : memref<10112x128xf32, #tpu.memory_space<vmem_shared>> -> memref<10112x128xf32, #tpu.memory_space<vmem_shared>>
      tpu.enqueue_indirect_dma source(%arg11 : memref<128x128xf32, #tpu.memory_space<vmem>>) target(%dma_start3A_741 : memref<10112x128xf32, #tpu.memory_space<vmem_shared>>) offsets(%dma_start3A_738 : memref<128xi32, #tpu.memory_space<vmem>>) semaphore(%arg19 : memref<!tpu.dma_semaphore, #tpu.memory_space<semaphore_mem>>) {add = true}
      %dma_wait3A_742 = arith.constant 6 : i32
      %dma_wait3A_743 = arith.constant 0 : i32
      %dma_wait3A_744 = tpu.memref_slice %arg10[%dma_wait3A_742, %dma_wait3A_743] : memref<8x128xi32, #tpu.memory_space<vmem>> -> memref<1x128xi32, #tpu.memory_space<vmem>>
      %dma_wait3A_745 = tpu.memref_squeeze %dma_wait3A_744 : memref<1x128xi32, #tpu.memory_space<vmem>> -> memref<128xi32, #tpu.memory_space<vmem>>
      %dma_wait3A_746 = arith.constant 0 : i32
      %dma_wait3A_747 = arith.constant 0 : i32
      %dma_wait3A_748 = tpu.memref_slice %arg15[%dma_wait3A_746, %dma_wait3A_747] : memref<10112x128xf32, #tpu.memory_space<vmem_shared>> -> memref<10112x128xf32, #tpu.memory_space<vmem_shared>>
      tpu.wait_indirect_dma semaphore(%arg20 : memref<!tpu.dma_semaphore, #tpu.memory_space<semaphore_mem>>) src(%arg12 : memref<128x128xf32, #tpu.memory_space<vmem>>) dst(%dma_wait3A_748 : memref<10112x128xf32, #tpu.memory_space<vmem_shared>>)
      %dma_start3A_749 = arith.constant 7 : i32
      %dma_start3A_750 = arith.constant 0 : i32
      %dma_start3A_751 = tpu.memref_slice %arg8[%dma_start3A_749, %dma_start3A_750] : memref<8x128xi32, #tpu.memory_space<vmem>> -> memref<1x128xi32, #tpu.memory_space<vmem>>
      %dma_start3A_752 = tpu.memref_squeeze %dma_start3A_751 : memref<1x128xi32, #tpu.memory_space<vmem>> -> memref<128xi32, #tpu.memory_space<vmem>>
      %dma_start3A_753 = arith.constant 0 : i32
      %dma_start3A_754 = arith.constant 0 : i32
      %dma_start3A_755 = tpu.memref_slice %arg4[%dma_start3A_753, %dma_start3A_754] : memref<10000x128xf32, #tpu.memory_space<hbm>> -> memref<10000x128xf32, #tpu.memory_space<hbm>>
      tpu.enqueue_indirect_dma source(%dma_start3A_755 : memref<10000x128xf32, #tpu.memory_space<hbm>>) target(%arg12 : memref<128x128xf32, #tpu.memory_space<vmem>>) offsets(%dma_start3A_752 : memref<128xi32, #tpu.memory_space<vmem>>) semaphore(%arg18 : memref<!tpu.dma_semaphore, #tpu.memory_space<semaphore_mem>>)
      %dma_wait3A_756 = arith.constant 7 : i32
      %dma_wait3A_757 = arith.constant 0 : i32
      %dma_wait3A_758 = tpu.memref_slice %arg8[%dma_wait3A_756, %dma_wait3A_757] : memref<8x128xi32, #tpu.memory_space<vmem>> -> memref<1x128xi32, #tpu.memory_space<vmem>>
      %dma_wait3A_759 = tpu.memref_squeeze %dma_wait3A_758 : memref<1x128xi32, #tpu.memory_space<vmem>> -> memref<128xi32, #tpu.memory_space<vmem>>
      %dma_wait3A_760 = arith.constant 0 : i32
      %dma_wait3A_761 = arith.constant 0 : i32
      %dma_wait3A_762 = tpu.memref_slice %arg4[%dma_wait3A_760, %dma_wait3A_761] : memref<10000x128xf32, #tpu.memory_space<hbm>> -> memref<10000x128xf32, #tpu.memory_space<hbm>>
      tpu.wait_indirect_dma semaphore(%arg18 : memref<!tpu.dma_semaphore, #tpu.memory_space<semaphore_mem>>) src(%dma_wait3A_762 : memref<10000x128xf32, #tpu.memory_space<hbm>>) dst(%arg12 : memref<128x128xf32, #tpu.memory_space<vmem>>)
      %dma_start3A_763 = arith.constant 7 : i32
      %dma_start3A_764 = arith.constant 0 : i32
      %dma_start3A_765 = tpu.memref_slice %arg10[%dma_start3A_763, %dma_start3A_764] : memref<8x128xi32, #tpu.memory_space<vmem>> -> memref<1x128xi32, #tpu.memory_space<vmem>>
      %dma_start3A_766 = tpu.memref_squeeze %dma_start3A_765 : memref<1x128xi32, #tpu.memory_space<vmem>> -> memref<128xi32, #tpu.memory_space<vmem>>
      %dma_start3A_767 = arith.constant 0 : i32
      %dma_start3A_768 = tpu.memref_slice %arg16[%dma_start3A_767] : memref<10240xf32, #tpu.memory_space<vmem_shared>> -> memref<10240xf32, #tpu.memory_space<vmem_shared>>
      tpu.enqueue_indirect_dma source(%arg13 : memref<128xf32, #tpu.memory_space<vmem>>) target(%dma_start3A_768 : memref<10240xf32, #tpu.memory_space<vmem_shared>>) offsets(%dma_start3A_766 : memref<128xi32, #tpu.memory_space<vmem>>) semaphore(%arg21 : memref<!tpu.dma_semaphore, #tpu.memory_space<semaphore_mem>>) {add = true}
      %dma_start3A_769 = arith.constant 7 : i32
      %dma_start3A_770 = arith.constant 0 : i32
      %dma_start3A_771 = tpu.memref_slice %arg10[%dma_start3A_769, %dma_start3A_770] : memref<8x128xi32, #tpu.memory_space<vmem>> -> memref<1x128xi32, #tpu.memory_space<vmem>>
      %dma_start3A_772 = tpu.memref_squeeze %dma_start3A_771 : memref<1x128xi32, #tpu.memory_space<vmem>> -> memref<128xi32, #tpu.memory_space<vmem>>
      %dma_start3A_773 = arith.constant 0 : i32
      %dma_start3A_774 = arith.constant 0 : i32
      %dma_start3A_775 = tpu.memref_slice %arg15[%dma_start3A_773, %dma_start3A_774] : memref<10112x128xf32, #tpu.memory_space<vmem_shared>> -> memref<10112x128xf32, #tpu.memory_space<vmem_shared>>
      tpu.enqueue_indirect_dma source(%arg12 : memref<128x128xf32, #tpu.memory_space<vmem>>) target(%dma_start3A_775 : memref<10112x128xf32, #tpu.memory_space<vmem_shared>>) offsets(%dma_start3A_772 : memref<128xi32, #tpu.memory_space<vmem>>) semaphore(%arg20 : memref<!tpu.dma_semaphore, #tpu.memory_space<semaphore_mem>>) {add = true}
      %dma_wait3A_776 = arith.constant 7 : i32
      %dma_wait3A_777 = arith.constant 0 : i32
      %dma_wait3A_778 = tpu.memref_slice %arg10[%dma_wait3A_776, %dma_wait3A_777] : memref<8x128xi32, #tpu.memory_space<vmem>> -> memref<1x128xi32, #tpu.memory_space<vmem>>
      %dma_wait3A_779 = tpu.memref_squeeze %dma_wait3A_778 : memref<1x128xi32, #tpu.memory_space<vmem>> -> memref<128xi32, #tpu.memory_space<vmem>>
      %dma_wait3A_780 = arith.constant 0 : i32
      %dma_wait3A_781 = arith.constant 0 : i32
      %dma_wait3A_782 = tpu.memref_slice %arg15[%dma_wait3A_780, %dma_wait3A_781] : memref<10112x128xf32, #tpu.memory_space<vmem_shared>> -> memref<10112x128xf32, #tpu.memory_space<vmem_shared>>
      tpu.wait_indirect_dma semaphore(%arg19 : memref<!tpu.dma_semaphore, #tpu.memory_space<semaphore_mem>>) src(%arg11 : memref<128x128xf32, #tpu.memory_space<vmem>>) dst(%dma_wait3A_782 : memref<10112x128xf32, #tpu.memory_space<vmem_shared>>)
      %lt3A_783 = arith.constant 9 : i32
      %lt3A_784 = arith.cmpi slt, %add3A_519, %lt3A_783 : i32
      %convert_element_type3A_785 = arith.extui %lt3A_784 : i1 to i32
      %cond3A_786 = arith.constant 0 : i32
      %cond3A_787 = arith.cmpi ne, %convert_element_type3A_785, %cond3A_786 : i32
      scf.if %cond3A_787 {
        %dma_wait3A_789 = arith.constant 0 : i32
        %dma_wait3A_790 = arith.constant 0 : i32
        %dma_wait3A_791 = tpu.memref_slice %arg2[%add3A, %dma_wait3A_789, %dma_wait3A_790] : memref<32x80x128xi32, #tpu.memory_space<hbm>> -> memref<1x8x128xi32, #tpu.memory_space<hbm>>
        %dma_wait3A_792 = tpu.memref_squeeze %dma_wait3A_791 : memref<1x8x128xi32, #tpu.memory_space<hbm>> -> memref<8x128xi32, #tpu.memory_space<hbm>>
        %dma_wait3A_793 = arith.constant 0 : i32
        %dma_wait3A_794 = arith.constant 0 : i32
        %dma_wait3A_795 = tpu.memref_slice %arg2[%add3A, %dma_wait3A_793, %dma_wait3A_794] : memref<32x80x128xi32, #tpu.memory_space<hbm>> -> memref<1x8x128xi32, #tpu.memory_space<hbm>>
        %dma_wait3A_796 = tpu.memref_squeeze %dma_wait3A_795 : memref<1x8x128xi32, #tpu.memory_space<hbm>> -> memref<8x128xi32, #tpu.memory_space<hbm>>
        tpu.wait_dma2 semaphore(%arg22 : memref<!tpu.dma_semaphore, #tpu.memory_space<semaphore_mem>>) src(%dma_wait3A_796 : memref<8x128xi32, #tpu.memory_space<hbm>>) dst(%arg7 : memref<8x128xi32, #tpu.memory_space<vmem>>)
        %dma_wait3A_797 = arith.constant 0 : i32
        %dma_wait3A_798 = arith.constant 0 : i32
        %dma_wait3A_799 = tpu.memref_slice %arg3[%add3A, %dma_wait3A_797, %dma_wait3A_798] : memref<32x80x128xi32, #tpu.memory_space<hbm>> -> memref<1x8x128xi32, #tpu.memory_space<hbm>>
        %dma_wait3A_800 = tpu.memref_squeeze %dma_wait3A_799 : memref<1x8x128xi32, #tpu.memory_space<hbm>> -> memref<8x128xi32, #tpu.memory_space<hbm>>
        %dma_wait3A_801 = arith.constant 0 : i32
        %dma_wait3A_802 = arith.constant 0 : i32
        %dma_wait3A_803 = tpu.memref_slice %arg3[%add3A, %dma_wait3A_801, %dma_wait3A_802] : memref<32x80x128xi32, #tpu.memory_space<hbm>> -> memref<1x8x128xi32, #tpu.memory_space<hbm>>
        %dma_wait3A_804 = tpu.memref_squeeze %dma_wait3A_803 : memref<1x8x128xi32, #tpu.memory_space<hbm>> -> memref<8x128xi32, #tpu.memory_space<hbm>>
        tpu.wait_dma2 semaphore(%arg22 : memref<!tpu.dma_semaphore, #tpu.memory_space<semaphore_mem>>) src(%dma_wait3A_804 : memref<8x128xi32, #tpu.memory_space<hbm>>) dst(%arg9 : memref<8x128xi32, #tpu.memory_space<vmem>>)
        %dma_start3A_805 = arith.constant 0 : i32
        %dma_start3A_806 = arith.constant 0 : i32
        %dma_start3A_807 = tpu.memref_slice %arg7[%dma_start3A_805, %dma_start3A_806] : memref<8x128xi32, #tpu.memory_space<vmem>> -> memref<1x128xi32, #tpu.memory_space<vmem>>
        %dma_start3A_808 = tpu.memref_squeeze %dma_start3A_807 : memref<1x128xi32, #tpu.memory_space<vmem>> -> memref<128xi32, #tpu.memory_space<vmem>>
        %dma_start3A_809 = arith.constant 0 : i32
        %dma_start3A_810 = arith.constant 0 : i32
        %dma_start3A_811 = tpu.memref_slice %arg4[%dma_start3A_809, %dma_start3A_810] : memref<10000x128xf32, #tpu.memory_space<hbm>> -> memref<10000x128xf32, #tpu.memory_space<hbm>>
        tpu.enqueue_indirect_dma source(%dma_start3A_811 : memref<10000x128xf32, #tpu.memory_space<hbm>>) target(%arg11 : memref<128x128xf32, #tpu.memory_space<vmem>>) offsets(%dma_start3A_808 : memref<128xi32, #tpu.memory_space<vmem>>) semaphore(%arg17 : memref<!tpu.dma_semaphore, #tpu.memory_space<semaphore_mem>>)
      } else {
      }
      %scan3A_788 = arith.constant 0 : i32
      scf.yield %scan3A_788 : i32
    }
    %scan3A_129 = arith.constant 5 : i32
    %dma_wait3A_130 = arith.constant 0 : i32
    %dma_wait3A_131 = arith.constant 0 : i32
    %dma_wait3A_132 = tpu.memref_slice %arg9[%dma_wait3A_130, %dma_wait3A_131] : memref<8x128xi32, #tpu.memory_space<vmem>> -> memref<1x128xi32, #tpu.memory_space<vmem>>
    %dma_wait3A_133 = tpu.memref_squeeze %dma_wait3A_132 : memref<1x128xi32, #tpu.memory_space<vmem>> -> memref<128xi32, #tpu.memory_space<vmem>>
    %dma_wait3A_134 = arith.constant 0 : i32
    %dma_wait3A_135 = arith.constant 0 : i32
    %dma_wait3A_136 = tpu.memref_slice %arg15[%dma_wait3A_134, %dma_wait3A_135] : memref<10112x128xf32, #tpu.memory_space<vmem_shared>> -> memref<10112x128xf32, #tpu.memory_space<vmem_shared>>
    tpu.wait_indirect_dma semaphore(%arg20 : memref<!tpu.dma_semaphore, #tpu.memory_space<semaphore_mem>>) src(%arg12 : memref<128x128xf32, #tpu.memory_space<vmem>>) dst(%dma_wait3A_136 : memref<10112x128xf32, #tpu.memory_space<vmem_shared>>)
    %dma_wait3A_137 = arith.constant 0 : i32
    %dma_wait3A_138 = arith.constant 0 : i32
    %dma_wait3A_139 = tpu.memref_slice %arg9[%dma_wait3A_137, %dma_wait3A_138] : memref<8x128xi32, #tpu.memory_space<vmem>> -> memref<1x128xi32, #tpu.memory_space<vmem>>
    %dma_wait3A_140 = tpu.memref_squeeze %dma_wait3A_139 : memref<1x128xi32, #tpu.memory_space<vmem>> -> memref<128xi32, #tpu.memory_space<vmem>>
    %dma_wait3A_141 = arith.constant 0 : i32
    %dma_wait3A_142 = arith.constant 0 : i32
    %dma_wait3A_143 = tpu.memref_slice %arg15[%dma_wait3A_141, %dma_wait3A_142] : memref<10112x128xf32, #tpu.memory_space<vmem_shared>> -> memref<10112x128xf32, #tpu.memory_space<vmem_shared>>
    tpu.wait_indirect_dma semaphore(%arg20 : memref<!tpu.dma_semaphore, #tpu.memory_space<semaphore_mem>>) src(%arg12 : memref<128x128xf32, #tpu.memory_space<vmem>>) dst(%dma_wait3A_143 : memref<10112x128xf32, #tpu.memory_space<vmem_shared>>)
    %dma_wait3A_144 = arith.constant 0 : i32
    %dma_wait3A_145 = arith.constant 0 : i32
    %dma_wait3A_146 = tpu.memref_slice %arg9[%dma_wait3A_144, %dma_wait3A_145] : memref<8x128xi32, #tpu.memory_space<vmem>> -> memref<1x128xi32, #tpu.memory_space<vmem>>
    %dma_wait3A_147 = tpu.memref_squeeze %dma_wait3A_146 : memref<1x128xi32, #tpu.memory_space<vmem>> -> memref<128xi32, #tpu.memory_space<vmem>>
    %dma_wait3A_148 = arith.constant 0 : i32
    %dma_wait3A_149 = tpu.memref_slice %arg16[%dma_wait3A_148] : memref<10240xf32, #tpu.memory_space<vmem_shared>> -> memref<10240xf32, #tpu.memory_space<vmem_shared>>
    tpu.wait_indirect_dma semaphore(%arg21 : memref<!tpu.dma_semaphore, #tpu.memory_space<semaphore_mem>>) src(%arg13 : memref<128xf32, #tpu.memory_space<vmem>>) dst(%dma_wait3A_149 : memref<10240xf32, #tpu.memory_space<vmem_shared>>)
    %dma_wait3A_150 = arith.constant 0 : i32
    %dma_wait3A_151 = arith.constant 0 : i32
    %dma_wait3A_152 = tpu.memref_slice %arg9[%dma_wait3A_150, %dma_wait3A_151] : memref<8x128xi32, #tpu.memory_space<vmem>> -> memref<1x128xi32, #tpu.memory_space<vmem>>
    %dma_wait3A_153 = tpu.memref_squeeze %dma_wait3A_152 : memref<1x128xi32, #tpu.memory_space<vmem>> -> memref<128xi32, #tpu.memory_space<vmem>>
    %dma_wait3A_154 = arith.constant 0 : i32
    %dma_wait3A_155 = tpu.memref_slice %arg16[%dma_wait3A_154] : memref<10240xf32, #tpu.memory_space<vmem_shared>> -> memref<10240xf32, #tpu.memory_space<vmem_shared>>
    tpu.wait_indirect_dma semaphore(%arg21 : memref<!tpu.dma_semaphore, #tpu.memory_space<semaphore_mem>>) src(%arg13 : memref<128xf32, #tpu.memory_space<vmem>>) dst(%dma_wait3A_155 : memref<10240xf32, #tpu.memory_space<vmem_shared>>)
    %dma_wait3A_156 = arith.constant 0 : i32
    %dma_wait3A_157 = arith.constant 0 : i32
    %dma_wait3A_158 = tpu.memref_slice %arg9[%dma_wait3A_156, %dma_wait3A_157] : memref<8x128xi32, #tpu.memory_space<vmem>> -> memref<1x128xi32, #tpu.memory_space<vmem>>
    %dma_wait3A_159 = tpu.memref_squeeze %dma_wait3A_158 : memref<1x128xi32, #tpu.memory_space<vmem>> -> memref<128xi32, #tpu.memory_space<vmem>>
    %dma_wait3A_160 = arith.constant 0 : i32
    %dma_wait3A_161 = tpu.memref_slice %arg16[%dma_wait3A_160] : memref<10240xf32, #tpu.memory_space<vmem_shared>> -> memref<10240xf32, #tpu.memory_space<vmem_shared>>
    tpu.wait_indirect_dma semaphore(%arg21 : memref<!tpu.dma_semaphore, #tpu.memory_space<semaphore_mem>>) src(%arg13 : memref<128xf32, #tpu.memory_space<vmem>>) dst(%dma_wait3A_161 : memref<10240xf32, #tpu.memory_space<vmem_shared>>)
    %dma_wait3A_162 = arith.constant 0 : i32
    %dma_wait3A_163 = arith.constant 0 : i32
    %dma_wait3A_164 = tpu.memref_slice %arg9[%dma_wait3A_162, %dma_wait3A_163] : memref<8x128xi32, #tpu.memory_space<vmem>> -> memref<1x128xi32, #tpu.memory_space<vmem>>
    %dma_wait3A_165 = tpu.memref_squeeze %dma_wait3A_164 : memref<1x128xi32, #tpu.memory_space<vmem>> -> memref<128xi32, #tpu.memory_space<vmem>>
    %dma_wait3A_166 = arith.constant 0 : i32
    %dma_wait3A_167 = tpu.memref_slice %arg16[%dma_wait3A_166] : memref<10240xf32, #tpu.memory_space<vmem_shared>> -> memref<10240xf32, #tpu.memory_space<vmem_shared>>
    tpu.wait_indirect_dma semaphore(%arg21 : memref<!tpu.dma_semaphore, #tpu.memory_space<semaphore_mem>>) src(%arg13 : memref<128xf32, #tpu.memory_space<vmem>>) dst(%dma_wait3A_167 : memref<10240xf32, #tpu.memory_space<vmem_shared>>)
    %dma_wait3A_168 = arith.constant 0 : i32
    %dma_wait3A_169 = arith.constant 0 : i32
    %dma_wait3A_170 = tpu.memref_slice %arg9[%dma_wait3A_168, %dma_wait3A_169] : memref<8x128xi32, #tpu.memory_space<vmem>> -> memref<1x128xi32, #tpu.memory_space<vmem>>
    %dma_wait3A_171 = tpu.memref_squeeze %dma_wait3A_170 : memref<1x128xi32, #tpu.memory_space<vmem>> -> memref<128xi32, #tpu.memory_space<vmem>>
    %dma_wait3A_172 = arith.constant 0 : i32
    %dma_wait3A_173 = tpu.memref_slice %arg16[%dma_wait3A_172] : memref<10240xf32, #tpu.memory_space<vmem_shared>> -> memref<10240xf32, #tpu.memory_space<vmem_shared>>
    tpu.wait_indirect_dma semaphore(%arg21 : memref<!tpu.dma_semaphore, #tpu.memory_space<semaphore_mem>>) src(%arg13 : memref<128xf32, #tpu.memory_space<vmem>>) dst(%dma_wait3A_173 : memref<10240xf32, #tpu.memory_space<vmem_shared>>)
    %dma_wait3A_174 = arith.constant 0 : i32
    %dma_wait3A_175 = arith.constant 0 : i32
    %dma_wait3A_176 = tpu.memref_slice %arg9[%dma_wait3A_174, %dma_wait3A_175] : memref<8x128xi32, #tpu.memory_space<vmem>> -> memref<1x128xi32, #tpu.memory_space<vmem>>
    %dma_wait3A_177 = tpu.memref_squeeze %dma_wait3A_176 : memref<1x128xi32, #tpu.memory_space<vmem>> -> memref<128xi32, #tpu.memory_space<vmem>>
    %dma_wait3A_178 = arith.constant 0 : i32
    %dma_wait3A_179 = tpu.memref_slice %arg16[%dma_wait3A_178] : memref<10240xf32, #tpu.memory_space<vmem_shared>> -> memref<10240xf32, #tpu.memory_space<vmem_shared>>
    tpu.wait_indirect_dma semaphore(%arg21 : memref<!tpu.dma_semaphore, #tpu.memory_space<semaphore_mem>>) src(%arg13 : memref<128xf32, #tpu.memory_space<vmem>>) dst(%dma_wait3A_179 : memref<10240xf32, #tpu.memory_space<vmem_shared>>)
    %dma_wait3A_180 = arith.constant 0 : i32
    %dma_wait3A_181 = arith.constant 0 : i32
    %dma_wait3A_182 = tpu.memref_slice %arg9[%dma_wait3A_180, %dma_wait3A_181] : memref<8x128xi32, #tpu.memory_space<vmem>> -> memref<1x128xi32, #tpu.memory_space<vmem>>
    %dma_wait3A_183 = tpu.memref_squeeze %dma_wait3A_182 : memref<1x128xi32, #tpu.memory_space<vmem>> -> memref<128xi32, #tpu.memory_space<vmem>>
    %dma_wait3A_184 = arith.constant 0 : i32
    %dma_wait3A_185 = tpu.memref_slice %arg16[%dma_wait3A_184] : memref<10240xf32, #tpu.memory_space<vmem_shared>> -> memref<10240xf32, #tpu.memory_space<vmem_shared>>
    tpu.wait_indirect_dma semaphore(%arg21 : memref<!tpu.dma_semaphore, #tpu.memory_space<semaphore_mem>>) src(%arg13 : memref<128xf32, #tpu.memory_space<vmem>>) dst(%dma_wait3A_185 : memref<10240xf32, #tpu.memory_space<vmem_shared>>)
    %dma_wait3A_186 = arith.constant 0 : i32
    %dma_wait3A_187 = arith.constant 0 : i32
    %dma_wait3A_188 = tpu.memref_slice %arg9[%dma_wait3A_186, %dma_wait3A_187] : memref<8x128xi32, #tpu.memory_space<vmem>> -> memref<1x128xi32, #tpu.memory_space<vmem>>
    %dma_wait3A_189 = tpu.memref_squeeze %dma_wait3A_188 : memref<1x128xi32, #tpu.memory_space<vmem>> -> memref<128xi32, #tpu.memory_space<vmem>>
    %dma_wait3A_190 = arith.constant 0 : i32
    %dma_wait3A_191 = tpu.memref_slice %arg16[%dma_wait3A_190] : memref<10240xf32, #tpu.memory_space<vmem_shared>> -> memref<10240xf32, #tpu.memory_space<vmem_shared>>
    tpu.wait_indirect_dma semaphore(%arg21 : memref<!tpu.dma_semaphore, #tpu.memory_space<semaphore_mem>>) src(%arg13 : memref<128xf32, #tpu.memory_space<vmem>>) dst(%dma_wait3A_191 : memref<10240xf32, #tpu.memory_space<vmem_shared>>)
    %dma_wait3A_192 = arith.constant 0 : i32
    %dma_wait3A_193 = arith.constant 0 : i32
    %dma_wait3A_194 = tpu.memref_slice %arg9[%dma_wait3A_192, %dma_wait3A_193] : memref<8x128xi32, #tpu.memory_space<vmem>> -> memref<1x128xi32, #tpu.memory_space<vmem>>
    %dma_wait3A_195 = tpu.memref_squeeze %dma_wait3A_194 : memref<1x128xi32, #tpu.memory_space<vmem>> -> memref<128xi32, #tpu.memory_space<vmem>>
    %dma_wait3A_196 = arith.constant 0 : i32
    %dma_wait3A_197 = tpu.memref_slice %arg16[%dma_wait3A_196] : memref<10240xf32, #tpu.memory_space<vmem_shared>> -> memref<10240xf32, #tpu.memory_space<vmem_shared>>
    tpu.wait_indirect_dma semaphore(%arg21 : memref<!tpu.dma_semaphore, #tpu.memory_space<semaphore_mem>>) src(%arg13 : memref<128xf32, #tpu.memory_space<vmem>>) dst(%dma_wait3A_197 : memref<10240xf32, #tpu.memory_space<vmem_shared>>)
    %dma_wait3A_198 = arith.constant 0 : i32
    %dma_wait3A_199 = arith.constant 0 : i32
    %dma_wait3A_200 = tpu.memref_slice %arg9[%dma_wait3A_198, %dma_wait3A_199] : memref<8x128xi32, #tpu.memory_space<vmem>> -> memref<1x128xi32, #tpu.memory_space<vmem>>
    %dma_wait3A_201 = tpu.memref_squeeze %dma_wait3A_200 : memref<1x128xi32, #tpu.memory_space<vmem>> -> memref<128xi32, #tpu.memory_space<vmem>>
    %dma_wait3A_202 = arith.constant 0 : i32
    %dma_wait3A_203 = tpu.memref_slice %arg16[%dma_wait3A_202] : memref<10240xf32, #tpu.memory_space<vmem_shared>> -> memref<10240xf32, #tpu.memory_space<vmem_shared>>
    tpu.wait_indirect_dma semaphore(%arg21 : memref<!tpu.dma_semaphore, #tpu.memory_space<semaphore_mem>>) src(%arg13 : memref<128xf32, #tpu.memory_space<vmem>>) dst(%dma_wait3A_203 : memref<10240xf32, #tpu.memory_space<vmem_shared>>)
    %dma_wait3A_204 = arith.constant 0 : i32
    %dma_wait3A_205 = arith.constant 0 : i32
    %dma_wait3A_206 = tpu.memref_slice %arg9[%dma_wait3A_204, %dma_wait3A_205] : memref<8x128xi32, #tpu.memory_space<vmem>> -> memref<1x128xi32, #tpu.memory_space<vmem>>
    %dma_wait3A_207 = tpu.memref_squeeze %dma_wait3A_206 : memref<1x128xi32, #tpu.memory_space<vmem>> -> memref<128xi32, #tpu.memory_space<vmem>>
    %dma_wait3A_208 = arith.constant 0 : i32
    %dma_wait3A_209 = tpu.memref_slice %arg16[%dma_wait3A_208] : memref<10240xf32, #tpu.memory_space<vmem_shared>> -> memref<10240xf32, #tpu.memory_space<vmem_shared>>
    tpu.wait_indirect_dma semaphore(%arg21 : memref<!tpu.dma_semaphore, #tpu.memory_space<semaphore_mem>>) src(%arg13 : memref<128xf32, #tpu.memory_space<vmem>>) dst(%dma_wait3A_209 : memref<10240xf32, #tpu.memory_space<vmem_shared>>)
    %dma_wait3A_210 = arith.constant 0 : i32
    %dma_wait3A_211 = arith.constant 0 : i32
    %dma_wait3A_212 = tpu.memref_slice %arg9[%dma_wait3A_210, %dma_wait3A_211] : memref<8x128xi32, #tpu.memory_space<vmem>> -> memref<1x128xi32, #tpu.memory_space<vmem>>
    %dma_wait3A_213 = tpu.memref_squeeze %dma_wait3A_212 : memref<1x128xi32, #tpu.memory_space<vmem>> -> memref<128xi32, #tpu.memory_space<vmem>>
    %dma_wait3A_214 = arith.constant 0 : i32
    %dma_wait3A_215 = tpu.memref_slice %arg16[%dma_wait3A_214] : memref<10240xf32, #tpu.memory_space<vmem_shared>> -> memref<10240xf32, #tpu.memory_space<vmem_shared>>
    tpu.wait_indirect_dma semaphore(%arg21 : memref<!tpu.dma_semaphore, #tpu.memory_space<semaphore_mem>>) src(%arg13 : memref<128xf32, #tpu.memory_space<vmem>>) dst(%dma_wait3A_215 : memref<10240xf32, #tpu.memory_space<vmem_shared>>)
    %dma_wait3A_216 = arith.constant 0 : i32
    %dma_wait3A_217 = arith.constant 0 : i32
    %dma_wait3A_218 = tpu.memref_slice %arg9[%dma_wait3A_216, %dma_wait3A_217] : memref<8x128xi32, #tpu.memory_space<vmem>> -> memref<1x128xi32, #tpu.memory_space<vmem>>
    %dma_wait3A_219 = tpu.memref_squeeze %dma_wait3A_218 : memref<1x128xi32, #tpu.memory_space<vmem>> -> memref<128xi32, #tpu.memory_space<vmem>>
    %dma_wait3A_220 = arith.constant 0 : i32
    %dma_wait3A_221 = tpu.memref_slice %arg16[%dma_wait3A_220] : memref<10240xf32, #tpu.memory_space<vmem_shared>> -> memref<10240xf32, #tpu.memory_space<vmem_shared>>
    tpu.wait_indirect_dma semaphore(%arg21 : memref<!tpu.dma_semaphore, #tpu.memory_space<semaphore_mem>>) src(%arg13 : memref<128xf32, #tpu.memory_space<vmem>>) dst(%dma_wait3A_221 : memref<10240xf32, #tpu.memory_space<vmem_shared>>)
    %dma_wait3A_222 = arith.constant 0 : i32
    %dma_wait3A_223 = arith.constant 0 : i32
    %dma_wait3A_224 = tpu.memref_slice %arg9[%dma_wait3A_222, %dma_wait3A_223] : memref<8x128xi32, #tpu.memory_space<vmem>> -> memref<1x128xi32, #tpu.memory_space<vmem>>
    %dma_wait3A_225 = tpu.memref_squeeze %dma_wait3A_224 : memref<1x128xi32, #tpu.memory_space<vmem>> -> memref<128xi32, #tpu.memory_space<vmem>>
    %dma_wait3A_226 = arith.constant 0 : i32
    %dma_wait3A_227 = tpu.memref_slice %arg16[%dma_wait3A_226] : memref<10240xf32, #tpu.memory_space<vmem_shared>> -> memref<10240xf32, #tpu.memory_space<vmem_shared>>
    tpu.wait_indirect_dma semaphore(%arg21 : memref<!tpu.dma_semaphore, #tpu.memory_space<semaphore_mem>>) src(%arg13 : memref<128xf32, #tpu.memory_space<vmem>>) dst(%dma_wait3A_227 : memref<10240xf32, #tpu.memory_space<vmem_shared>>)
    %dma_wait3A_228 = arith.constant 0 : i32
    %dma_wait3A_229 = arith.constant 0 : i32
    %dma_wait3A_230 = tpu.memref_slice %arg9[%dma_wait3A_228, %dma_wait3A_229] : memref<8x128xi32, #tpu.memory_space<vmem>> -> memref<1x128xi32, #tpu.memory_space<vmem>>
    %dma_wait3A_231 = tpu.memref_squeeze %dma_wait3A_230 : memref<1x128xi32, #tpu.memory_space<vmem>> -> memref<128xi32, #tpu.memory_space<vmem>>
    %dma_wait3A_232 = arith.constant 0 : i32
    %dma_wait3A_233 = tpu.memref_slice %arg16[%dma_wait3A_232] : memref<10240xf32, #tpu.memory_space<vmem_shared>> -> memref<10240xf32, #tpu.memory_space<vmem_shared>>
    tpu.wait_indirect_dma semaphore(%arg21 : memref<!tpu.dma_semaphore, #tpu.memory_space<semaphore_mem>>) src(%arg13 : memref<128xf32, #tpu.memory_space<vmem>>) dst(%dma_wait3A_233 : memref<10240xf32, #tpu.memory_space<vmem_shared>>)
    %dma_wait3A_234 = arith.constant 0 : i32
    %dma_wait3A_235 = arith.constant 0 : i32
    %dma_wait3A_236 = tpu.memref_slice %arg9[%dma_wait3A_234, %dma_wait3A_235] : memref<8x128xi32, #tpu.memory_space<vmem>> -> memref<1x128xi32, #tpu.memory_space<vmem>>
    %dma_wait3A_237 = tpu.memref_squeeze %dma_wait3A_236 : memref<1x128xi32, #tpu.memory_space<vmem>> -> memref<128xi32, #tpu.memory_space<vmem>>
    %dma_wait3A_238 = arith.constant 0 : i32
    %dma_wait3A_239 = tpu.memref_slice %arg16[%dma_wait3A_238] : memref<10240xf32, #tpu.memory_space<vmem_shared>> -> memref<10240xf32, #tpu.memory_space<vmem_shared>>
    tpu.wait_indirect_dma semaphore(%arg21 : memref<!tpu.dma_semaphore, #tpu.memory_space<semaphore_mem>>) src(%arg13 : memref<128xf32, #tpu.memory_space<vmem>>) dst(%dma_wait3A_239 : memref<10240xf32, #tpu.memory_space<vmem_shared>>)
    %barrier3A_240 = arith.constant 0 : index
    tpu.barrier barrier_id(%barrier3A_240)
    "tpu.region"() ({
      %run_scoped3A = tpu.sem_alloc : memref<!tpu.dma_semaphore, #tpu.memory_space<semaphore_mem>>
      %dma_start3A_241 = arith.constant 0 : i32
      %dma_start3A_242 = tpu.memref_slice %arg5[%arg0, %mul3A_2, %dma_start3A_241] : memref<2x10112x128xf32, #tpu.memory_space<hbm>> -> memref<1x632x128xf32, #tpu.memory_space<hbm>>
      %dma_start3A_243 = tpu.memref_squeeze %dma_start3A_242 : memref<1x632x128xf32, #tpu.memory_space<hbm>> -> memref<632x128xf32, #tpu.memory_space<hbm>>
      %dma_start3A_244 = arith.constant 0 : i32
      %dma_start3A_245 = tpu.memref_slice %arg15[%mul3A_2, %dma_start3A_244] : memref<10112x128xf32, #tpu.memory_space<vmem_shared>> -> memref<632x128xf32, #tpu.memory_space<vmem_shared>>
      tpu.enqueue_dma source(%dma_start3A_245 : memref<632x128xf32, #tpu.memory_space<vmem_shared>>) target(%dma_start3A_243 : memref<632x128xf32, #tpu.memory_space<hbm>>) target_semaphore(%run_scoped3A : memref<!tpu.dma_semaphore, #tpu.memory_space<semaphore_mem>>)
      %dma_wait3A_246 = arith.constant 0 : i32
      %dma_wait3A_247 = tpu.memref_slice %arg5[%arg0, %mul3A_2, %dma_wait3A_246] : memref<2x10112x128xf32, #tpu.memory_space<hbm>> -> memref<1x632x128xf32, #tpu.memory_space<hbm>>
      %dma_wait3A_248 = tpu.memref_squeeze %dma_wait3A_247 : memref<1x632x128xf32, #tpu.memory_space<hbm>> -> memref<632x128xf32, #tpu.memory_space<hbm>>
      %dma_wait3A_249 = arith.constant 0 : i32
      %dma_wait3A_250 = tpu.memref_slice %arg15[%mul3A_2, %dma_wait3A_249] : memref<10112x128xf32, #tpu.memory_space<vmem_shared>> -> memref<632x128xf32, #tpu.memory_space<vmem_shared>>
      tpu.wait_dma2 semaphore(%run_scoped3A : memref<!tpu.dma_semaphore, #tpu.memory_space<semaphore_mem>>) src(%dma_wait3A_250 : memref<632x128xf32, #tpu.memory_space<vmem_shared>>) dst(%dma_wait3A_248 : memref<632x128xf32, #tpu.memory_space<hbm>>)
      tpu.yield
    }) : () -> ()
    "tpu.region"() ({
      %run_scoped3A = tpu.sem_alloc : memref<!tpu.dma_semaphore, #tpu.memory_space<semaphore_mem>>
      %dma_start3A_241 = tpu.memref_slice %arg6[%arg0, %mul3A_4] : memref<2x10240xf32, #tpu.memory_space<hbm>> -> memref<1x640xf32, #tpu.memory_space<hbm>>
      %dma_start3A_242 = tpu.memref_squeeze %dma_start3A_241 : memref<1x640xf32, #tpu.memory_space<hbm>> -> memref<640xf32, #tpu.memory_space<hbm>>
      %dma_start3A_243 = tpu.memref_slice %arg16[%mul3A_4] : memref<10240xf32, #tpu.memory_space<vmem_shared>> -> memref<640xf32, #tpu.memory_space<vmem_shared>>
      tpu.enqueue_dma source(%dma_start3A_243 : memref<640xf32, #tpu.memory_space<vmem_shared>>) target(%dma_start3A_242 : memref<640xf32, #tpu.memory_space<hbm>>) target_semaphore(%run_scoped3A : memref<!tpu.dma_semaphore, #tpu.memory_space<semaphore_mem>>)
      %dma_wait3A_244 = tpu.memref_slice %arg6[%arg0, %mul3A_4] : memref<2x10240xf32, #tpu.memory_space<hbm>> -> memref<1x640xf32, #tpu.memory_space<hbm>>
      %dma_wait3A_245 = tpu.memref_squeeze %dma_wait3A_244 : memref<1x640xf32, #tpu.memory_space<hbm>> -> memref<640xf32, #tpu.memory_space<hbm>>
      %dma_wait3A_246 = tpu.memref_slice %arg16[%mul3A_4] : memref<10240xf32, #tpu.memory_space<vmem_shared>> -> memref<640xf32, #tpu.memory_space<vmem_shared>>
      tpu.wait_dma2 semaphore(%run_scoped3A : memref<!tpu.dma_semaphore, #tpu.memory_space<semaphore_mem>>) src(%dma_wait3A_246 : memref<640xf32, #tpu.memory_space<vmem_shared>>) dst(%dma_wait3A_245 : memref<640xf32, #tpu.memory_space<hbm>>)
      tpu.yield
    }) : () -> ()
    return
  }
}

module attributes {stable_mosaic.version = 14 : i64} {
  func.func @body(%arg0: i32, %arg1: memref<5000x128xf32, #tpu.memory_space<vmem>>, %arg2: memref<1x5000x128xf32, #tpu.memory_space<vmem>>, %arg3: memref<1x5000x128xf32, #tpu.memory_space<vmem>>, %arg4: memref<5000x2xf32, #tpu.memory_space<vmem>>, %arg5: memref<128x128xf32, #tpu.memory_space<vmem>>, %arg6: memref<5000x128xf32, #tpu.memory_space<vmem>>) attributes {dimension_semantics = [#tpu.dimension_semantics<arbitrary>], iteration_bounds = array<i64: 2>, scalar_prefetch = 0 : i64, scratch_operands = 0 : i64, tpu.core_type = #tpu.core_type<tc>, window_params = [{transform_indices = @transform_0, window_bounds = array<i64: 5000, 128>}, {transform_indices = @transform_1, window_bounds = array<i64: 1, 5000, 128>}, {transform_indices = @transform_2, window_bounds = array<i64: 1, 5000, 128>}, {transform_indices = @transform_3, window_bounds = array<i64: 5000, 2>}, {pipeline_mode = #tpu.pipeline_mode<synchronous>, transform_indices = @transform_4, window_bounds = array<i64: 128, 128>}, {transform_indices = @transform_5, window_bounds = array<i64: 5000, 128>}]} {
    %get3A = arith.constant 0 : index
    %get3A_0 = arith.constant 0 : index
    %get3A_1 = arith.constant 0 : index
    %get3A_2 = vector.load %arg2[%get3A, %get3A_0, %get3A_1] : memref<1x5000x128xf32, #tpu.memory_space<vmem>>, vector<1x5000x128xf32>
    %get3A_3 = vector.shape_cast %get3A_2 : vector<1x5000x128xf32> to vector<5000x128xf32>
    %get3A_4 = arith.constant 0 : index
    %get3A_5 = arith.constant 0 : index
    %get3A_6 = arith.constant 0 : index
    %get3A_7 = vector.load %arg3[%get3A_4, %get3A_5, %get3A_6] : memref<1x5000x128xf32, #tpu.memory_space<vmem>>, vector<1x5000x128xf32>
    %get3A_8 = vector.shape_cast %get3A_7 : vector<1x5000x128xf32> to vector<5000x128xf32>
    %add3A = arith.addf %get3A_3, %get3A_8 : vector<5000x128xf32>
    %get3A_9 = arith.constant 0 : index
    %get3A_10 = arith.constant 0 : index
    %get3A_11 = vector.load %arg4[%get3A_9, %get3A_10] : memref<5000x2xf32, #tpu.memory_space<vmem>>, vector<5000x2xf32>
    %slice3A = vector.extract_strided_slice %get3A_11 {offsets = [0, 0], sizes = [5000, 1], strides = [1, 1]} : vector<5000x2xf32> to vector<5000x1xf32>
    %squeeze3A = vector.shape_cast %slice3A : vector<5000x1xf32> to vector<5000xf32>
    %slice3A_12 = vector.extract_strided_slice %get3A_11 {offsets = [0, 1], sizes = [5000, 1], strides = [1, 1]} : vector<5000x2xf32> to vector<5000x1xf32>
    %squeeze3A_13 = vector.shape_cast %slice3A_12 : vector<5000x1xf32> to vector<5000xf32>
    %add3A_14 = arith.addf %squeeze3A, %squeeze3A_13 : vector<5000xf32>
    %max3A = arith.constant 1.000000e+00 : f32
    %max3A_15 = vector.broadcast %max3A : f32 to vector<5000xf32>
    %max3A_16 = arith.maximumf %add3A_14, %max3A_15 : vector<5000xf32>
    %broadcast_in_dim3A = vector.shape_cast %max3A_16 : vector<5000xf32> to vector<5000x1xf32>
    %div3A = vector.broadcast %broadcast_in_dim3A : vector<5000x1xf32> to vector<5000x128xf32>
    %div3A_17 = arith.divf %add3A, %div3A : vector<5000x128xf32>
    %get3A_18 = arith.constant 0 : index
    %get3A_19 = arith.constant 0 : index
    %get3A_20 = vector.load %arg1[%get3A_18, %get3A_19] : memref<5000x128xf32, #tpu.memory_space<vmem>>, vector<5000x128xf32>
    %get3A_21 = arith.constant 0 : index
    %get3A_22 = arith.constant 0 : index
    %get3A_23 = vector.load %arg5[%get3A_21, %get3A_22] : memref<128x128xf32, #tpu.memory_space<vmem>>, vector<128x128xf32>
    %dot_general3A = arith.constant dense<0.000000e+00> : vector<5000x128xf32>
    %dot_general3A_24 = tpu.matmul %div3A_17, %get3A_23, %dot_general3A {dimension_numbers = #tpu.dot_dimension_numbers<[1], [0], [0], [1], [0, 0, 1, 1], [], []>, transpose_lhs_hint = false} : vector<5000x128xf32>, vector<128x128xf32>, vector<5000x128xf32> -> vector<5000x128xf32>
    %add3A_25 = arith.addf %get3A_20, %dot_general3A_24 : vector<5000x128xf32>
    %swap3A = arith.constant 0 : index
    %swap3A_26 = arith.constant 0 : index
    %swap3A_27 = vector.load %arg6[%swap3A, %swap3A_26] : memref<5000x128xf32, #tpu.memory_space<vmem>>, vector<5000x128xf32>
    tpu.vector_store %arg6[%swap3A, %swap3A_26], %add3A_25 {strides = array<i32>} : memref<5000x128xf32, #tpu.memory_space<vmem>>, vector<5000x128xf32>,
    return
  }
  func.func @transform_0(%arg0: i32) -> (i32, i32) {
    %c0_i32 = arith.constant 0 : i32
    %c0_i32_0 = arith.constant 0 : i32
    return %arg0, %c0_i32 : i32, i32
  }
  func.func @transform_1(%arg0: i32) -> (i32, i32, i32) {
    %c0_i32 = arith.constant 0 : i32
    %c0_i32_0 = arith.constant 0 : i32
    %c0_i32_1 = arith.constant 0 : i32
    return %c0_i32, %arg0, %c0_i32_0 : i32, i32, i32
  }
  func.func @transform_2(%arg0: i32) -> (i32, i32, i32) {
    %c1_i32 = arith.constant 1 : i32
    %c0_i32 = arith.constant 0 : i32
    %c0_i32_0 = arith.constant 0 : i32
    return %c1_i32, %arg0, %c0_i32 : i32, i32, i32
  }
  func.func @transform_3(%arg0: i32) -> (i32, i32) {
    %c0_i32 = arith.constant 0 : i32
    %c0_i32_0 = arith.constant 0 : i32
    return %arg0, %c0_i32 : i32, i32
  }
  func.func @transform_4(%arg0: i32) -> (i32, i32) {
    %c0_i32 = arith.constant 0 : i32
    %c0_i32_0 = arith.constant 0 : i32
    %c0_i32_1 = arith.constant 0 : i32
    return %c0_i32, %c0_i32_0 : i32, i32
  }
  func.func @transform_5(%arg0: i32) -> (i32, i32) {
    %c0_i32 = arith.constant 0 : i32
    %c0_i32_0 = arith.constant 0 : i32
    return %arg0, %c0_i32 : i32, i32
  }
}

module attributes {stable_mosaic.version = 14 : i64} {
  func.func @body(%arg0: i32, %arg1: memref<5000x128xf32, #tpu.memory_space<vmem>>, %arg2: memref<128x128xf32, #tpu.memory_space<vmem>>, %arg3: memref<1x128xf32, #tpu.memory_space<vmem>>, %arg4: memref<5000x128xf32, #tpu.memory_space<vmem>>) attributes {dimension_semantics = [#tpu.dimension_semantics<arbitrary>], iteration_bounds = array<i64: 2>, scalar_prefetch = 0 : i64, scratch_operands = 0 : i64, tpu.core_type = #tpu.core_type<tc>, window_params = [{transform_indices = @transform_0, window_bounds = array<i64: 5000, 128>}, {pipeline_mode = #tpu.pipeline_mode<synchronous>, transform_indices = @transform_1, window_bounds = array<i64: 128, 128>}, {pipeline_mode = #tpu.pipeline_mode<synchronous>, transform_indices = @transform_2, window_bounds = array<i64: 1, 128>}, {transform_indices = @transform_3, window_bounds = array<i64: 5000, 128>}]} {
    %get3A = arith.constant 0 : index
    %get3A_0 = arith.constant 0 : index
    %get3A_1 = vector.load %arg1[%get3A, %get3A_0] : memref<5000x128xf32, #tpu.memory_space<vmem>>, vector<5000x128xf32>
    %get3A_2 = arith.constant 0 : index
    %get3A_3 = arith.constant 0 : index
    %get3A_4 = vector.load %arg2[%get3A_2, %get3A_3] : memref<128x128xf32, #tpu.memory_space<vmem>>, vector<128x128xf32>
    %dot_general3A = arith.constant dense<0.000000e+00> : vector<5000x128xf32>
    %dot_general3A_5 = tpu.matmul %get3A_1, %get3A_4, %dot_general3A {dimension_numbers = #tpu.dot_dimension_numbers<[1], [0], [0], [1], [0, 0, 1, 1], [], []>, transpose_lhs_hint = false} : vector<5000x128xf32>, vector<128x128xf32>, vector<5000x128xf32> -> vector<5000x128xf32>
    %get3A_6 = arith.constant 0 : index
    %get3A_7 = arith.constant 0 : index
    %get3A_8 = vector.load %arg3[%get3A_6, %get3A_7] : memref<1x128xf32, #tpu.memory_space<vmem>>, vector<1x128xf32>
    %add3A = vector.broadcast %get3A_8 : vector<1x128xf32> to vector<5000x128xf32>
    %add3A_9 = arith.addf %dot_general3A_5, %add3A : vector<5000x128xf32>
    %swap3A = arith.constant 0 : index
    %swap3A_10 = arith.constant 0 : index
    %swap3A_11 = vector.load %arg4[%swap3A, %swap3A_10] : memref<5000x128xf32, #tpu.memory_space<vmem>>, vector<5000x128xf32>
    tpu.vector_store %arg4[%swap3A, %swap3A_10], %add3A_9 {strides = array<i32>} : memref<5000x128xf32, #tpu.memory_space<vmem>>, vector<5000x128xf32>,
    return
  }
  func.func @transform_0(%arg0: i32) -> (i32, i32) {
    %c0_i32 = arith.constant 0 : i32
    %c0_i32_0 = arith.constant 0 : i32
    return %arg0, %c0_i32 : i32, i32
  }
  func.func @transform_1(%arg0: i32) -> (i32, i32) {
    %c0_i32 = arith.constant 0 : i32
    %c0_i32_0 = arith.constant 0 : i32
    %c0_i32_1 = arith.constant 0 : i32
    return %c0_i32, %c0_i32_0 : i32, i32
  }
  func.func @transform_2(%arg0: i32) -> (i32, i32) {
    %c0_i32 = arith.constant 0 : i32
    %c0_i32_0 = arith.constant 0 : i32
    %c0_i32_1 = arith.constant 0 : i32
    return %c0_i32, %c0_i32_0 : i32, i32
  }
  func.func @transform_3(%arg0: i32) -> (i32, i32) {
    %c0_i32 = arith.constant 0 : i32
    %c0_i32_0 = arith.constant 0 : i32
    return %arg0, %c0_i32 : i32, i32
  }
}

</mosaic_0001>

<sc_bundles>
// kernel: kernel.5.cloned.1.call-start
scs
__scs_entry_jumppad:
0x0: {  	(pc) =	sbr.rel $0x88, $3  }
0x1: {  	(tag) =	ssettag $0x0;
	lr =	simm.s32 $0x1  }
0x2: {  	[smem:$0x3F9C] =	sst lr;
	_ =	strace $0xD0000000  }
0x3: {  	_ = 	snop  }
0x4: {  	_ = 	snop  }
0x5: {  	_ = 	snop  }
0x6: {  	_ = 	snop  }
0x7: {  	_ = 	snop  }
__scs_overlays_trampoline_lowered:
0x8: {  	[smem:$0x3FAB] =	sst s0  }
0x9: {  	[smem:$0x3FAC] =	sst s1  }
0xa: {  	[smem:$0x3FAD] =	sst s2  }
0xb: {  	[smem:$0x3FAE] =	sst s3  }
0xc: {  	[smem:$0x3FAF] =	sst s4  }
0xd: {  	[smem:$0x3FB0] =	sst s5  }
0xe: {  	[smem:$0x3FB1] =	sst s6  }
0xf: {  	[smem:$0x3FB2] =	sst s7  }
0x10: {  	[smem:$0x3FB3] =	sst s8  }
0x11: {  	[smem:$0x3FB4] =	sst s9;
	s0 =	simm.s32 @!p0 $0x0  }
0x12: {  	s1 =	sld [smem:$0x3F9A];
	s0 =	simm.s32 @p0 $0x1  }
0x13: {  	[smem:$0x3FB5] =	sst s0;
	s0 =	simm.s32 @!p1 $0x0  }
0x14: {  	s2 =	sld [smem:$0x3F99];
	s0 =	simm.s32 @p1 $0x1  }
0x15: {  	[smem:$0x3FB6] =	sst s0;
	s0 =	simm.s32 @!p2 $0x0  }
0x16: {  	s3 =	sld [smem:$0x3FDB];
	s0 =	simm.s32 @p2 $0x1  }
0x17: {  	s4 =	simm.s32 $0x1BF5;
	[smem:$0x3FB8] =	sst s0  }
0x18: {  	s0 =	sld [smem:$0x3F9B];
	_ =	swait.ge [sflag:s4], $0x0  }
0x19: {  	s7 =	sld [smem:$0x3F9C]  }
0x1a: {  	s8 =	sadd.s32 $0xFFFFE003, lr  }
0x1b: {  	s9 =	sadd.s32 $0xFFFFFEF7, lr;
	s5 =	simm.s32 $0xFFFFFFFF;
	p2 =	slt.u32 s8, $0xFFFFF086  }
0x1c: {  	p1 =	slt.u32 s9, $0xF7A;
	s5 =	simm.s32 @!p2 $0x0  }
0x1d: {  	s5 =	simm.s32 @p1 $0x1;
	p0 =	seq.s32 s7, s2  }
0x1e: {  	s7 =	smul.u32 @!p0 $0xF7A, s2;
	p2 =	seq.s32 @!p0 s5, $0x0  }
0x1f: {  	s9 =	smul.u32 $0xF7A, s1;
	s8 =	simm.s32 @!p0 $0x1BF5;
	p2 =	por !p2, p0  }
0x20: {  	[sflag:s8] =	ssyncset.s32 @!p0 $0xFFFFF086;
	s6 =	sadd.s32 @!p0 s3, s7;
	s7 =	simm.s32 @!p0 $0x108  }
0x21: {  	s3 =	sadd.s32 s3, s9;
	s6 =	sadd.s32 @!p0 $0x88, s6;
	s7 =	simm.s32 @p2 $0x1082  }
0x22: {  	[simem:s7], [sflag:s8] =	dma.local @!p0 [hbm:s6], $0xF7A  }
0x23: {  	s9 =	sor.u32 $0xD0000000, s2;
	s6 =	simm.s32 $0x108;
	_ =	swait.ge @!p0 [sflag:s8], $0x0  }
0x24: {  	s3 =	sadd.s32 $0x88, s3;
	s6 =	simm.s32 @!p1 $0x1082;
	[sflag:s4] =	ssyncset.s32 $0xFFFFF086  }
0x25: {  	[simem:s6], [sflag:s4] =	dma.local [hbm:s3], $0xF7A  }
0x26: {  	[smem:$0x3F9C] =	sst s1;
	(tag) =	ssettag s2;
	_ =	strace s9  }
0x27: {  	s1 =	sld [smem:$0x3FAC]  }
0x28: {  	s2 =	sld [smem:$0x3FAD]  }
0x29: {  	s4 =	sld [smem:$0x3FAF]  }
0x2a: {  	p0 =	seq.s32 s5, $0x0;
	s5 =	sld [smem:$0x3FB0]  }
0x2b: {  	s6 =	sld [smem:$0x3FB1]  }
0x2c: {  	s7 =	sld [smem:$0x3FB2]  }
0x2d: {  	s3 =	simm.s32 $0x108;
	s8 =	sld [smem:$0x3FB3]  }
0x2e: {  	s3 =	simm.s32 @!p0 $0x1082;
	s9 =	sld [smem:$0x3FB4]  }
0x2f: {  	lr =	sadd.s32 s0, s3;
	s0 =	sld [smem:$0x3FAB]  }
0x30: {  	s3 =	sld [smem:$0x3FAE]  }
0x31: {  	[smem:$0x3FB7] =	sst s10  }
0x32: {  	s10 =	sld [smem:$0x3FB5];
	_ =	sdelay $0x3  }
0x33: {  	p0 =	seq.s32 s10, $0x1;
	s10 =	sld [smem:$0x3FB7];
	_ =	sdelay $0x3  }
0x34: {  	[smem:$0x3FB7] =	sst s10  }
0x35: {  	s10 =	sld [smem:$0x3FB6];
	_ =	sdelay $0x3  }
0x36: {  	p1 =	seq.s32 s10, $0x1;
	s10 =	sld [smem:$0x3FB7];
	_ =	sdelay $0x3  }
0x37: {  	[smem:$0x3FB7] =	sst s10  }
0x38: {  	s10 =	sld [smem:$0x3FB8]  }
0x39: {  	_ = 	snop;
	(pc) =	sbr.ind lr, $3  }
0x3a: {  	_ = 	snop  }
0x3b: {  	_ = 	snop  }
0x3c: {  	p2 =	seq.s32 s10, $0x1;
	s10 =	sld [smem:$0x3FB7]  }
0x3d: {  	_ =	shalt  }
0x3e: {  	_ =	shalt  }
0x3f: {  	_ =	shalt  }
0x40: {  	_ =	shalt  }
0x41: {  	_ =	shalt  }
0x42: {  	_ =	shalt  }
0x43: {  	_ =	shalt  }
0x44: {  	_ =	shalt  }
0x45: {  	_ =	shalt  }
0x46: {  	_ =	shalt  }
0x47: {  	_ =	shalt  }
0x48: {  	_ =	shalt  }
0x49: {  	_ =	shalt  }
0x4a: {  	_ =	shalt  }
0x4b: {  	_ =	shalt  }
0x4c: {  	_ =	shalt  }
0x4d: {  	_ =	shalt  }
0x4e: {  	_ =	shalt  }
0x4f: {  	_ =	shalt  }
0x50: {  	_ =	shalt  }
0x51: {  	_ =	shalt  }
0x52: {  	_ =	shalt  }
0x53: {  	_ =	shalt  }
0x54: {  	_ =	shalt  }
0x55: {  	_ =	shalt  }
0x56: {  	_ =	shalt  }
0x57: {  	_ =	shalt  }
0x58: {  	_ =	shalt  }
0x59: {  	_ =	shalt  }
0x5a: {  	_ =	shalt  }
0x5b: {  	_ =	shalt  }
0x5c: {  	_ =	shalt  }
0x5d: {  	_ =	shalt  }
0x5e: {  	_ =	shalt  }
0x5f: {  	_ =	shalt  }
0x60: {  	_ =	shalt  }
0x61: {  	_ =	shalt  }
0x62: {  	_ =	shalt  }
0x63: {  	_ =	shalt  }
0x64: {  	_ =	shalt  }
0x65: {  	_ =	shalt  }
0x66: {  	_ =	shalt  }
0x67: {  	_ =	shalt  }
0x68: {  	_ =	shalt  }
0x69: {  	_ =	shalt  }
0x6a: {  	_ =	shalt  }
0x6b: {  	_ =	shalt  }
0x6c: {  	_ =	shalt  }
0x6d: {  	_ =	shalt  }
0x6e: {  	_ =	shalt  }
0x6f: {  	_ =	shalt  }
0x70: {  	_ =	shalt  }
0x71: {  	_ =	shalt  }
0x72: {  	_ =	shalt  }
0x73: {  	_ =	shalt  }
0x74: {  	_ =	shalt  }
0x75: {  	_ =	shalt  }
0x76: {  	_ =	shalt  }
0x77: {  	_ =	shalt  }
0x78: {  	_ =	shalt  }
0x79: {  	_ =	shalt  }
0x7a: {  	_ =	shalt  }
0x7b: {  	_ =	shalt  }
0x7c: {  	_ =	shalt  }
0x7d: {  	_ =	shalt  }
0x7e: {  	_ =	shalt  }
0x7f: {  	_ =	shalt  }
0x80: {  	_ =	shalt  }
0x81: {  	_ =	shalt  }
0x82: {  	_ =	shalt  }
0x83: {  	_ =	shalt  }
0x84: {  	_ =	shalt  }
0x85: {  	_ =	shalt  }
0x86: {  	_ =	shalt  }
0x87: {  	_ =	shalt  }
.Lfunc_end0:
.L_simem_size_0:
called_computation_lowered:
.L_overlay_start_0:
0x88: {  	s2 =	sld [smem:$0x3FD9]  }
0x89: {  	s3 =	sld [smem:$0x3FFE];
	_ =	sdelay $0x1  }
0x8a: {  	s1 =	srdreg.scid  }
0x8b: {  	s0 =	sand.u32 $0x1, s1  }
0x8c: {  	s17 =	sshll.u32 s0, $0xA;
	s2 =	sadd.s32 s3, s2  }
0x8d: {  	s2 =	sadd.s32 s2, s17  }
0x8e: {  	[smem:$0x3FC3] =	sst s2  }
0x8f: {  	_ = 	snop  }
0x90: {  	s2 =	sld [smem:$0x3FC9]  }
0x91: {  	s18 =	sld [smem:$0x3FD0];
	(tm) =	ssettm $0x1  }
0x92: {  	s4 =	sld [smem:$0x3FFB];
	_ =	sdelay $0x3  }
0x93: {  	_ =	strace s4  }
0x94: {  	s4 =	sld [smem:$0x3FFC];
	_ =	sdelay $0x3  }
0x95: {  	_ =	strace s4  }
0x96: {  	s4 =	sld [smem:$0x3FFD];
	_ =	sdelay $0x3  }
0x97: {  	_ =	strace s4  }
0x98: {  	_ =	strace $0x8FFFFFFF  }
0x99: {  	s19 =	sld [smem:$0x3FDB];
	_ =	sdelay $0x1  }
0x9a: {  	s5 =	simm.s32 $_scs_section_size  }
0x9b: {  	s6 =	simm.s32 $_size__tile_overlayer_lowered;
	s7 =	simm.s32 $_tile_overlayer_lowered  }
0x9c: {  	s22 =	simm.s32 $0x1BFF;
	s21 =	sshll.u32 s7, $0x1;
	s4 =	sadd.s32 s5, s19  }
0x9d: {  	s8 =	simm.s32 $0x0;
	s20 =	sshll.u32 s6, $0x1;
	s6 =	sadd.s32 s21, s4  }
0x9e: {  	[timem:s8], [sflag:s22] =	dma.local [hbm:s6], s20  }
0x9f: {  	_ =	swait.ge [sflag:s22], s20  }
0xa0: {  	s5 =	ssub.s32 $0x0, s20;
	[sflag:s22] =	ssyncset.done $0x0  }
0xa1: {  	[sflag:s22] =	ssyncadd.s32 s5;
	_ =	sdelay $0x1  }
0xa2: {  	s23 =	simm.s32 $0x1B8B  }
0xa3: {  	_ =	swait.ge [sflag:s23], $0x1  }
0xa4: {  	[sflag:s23] =	ssyncset.done $0x0  }
0xa5: {  	s25 =	simm.s32 $0x1B8E;
	s24 =	sld [smem:$0x3FFE];
	[sflag:s23] =	ssyncadd.s32 $0xFFFFFFFF  }
0xa6: {  	s26 =	simm.s32 $execute0_lowered;
	[smem:$0x3FD2] =	sst s25  }
0xa7: {  	s6 =	sshll.u32 s26, $0x1;
	_ =	strace $0x80000046;
	[dreg:$0x1] =	wrdreg $0xFFFFFFFF  }
0xa8: {  	s28 =	simm.s32 $_size_execute0_lowered;
	s4 =	sadd.s32 s4, s6;
	[dreg:$0x0] =	wrdreg $0x0  }
0xa9: {  	s6 =	sshll.u32 s28, $0x1;
	[dreg:$0x2] =	wrdreg s4  }
0xaa: {  	[dreg:$0x3] =	wrdreg s6  }
0xab: {  	[dreg:$0x4] =	wrdreg $0xC0  }
0xac: {  	_ =	task [dreg:s8], $0x5FFFF  }
0xad: {  	[dreg:$0x1] =	wrdreg $0xFFFFFFFF  }
0xae: {  	[dreg:$0x0] =	wrdreg $0x60  }
0xaf: {  	[dreg:$0x2] =	wrdreg s18  }
0xb0: {  	[dreg:$0x3] =	wrdreg s24  }
0xb1: {  	[dreg:$0x4] =	wrdreg s2  }
0xb2: {  	[dreg:$0x5] =	wrdreg $0x93000  }
0xb3: {  	[dreg:$0x6] =	wrdreg $0x1CF000  }
0xb4: {  	[dreg:$0x7] =	wrdreg $0x9  }
0xb5: {  	_ =	task.clear_ibuf [dreg:s8], $0x8FFFF;
	_ =	strace $0x90000046  }
0xb6: {  	s29 =	simm.s32 $0x9;
	_ =	strace $0x80000048  }
0xb7: {  	_ =	swait.ge [sflag:s29], $0x1  }
0xb8: {  	[sflag:s29] =	ssyncadd.s32 $0xFFFFFFFF  }
0xb9: {  	_ =	strace $0x90000048  }
0xba: {  	_ =	sfence  }
0xbb: {  	s30 =	sld [smem:$0x0];
	_ =	sdelay $0x2  }
0xbc: {  	s31 =	sshll.u32 s1, $0xD;
	s1 =	sshrl.u32 s1, $0x2  }
0xbd: {  	s3 =	sand.u32 $0x4000, s31;
	s1 =	sadd.s32 s1, s30  }
0xbe: {  	s0 =	sor.u32 s3, s0;
	s1 =	sshll.u32 s1, $0x11  }
0xbf: {  	s0 =	sor.u32 s1, s0  }
0xc0: {  	s0 =	sadd.s32 $0x8F2B, s0  }
0xc1: {  	[sflag:s0] =	ssyncadd.remote.s32 $0x1  }
0xc2: {  	_ =	sfence.sel $0xFFFF  }
0xc3: {  	[dreg:$0x0] =	wrdreg $0xFFFFFFFF;
	(pc) =	sbr.abs _section_cstart, $3  }
0xc4: {  	[dreg:$0x1] =	wrdreg $0xFFFFFFFF  }
0xc5: {  	_ =	task.clear_ibuf [dreg:s8], $0x2FFFF;
	_ =	strace $0x9FFFFFFF  }
0xc6: {  	(tm) =	ssettm $0x7FFFFFFF  }
0xc7: {  	_ =	shalt  }
tec
execute0_lowered:
.L_overlay_start_1:
0x0: {  	(tag) =	ssettag $0x1  }
0x1: {  	s20 =	rddreg [dreg:$0x0]  }
0x2: {  	s0 =	rddreg [dreg:$0x1]  }
0x3: {  	s1 =	rddreg [dreg:$0x2]  }
0x4: {  	s4 =	rddreg [dreg:$0x3];
	s2 =	srdreg.scid  }
0x5: {  	s5 =	rddreg [dreg:$0x4];
	s11 =	stileid.u32;
	s13 =	simm.s32 $0x0  }
0x6: {  	s30 =	simm.s32 $0x100;
	s12 =	simm.s32 $0x280;
	s6 =	smul.u32 $0x13C00, s11  }
0x7: {  	s29 =	simm.s32 $0xC00;
	s28 =	simm.s32 $0x9000;
	s15 =	smul.u32 $0x500, s11  }
0x8: {  	s31 =	simm.s32 $0xB00;
	s2 =	sand.u32 $0x1, s2;
	s9 =	smul.u32 $0x4F000, s11  }
0x9: {  	[smem:$0x7FF] =	sst s13;
	s19 =	sadd.s32 $0x1200, s0;
	s18 =	smul.u32 $0xA00, s11  }
0xa: {  	s3 =	smul.u32 $0x13C000, s2;
	_ =	strace $0x80000047;
	s7 =	sshll.u32 s2, $0x7  }
0xb: {  	s16 =	sshll.u32 s2, $0x4;
	s8 =	ssub.s32 $0x2, s2;
	[dreg:$0x6] =	wrdreg s30  }
0xc: {  	s2 =	smul.u32 $0x28000, s2;
	[dreg:$0x9] =	wrdreg s12;
	s30 =	simm.s32 $0x780  }
0xd: {  	s12 =	simm.s32 $0x4;
	[dreg:$0x13] =	wrdreg s19;
	s10 =	sshrl.u32 s8, $0x1  }
0xe: {  	s17 =	sshrl.u32 s9, $0x2;
	s25 =	sshrl.u32 s18, $0x2;
	s18 =	simm.s32 $0x480  }
0xf: {  	[dreg:$0x12] =	wrdreg s30;
	s3 =	sadd.s32 s6, s3;
	s6 =	sor.u32 s7, s15  }
0x10: {  	s7 =	sor.u32 s11, s16;
	s16 =	simm.s32 $0x300;
	[dreg:$0xc] =	wrdreg s18  }
0x11: {  	s9 =	sadd.s32 s17, s4;
	s17 =	simm.s32 $0x380;
	[dreg:$0xa] =	wrdreg s16  }
0x12: {  	s14 =	sadd.s32 s25, s5;
	s25 =	simm.s32 $0x680;
	[dreg:$0xb] =	wrdreg s17  }
0x13: {  	s15 =	smul.u32 $0x2800, s11;
	s11 =	simm.s32 $0x400;
	[dreg:$0x10] =	wrdreg s25  }
0x14: {  	s3 =	sshrl.u32 s3, $0x3;
	s6 =	sshrl.u32 s6, $0x3;
	[dreg:$0x14] =	wrdreg s9  }
0x15: {  	s7 =	smul.u32 $0x2800, s7;
	s22 =	sadd.s32 $0x4000, s9;
	[dreg:$0x1b] =	wrdreg s14  }
0x16: {  	s23 =	sadd.s32 $0x8000, s9;
	s24 =	sadd.s32 $0xC000, s9;
	[dreg:$0x17] =	wrdreg s22  }
0x17: {  	s26 =	sadd.s32 $0x10000, s9;
	s16 =	simm.s32 $0x8;
	[dreg:$0x18] =	wrdreg s23  }
0x18: {  	s3 =	sadd.s32 s3, s0;
	s0 =	sadd.s32 s6, s0;
	[dreg:$0x19] =	wrdreg s24  }
0x19: {  	s6 =	ssub.s32 s8, s10;
	[dreg:$0x1a] =	wrdreg s26;
	s8 =	simm.s32 $0x180  }
0x1a: {  	s25 =	simm.s32 $0x1000;
	s10 =	simm.s32 $0x200;
	[dreg:$0x7] =	wrdreg s8  }
0x1b: {  	s17 =	simm.s32 $0x880;
	s22 =	simm.s32 $0x580;
	[dreg:$0x8] =	wrdreg s10  }
0x1c: {  	s2 =	sadd.s32 s15, s2;
	s23 =	simm.s32 $0x600;
	[dreg:$0xe] =	wrdreg s22  }
0x1d: {  	s26 =	simm.s32 $0x700;
	s15 =	simm.s32 $0x6;
	[dreg:$0xf] =	wrdreg s23  }
0x1e: {  	s7 =	sshrl.u32 s7, $0x3;
	s3 =	sadd.s32 $0xBC00, s3;
	[dreg:$0x11] =	wrdreg s26  }
0x1f: {  	s0 =	sadd.s32 $0xB200, s0;
	s6 =	smax.u32 s6, $0x1;
	[dreg:$0x1c] =	wrdreg s3  }
0x20: {  	s8 =	simm.s32 $0x800;
	s26 =	simm.s32 $0x5000;
	[dreg:$0x1d] =	wrdreg s0  }
0x21: {  	s10 =	simm.s32 $0x3;
	s21 =	sadd.s32 s20, s7;
	[dreg:$0x1e] =	wrdreg s6  }
0x22: {  	s22 =	simm.s32 $0x980;
	s7 =	sadd.s32 s19, s7;
	[dreg:$0x15] =	wrdreg s21  }
0x23: {  	s23 =	simm.s32 $0xA00;
	s3 =	sadd.s32 $0x800, s2;
	[dreg:$0x16] =	wrdreg s7  }
0x24: {  	s2 =	sor.u32 $0x400, s2;
	s0 =	simm.s32 $0x900;
	[dreg:$0x1f] =	wrdreg s3  }
0x25: {  	s21 =	simm.s32 $0x500;
	s2 =	sshrl.u32 s2, $0x3;
	s3 =	simm.s32 $0x2  }
0x26: {  	s7 =	simm.s32 $0x0;
	[dreg:$0xd] =	wrdreg s21;
	s24 =	sadd.s32 s2, s19  }
0x27: {  	s2 =	sadd.s32 s2, s20;
	s21 =	simm.s32 $0xA80;
	[smem:$0x7FC] =	sst s24  }
0x28: {  	v0 =	vimm.f32 $0.0e+00;
	v1 =	vimm.f32 $1.000000000e+00;
	[smem:$0x7FD] =	sst s2;
	s24 =	simm.s32 $0x80;
	s2 =	simm.s32 $0x1  }
.LBB2_1:
0x29: {  	[smem:$0x7FB] =	sst s7  }
0x2a: {  	s6 =	rddreg [dreg:$0x15]  }
0x2b: {  	[tilespmem:s13], [sflag:$0x8] =	stream.linear.gather [hbm4b:s6+s13], $0x400, $0x38;
	[tilespmem:$0x1D180] =	vst v63  }
0x2c: {  	_ =	swait.ge [sflag:s16], $0x400  }
0x2d: {  	[sflag:s16] =	ssyncset.done $0x0  }
0x2e: {  	s30 =	rddreg [dreg:$0x16];
	[sflag:s16] =	ssyncadd.s32 $0xFFFFFC00  }
0x2f: {  	[tilespmem:s8], [sflag:$0x8] =	stream.linear.gather [hbm4b:s30+s13], $0x400, $0x38;
	[tilespmem:$0x1D180] =	vst v63  }
0x30: {  	_ =	swait.ge [sflag:s16], $0x400  }
0x31: {  	[sflag:s16] =	ssyncset.done $0x0  }
0x32: {  	s7 =	simm.s32 $0x200;
	s6 =	simm.s32 $0x0;
	[sflag:s16] =	ssyncadd.s32 $0xFFFFFC00  }
0x33: {  	[tilespmem:s25], [sflag:$0x1] =	stream.indirect.gather [hbm4b:s1+s24], $0x80, s13, s24, $0xb8;
	[tilespmem:$0x1D180] =	vst v63  }
.LBB2_2:
0x34: {  	p0 =	sne.s32 s7, $0xFE00;
	[tilespmem:s6+$0x5070] =	vst v0  }
0x35: {  	[tilespmem:s6+$0x5000] =	vst v0  }
0x36: {  	[tilespmem:s6+$0x5010] =	vst v0  }
.Ltmp0:
0x37: {  	[tilespmem:s6+$0x5020] =	vst v0;
	(pc) =	sbr.rel @p0 .LBB2_2-.Ltmp0, $4  }
0x38: {  	[tilespmem:s6+$0x5030] =	vst v0  }
0x39: {  	[tilespmem:s6+$0x5040] =	vst v0  }
0x3a: {  	[tilespmem:s6+$0x5050] =	vst v0  }
0x3b: {  	[tilespmem:s6+$0x5060] =	vst v0;
	s6 =	sshra.s32 s7, $0x2;
	s7 =	sadd.s32 $0x200, s7  }
0x3c: {  	[tilespmem:s6+$0x5070] =	vst v0  }
0x3d: {  	[tilespmem:s6+$0x5000] =	vst v0  }
0x3e: {  	[tilespmem:s6+$0x5010] =	vst v0  }
0x3f: {  	[tilespmem:s6+$0x5020] =	vst v0  }
0x40: {  	[tilespmem:s6+$0x5030] =	vst v0  }
0x41: {  	[tilespmem:s6+$0x5040] =	vst v0  }
0x42: {  	[tilespmem:s6+$0x5050] =	vst v0  }
0x43: {  	[tilespmem:s6+$0x5060] =	vst v0  }
0x44: {  	[tilespmem:$0x9000] =	vst v1  }
0x45: {  	[tilespmem:$0x9010] =	vst v1  }
0x46: {  	[tilespmem:$0x9020] =	vst v1  }
0x47: {  	[tilespmem:$0x9030] =	vst v1  }
0x48: {  	[tilespmem:$0x9040] =	vst v1  }
0x49: {  	[tilespmem:$0x9050] =	vst v1  }
0x4a: {  	[tilespmem:$0x9060] =	vst v1  }
0x4b: {  	[tilespmem:$0x9070] =	vst v1  }
0x4c: {  	[tilespmem:$0x9080] =	vst v0  }
0x4d: {  	[tilespmem:$0x9090] =	vst v0  }
0x4e: {  	[tilespmem:$0x90A0] =	vst v0  }
0x4f: {  	[tilespmem:$0x90B0] =	vst v0  }
0x50: {  	[tilespmem:$0x90C0] =	vst v0  }
0x51: {  	[tilespmem:$0x90D0] =	vst v0  }
0x52: {  	[tilespmem:$0x90E0] =	vst v0  }
0x53: {  	[tilespmem:$0x90F0] =	vst v0  }
0x54: {  	[tilespmem:$0x9100] =	vst v0  }
0x55: {  	[tilespmem:$0x9110] =	vst v0  }
0x56: {  	[tilespmem:$0x9120] =	vst v0  }
0x57: {  	[tilespmem:$0x9130] =	vst v0  }
0x58: {  	[tilespmem:$0x9140] =	vst v0  }
0x59: {  	[tilespmem:$0x9150] =	vst v0  }
0x5a: {  	[tilespmem:$0x9160] =	vst v0  }
0x5b: {  	[tilespmem:$0x9170] =	vst v0  }
0x5c: {  	[tilespmem:$0x9180] =	vst v0  }
0x5d: {  	[tilespmem:$0x9190] =	vst v0  }
0x5e: {  	[tilespmem:$0x91A0] =	vst v0  }
0x5f: {  	[tilespmem:$0x91B0] =	vst v0  }
0x60: {  	[tilespmem:$0x91C0] =	vst v0  }
0x61: {  	[tilespmem:$0x91D0] =	vst v0  }
0x62: {  	[tilespmem:$0x91E0] =	vst v0  }
0x63: {  	[tilespmem:$0x91F0] =	vst v0  }
0x64: {  	[tilespmem:$0x9200] =	vst v0  }
0x65: {  	[tilespmem:$0x9210] =	vst v0  }
0x66: {  	[tilespmem:$0x9220] =	vst v0  }
0x67: {  	[tilespmem:$0x9230] =	vst v0  }
0x68: {  	[tilespmem:$0x9240] =	vst v0  }
0x69: {  	[tilespmem:$0x9250] =	vst v0  }
0x6a: {  	[tilespmem:$0x9260] =	vst v0  }
0x6b: {  	[tilespmem:$0x9270] =	vst v0  }
0x6c: {  	[tilespmem:$0x9280] =	vst v0  }
0x6d: {  	[tilespmem:$0x9290] =	vst v0  }
0x6e: {  	[tilespmem:$0x92A0] =	vst v0  }
0x6f: {  	[tilespmem:$0x92B0] =	vst v0  }
0x70: {  	[tilespmem:$0x92C0] =	vst v0  }
0x71: {  	[tilespmem:$0x92D0] =	vst v0  }
0x72: {  	[tilespmem:$0x92E0] =	vst v0  }
0x73: {  	[tilespmem:$0x92F0] =	vst v0  }
0x74: {  	[spmem:s9] =	stream.linear.scatter [tilespmem:s26], [sflag:$0x7], $0x4000, $0x38;
	[tilespmem:$0x1D180] =	vst v63  }
0x75: {  	s18 =	rddreg [dreg:$0x17]  }
0x76: {  	[spmem:s18] =	stream.linear.scatter [tilespmem:s26], [sflag:$0x7], $0x4000, $0x38;
	[tilespmem:$0x1D180] =	vst v63  }
0x77: {  	s7 =	rddreg [dreg:$0x18]  }
0x78: {  	[spmem:s7] =	stream.linear.scatter [tilespmem:s26], [sflag:$0x7], $0x4000, $0x38;
	[tilespmem:$0x1D180] =	vst v63  }
0x79: {  	s9 =	rddreg [dreg:$0x19]  }
0x7a: {  	[spmem:s9] =	stream.linear.scatter [tilespmem:s26], [sflag:$0x7], $0x4000, $0x38;
	[tilespmem:$0x1D180] =	vst v63  }
0x7b: {  	s16 =	rddreg [dreg:$0x1a]  }
0x7c: {  	[spmem:s16] =	stream.linear.scatter [tilespmem:s26], [sflag:$0x7], $0x3C00, $0x38;
	[tilespmem:$0x1D180] =	vst v63  }
0x7d: {  	s18 =	simm.s32 $0x9080;
	s7 =	simm.s32 $0x7  }
0x7e: {  	[spmem:s14] =	stream.linear.scatter [tilespmem:s18], [sflag:$0x7], $0x280, $0x38;
	[tilespmem:$0x1D180] =	vst v63  }
0x7f: {  	_ =	swait.ge [sflag:s7], $0x4000  }
0x80: {  	[sflag:s7] =	ssyncset.done $0x0  }
0x81: {  	[sflag:s7] =	ssyncadd.s32 $0xFFFFC000  }
0x82: {  	_ =	swait.ge [sflag:s7], $0x4000  }
0x83: {  	[sflag:s7] =	ssyncset.done $0x0  }
0x84: {  	[sflag:s7] =	ssyncadd.s32 $0xFFFFC000  }
0x85: {  	_ =	swait.ge [sflag:s7], $0x4000  }
0x86: {  	[sflag:s7] =	ssyncset.done $0x0  }
0x87: {  	[sflag:s7] =	ssyncadd.s32 $0xFFFFC000  }
0x88: {  	_ =	swait.ge [sflag:s7], $0x4000  }
0x89: {  	[sflag:s7] =	ssyncset.done $0x0  }
0x8a: {  	[sflag:s7] =	ssyncadd.s32 $0xFFFFC000  }
0x8b: {  	_ =	swait.ge [sflag:s7], $0x3C00  }
0x8c: {  	[sflag:s7] =	ssyncset.done $0x0  }
0x8d: {  	[sflag:s7] =	ssyncadd.s32 $0xFFFFC400  }
0x8e: {  	_ =	swait.ge [sflag:s7], $0x280  }
0x8f: {  	[sflag:s7] =	ssyncset.done $0x0  }
0x90: {  	p0 =	por $0x1, $0x1;
	[sflag:s7] =	ssyncadd.s32 $0xFFFFFD80  }
0x91: {  	s6 =	simm.s32 @!p0 $0x4;
	[bflag:$0x0] =	sbarrier.arrive $0xFFFF  }
0x92: {  	_ =	swait.ge @!p0 [sflag:s6], $0x4000  }
0x93: {  	[sflag:s6] =	ssyncset.done @!p0 $0x0  }
0x94: {  	s7 =	simm.s32 @!p0 $0x5;
	[sflag:s6] =	ssyncadd.s32 @!p0 $0xFFFFC000  }
0x95: {  	_ =	swait.ge @!p0 [sflag:s7], $0x80  }
0x96: {  	[sflag:s7] =	ssyncset.done @!p0 $0x0  }
0x97: {  	[sflag:s7] =	ssyncadd.s32 @!p0 $0xFFFFFF80  }
0x98: {  	_ =	swait.ge @!p0 [sflag:s7], $0x80  }
0x99: {  	[sflag:s7] =	ssyncset.done @!p0 $0x0  }
0x9a: {  	[sflag:s7] =	ssyncadd.s32 @!p0 $0xFFFFFF80  }
0x9b: {  	_ =	swait.ge @!p0 [sflag:s7], $0x80  }
0x9c: {  	[sflag:s7] =	ssyncset.done @!p0 $0x0  }
0x9d: {  	[sflag:s7] =	ssyncadd.s32 @!p0 $0xFFFFFF80  }
0x9e: {  	_ =	swait.ge @!p0 [sflag:s7], $0x80  }
0x9f: {  	[sflag:s7] =	ssyncset.done @!p0 $0x0  }
0xa0: {  	[sflag:s7] =	ssyncadd.s32 @!p0 $0xFFFFFF80  }
0xa1: {  	_ =	swait.ge @!p0 [sflag:s7], $0x80  }
0xa2: {  	[sflag:s7] =	ssyncset.done @!p0 $0x0  }
0xa3: {  	[sflag:s7] =	ssyncadd.s32 @!p0 $0xFFFFFF80  }
0xa4: {  	_ =	swait.ge @!p0 [sflag:s7], $0x80  }
0xa5: {  	[sflag:s7] =	ssyncset.done @!p0 $0x0  }
0xa6: {  	[sflag:s7] =	ssyncadd.s32 @!p0 $0xFFFFFF80  }
0xa7: {  	_ =	swait.ge @!p0 [sflag:s7], $0x80  }
0xa8: {  	[sflag:s7] =	ssyncset.done @!p0 $0x0  }
0xa9: {  	[sflag:s7] =	ssyncadd.s32 @!p0 $0xFFFFFF80  }
0xaa: {  	_ =	swait.ge @!p0 [sflag:s7], $0x80  }
0xab: {  	s30 =	sld [smem:$0x7FD]  }
0xac: {  	[sflag:s7] =	ssyncset.done @!p0 $0x0  }
0xad: {  	s18 =	sld [smem:$0x7FC];
	[sflag:s7] =	ssyncadd.s32 @!p0 $0xFFFFFF80  }
0xae: {  	[tilespmem:s11], [sflag:$0x6] =	stream.linear.gather [hbm4b:s30+s13], $0x400, $0x38;
	[tilespmem:$0x1D180] =	vst v63  }
0xaf: {  	_ = 	snop  }
0xb0: {  	[tilespmem:s29], [sflag:$0x6] =	stream.linear.gather [hbm4b:s18+s13], $0x400, $0x38;
	[tilespmem:$0x1D180] =	vst v63  }
0xb1: {  	_ =	swait.ge [sflag:s2], $0x4000  }
0xb2: {  	[sflag:s2] =	ssyncset.done $0x0  }
0xb3: {  	[sflag:s2] =	ssyncadd.s32 $0xFFFFC000  }
0xb4: {  	[spmem:s5] =	stream.indirect.scatter.add.f32 [tilespmem:s28], [sflag:$0x5], $0x1, s8, s24, $0xb8;
	[tilespmem:$0x1D180] =	vst v63  }
0xb5: {  	_ = 	snop  }
0xb6: {  	[spmem:s4] =	stream.indirect.scatter.add.f32 [tilespmem:s25], [sflag:$0x3], $0x80, s8, s24, $0xb8;
	[tilespmem:$0x1D180] =	vst v63  }
0xb7: {  	_ = 	snop  }
0xb8: {  	[tilespmem:s26], [sflag:$0x2] =	stream.indirect.gather [hbm4b:s1+s24], $0x80, s24, s24, $0xb8;
	[tilespmem:$0x1D180] =	vst v63  }
0xb9: {  	_ =	swait.ge [sflag:s3], $0x4000  }
0xba: {  	[sflag:s3] =	ssyncset.done $0x0  }
0xbb: {  	[sflag:s3] =	ssyncadd.s32 $0xFFFFC000  }
0xbc: {  	[spmem:s5] =	stream.indirect.scatter.add.f32 [tilespmem:s28], [sflag:$0x5], $0x1, s17, s24, $0xb8;
	[tilespmem:$0x1D180] =	vst v63  }
0xbd: {  	_ = 	snop  }
0xbe: {  	[spmem:s4] =	stream.indirect.scatter.add.f32 [tilespmem:s26], [sflag:$0x4], $0x80, s17, s24, $0xb8;
	[tilespmem:$0x1D180] =	vst v63  }
0xbf: {  	_ =	swait.ge [sflag:s10], $0x4000  }
0xc0: {  	[sflag:s10] =	ssyncset.done $0x0  }
0xc1: {  	s8 =	rddreg [dreg:$0x6];
	[sflag:s10] =	ssyncadd.s32 $0xFFFFC000  }
0xc2: {  	[tilespmem:s25], [sflag:$0x1] =	stream.indirect.gather [hbm4b:s1+s24], $0x80, s8, s24, $0xb8;
	[tilespmem:$0x1D180] =	vst v63  }
0xc3: {  	_ =	swait.ge [sflag:s2], $0x4000  }
0xc4: {  	[sflag:s2] =	ssyncset.done $0x0  }
0xc5: {  	[sflag:s2] =	ssyncadd.s32 $0xFFFFC000  }
0xc6: {  	[spmem:s5] =	stream.indirect.scatter.add.f32 [tilespmem:s28], [sflag:$0x5], $0x1, s0, s24, $0xb8;
	[tilespmem:$0x1D180] =	vst v63  }
0xc7: {  	_ = 	snop  }
0xc8: {  	[spmem:s4] =	stream.indirect.scatter.add.f32 [tilespmem:s25], [sflag:$0x3], $0x80, s0, s24, $0xb8;
	[tilespmem:$0x1D180] =	vst v63  }
0xc9: {  	_ =	swait.ge [sflag:s12], $0x4000  }
0xca: {  	[sflag:s12] =	ssyncset.done $0x0  }
0xcb: {  	s9 =	rddreg [dreg:$0x7];
	[sflag:s12] =	ssyncadd.s32 $0xFFFFC000  }
0xcc: {  	[tilespmem:s26], [sflag:$0x2] =	stream.indirect.gather [hbm4b:s1+s24], $0x80, s9, s24, $0xb8;
	[tilespmem:$0x1D180] =	vst v63  }
0xcd: {  	_ =	swait.ge [sflag:s3], $0x4000  }
0xce: {  	[sflag:s3] =	ssyncset.done $0x0  }
0xcf: {  	[sflag:s3] =	ssyncadd.s32 $0xFFFFC000  }
0xd0: {  	[spmem:s5] =	stream.indirect.scatter.add.f32 [tilespmem:s28], [sflag:$0x5], $0x1, s22, s24, $0xb8;
	[tilespmem:$0x1D180] =	vst v63  }
0xd1: {  	_ = 	snop  }
0xd2: {  	[spmem:s4] =	stream.indirect.scatter.add.f32 [tilespmem:s26], [sflag:$0x4], $0x80, s22, s24, $0xb8;
	[tilespmem:$0x1D180] =	vst v63  }
0xd3: {  	_ =	swait.ge [sflag:s10], $0x4000  }
0xd4: {  	[sflag:s10] =	ssyncset.done $0x0  }
0xd5: {  	s13 =	rddreg [dreg:$0x8];
	[sflag:s10] =	ssyncadd.s32 $0xFFFFC000  }
0xd6: {  	[tilespmem:s25], [sflag:$0x1] =	stream.indirect.gather [hbm4b:s1+s24], $0x80, s13, s24, $0xb8;
	[tilespmem:$0x1D180] =	vst v63  }
0xd7: {  	_ =	swait.ge [sflag:s2], $0x4000  }
0xd8: {  	[sflag:s2] =	ssyncset.done $0x0  }
0xd9: {  	[sflag:s2] =	ssyncadd.s32 $0xFFFFC000  }
0xda: {  	[spmem:s5] =	stream.indirect.scatter.add.f32 [tilespmem:s28], [sflag:$0x5], $0x1, s23, s24, $0xb8;
	[tilespmem:$0x1D180] =	vst v63  }
0xdb: {  	_ = 	snop  }
0xdc: {  	[spmem:s4] =	stream.indirect.scatter.add.f32 [tilespmem:s25], [sflag:$0x3], $0x80, s23, s24, $0xb8;
	[tilespmem:$0x1D180] =	vst v63  }
0xdd: {  	_ =	swait.ge [sflag:s12], $0x4000  }
0xde: {  	[sflag:s12] =	ssyncset.done $0x0  }
0xdf: {  	s14 =	rddreg [dreg:$0x9];
	[sflag:s12] =	ssyncadd.s32 $0xFFFFC000  }
0xe0: {  	[tilespmem:s26], [sflag:$0x2] =	stream.indirect.gather [hbm4b:s1+s24], $0x80, s14, s24, $0xb8;
	[tilespmem:$0x1D180] =	vst v63  }
0xe1: {  	_ =	swait.ge [sflag:s3], $0x4000  }
0xe2: {  	[sflag:s3] =	ssyncset.done $0x0  }
0xe3: {  	[sflag:s3] =	ssyncadd.s32 $0xFFFFC000  }
0xe4: {  	[spmem:s5] =	stream.indirect.scatter.add.f32 [tilespmem:s28], [sflag:$0x5], $0x1, s21, s24, $0xb8;
	[tilespmem:$0x1D180] =	vst v63  }
0xe5: {  	_ = 	snop  }
0xe6: {  	[spmem:s4] =	stream.indirect.scatter.add.f32 [tilespmem:s26], [sflag:$0x4], $0x80, s21, s24, $0xb8;
	[tilespmem:$0x1D180] =	vst v63  }
0xe7: {  	_ =	swait.ge [sflag:s10], $0x4000  }
0xe8: {  	[sflag:s10] =	ssyncset.done $0x0  }
0xe9: {  	s16 =	rddreg [dreg:$0xa];
	[sflag:s10] =	ssyncadd.s32 $0xFFFFC000  }
0xea: {  	[tilespmem:s25], [sflag:$0x1] =	stream.indirect.gather [hbm4b:s1+s24], $0x80, s16, s24, $0xb8;
	[tilespmem:$0x1D180] =	vst v63  }
0xeb: {  	_ =	swait.ge [sflag:s2], $0x4000  }
0xec: {  	[sflag:s2] =	ssyncset.done $0x0  }
0xed: {  	[sflag:s2] =	ssyncadd.s32 $0xFFFFC000  }
0xee: {  	[spmem:s5] =	stream.indirect.scatter.add.f32 [tilespmem:s28], [sflag:$0x5], $0x1, s31, s24, $0xb8;
	[tilespmem:$0x1D180] =	vst v63  }
0xef: {  	_ = 	snop  }
0xf0: {  	[spmem:s4] =	stream.indirect.scatter.add.f32 [tilespmem:s25], [sflag:$0x3], $0x80, s31, s24, $0xb8;
	[tilespmem:$0x1D180] =	vst v63  }
0xf1: {  	_ =	swait.ge [sflag:s12], $0x4000  }
0xf2: {  	[sflag:s12] =	ssyncset.done $0x0  }
0xf3: {  	s17 =	rddreg [dreg:$0xb];
	[sflag:s12] =	ssyncadd.s32 $0xFFFFC000  }
0xf4: {  	[tilespmem:s26], [sflag:$0x2] =	stream.indirect.gather [hbm4b:s1+s24], $0x80, s17, s24, $0xb8;
	[tilespmem:$0x1D180] =	vst v63  }
0xf5: {  	_ =	swait.ge [sflag:s3], $0x4000  }
0xf6: {  	[sflag:s3] =	ssyncset.done $0x0  }
0xf7: {  	s21 =	simm.s32 $0xB80;
	[sflag:s3] =	ssyncadd.s32 $0xFFFFC000  }
0xf8: {  	[spmem:s5] =	stream.indirect.scatter.add.f32 [tilespmem:s28], [sflag:$0x5], $0x1, s21, s24, $0xb8;
	[tilespmem:$0x1D180] =	vst v63  }
0xf9: {  	_ = 	snop  }
0xfa: {  	[spmem:s4] =	stream.indirect.scatter.add.f32 [tilespmem:s26], [sflag:$0x4], $0x80, s21, s24, $0xb8;
	[tilespmem:$0x1D180] =	vst v63  }
0xfb: {  	_ =	swait.ge [sflag:s10], $0x4000  }
0xfc: {  	[sflag:s10] =	ssyncset.done $0x0  }
0xfd: {  	[sflag:s10] =	ssyncadd.s32 $0xFFFFC000  }
0xfe: {  	_ =	swait.ge [sflag:s15], $0x400  }
0xff: {  	[sflag:s15] =	ssyncset.done $0x0  }
0x100: {  	[sflag:s15] =	ssyncadd.s32 $0xFFFFFC00  }
0x101: {  	_ =	swait.ge [sflag:s15], $0x400  }
0x102: {  	p1 =	por $0x0, $0x0;
	[sflag:s15] =	ssyncset.done $0x0  }
0x103: {  	s6 =	simm.s32 @!p1 $0x4;
	[sflag:s15] =	ssyncadd.s32 $0xFFFFFC00  }
0x104: {  	[tilespmem:s25], [sflag:$0x1] =	stream.indirect.gather [hbm4b:s1+s24], $0x80, s11, s24, $0xb8;
	[tilespmem:$0x1D180] =	vst v63  }
0x105: {  	_ =	swait.ge @!p1 [sflag:s6], $0x4000  }
0x106: {  	[sflag:s6] =	ssyncset.done @!p1 $0x0  }
0x107: {  	s7 =	simm.s32 @!p1 $0x5;
	[sflag:s6] =	ssyncadd.s32 @!p1 $0xFFFFC000  }
0x108: {  	_ =	swait.ge @!p1 [sflag:s7], $0x80  }
0x109: {  	[sflag:s7] =	ssyncset.done @!p1 $0x0  }
0x10a: {  	[sflag:s7] =	ssyncadd.s32 @!p1 $0xFFFFFF80  }
0x10b: {  	_ =	swait.ge @!p1 [sflag:s7], $0x80  }
0x10c: {  	[sflag:s7] =	ssyncset.done @!p1 $0x0  }
0x10d: {  	[sflag:s7] =	ssyncadd.s32 @!p1 $0xFFFFFF80  }
0x10e: {  	_ =	swait.ge @!p1 [sflag:s7], $0x80  }
0x10f: {  	[sflag:s7] =	ssyncset.done @!p1 $0x0  }
0x110: {  	[sflag:s7] =	ssyncadd.s32 @!p1 $0xFFFFFF80  }
0x111: {  	_ =	swait.ge @!p1 [sflag:s7], $0x80  }
0x112: {  	[sflag:s7] =	ssyncset.done @!p1 $0x0  }
0x113: {  	[sflag:s7] =	ssyncadd.s32 @!p1 $0xFFFFFF80  }
0x114: {  	_ =	swait.ge @!p1 [sflag:s7], $0x80  }
0x115: {  	[sflag:s7] =	ssyncset.done @!p1 $0x0  }
0x116: {  	[sflag:s7] =	ssyncadd.s32 @!p1 $0xFFFFFF80  }
0x117: {  	_ =	swait.ge @!p1 [sflag:s7], $0x80  }
0x118: {  	[sflag:s7] =	ssyncset.done @!p1 $0x0  }
0x119: {  	[sflag:s7] =	ssyncadd.s32 @!p1 $0xFFFFFF80  }
0x11a: {  	_ =	swait.ge @!p1 [sflag:s7], $0x80  }
0x11b: {  	[sflag:s7] =	ssyncset.done @!p1 $0x0  }
0x11c: {  	[sflag:s7] =	ssyncadd.s32 @!p1 $0xFFFFFF80  }
0x11d: {  	_ =	swait.ge @!p1 [sflag:s7], $0x80  }
0x11e: {  	s16 =	rddreg [dreg:$0x1f]  }
0x11f: {  	[sflag:s7] =	ssyncset.done @!p1 $0x0;
	s6 =	sshrl.u32 @!p1 s16, $0x3  }
0x120: {  	s11 =	simm.s32 @!p1 $0x0;
	[sflag:s7] =	ssyncadd.s32 @!p1 $0xFFFFFF80;
	s9 =	sadd.s32 @!p1 s20, s6  }
0x121: {  	[tilespmem:s11], [sflag:$0x6] =	stream.linear.gather @!p1 [hbm4b:s9+s11], $0x400, $0x38;
	[tilespmem:$0x1D180] =	vst v63  }
0x122: {  	s7 =	simm.s32 @!p1 $0x800;
	s6 =	sadd.s32 @!p1 s19, s6  }
0x123: {  	[tilespmem:s7], [sflag:$0x6] =	stream.linear.gather @!p1 [hbm4b:s6+s11], $0x400, $0x38;
	[tilespmem:$0x1D180] =	vst v63  }
0x124: {  	_ =	swait.ge [sflag:s2], $0x4000  }
0x125: {  	[sflag:s2] =	ssyncset.done $0x0  }
0x126: {  	[sflag:s2] =	ssyncadd.s32 $0xFFFFC000  }
0x127: {  	[spmem:s5] =	stream.indirect.scatter.add.f32 [tilespmem:s28], [sflag:$0x5], $0x1, s29, s24, $0xb8;
	[tilespmem:$0x1D180] =	vst v63  }
0x128: {  	_ = 	snop  }
0x129: {  	[spmem:s4] =	stream.indirect.scatter.add.f32 [tilespmem:s25], [sflag:$0x3], $0x80, s29, s24, $0xb8;
	[tilespmem:$0x1D180] =	vst v63  }
0x12a: {  	s22 =	rddreg [dreg:$0xc]  }
0x12b: {  	[tilespmem:s26], [sflag:$0x2] =	stream.indirect.gather [hbm4b:s1+s24], $0x80, s22, s24, $0xb8;
	[tilespmem:$0x1D180] =	vst v63  }
0x12c: {  	_ =	swait.ge [sflag:s3], $0x4000  }
0x12d: {  	[sflag:s3] =	ssyncset.done $0x0  }
0x12e: {  	s23 =	simm.s32 $0xC80;
	[sflag:s3] =	ssyncadd.s32 $0xFFFFC000  }
0x12f: {  	[spmem:s5] =	stream.indirect.scatter.add.f32 [tilespmem:s28], [sflag:$0x5], $0x1, s23, s24, $0xb8;
	[tilespmem:$0x1D180] =	vst v63  }
0x130: {  	_ = 	snop  }
0x131: {  	[spmem:s4] =	stream.indirect.scatter.add.f32 [tilespmem:s26], [sflag:$0x4], $0x80, s23, s24, $0xb8;
	[tilespmem:$0x1D180] =	vst v63  }
0x132: {  	_ =	swait.ge [sflag:s10], $0x4000  }
0x133: {  	[sflag:s10] =	ssyncset.done $0x0  }
0x134: {  	s0 =	rddreg [dreg:$0xd];
	[sflag:s10] =	ssyncadd.s32 $0xFFFFC000  }
0x135: {  	[tilespmem:s25], [sflag:$0x1] =	stream.indirect.gather [hbm4b:s1+s24], $0x80, s0, s24, $0xb8;
	[tilespmem:$0x1D180] =	vst v63  }
0x136: {  	_ =	swait.ge [sflag:s2], $0x4000  }
0x137: {  	[sflag:s2] =	ssyncset.done $0x0  }
0x138: {  	s7 =	simm.s32 $0xD00;
	[sflag:s2] =	ssyncadd.s32 $0xFFFFC000  }
0x139: {  	[spmem:s5] =	stream.indirect.scatter.add.f32 [tilespmem:s28], [sflag:$0x5], $0x1, s7, s24, $0xb8;
	[tilespmem:$0x1D180] =	vst v63  }
0x13a: {  	_ = 	snop  }
0x13b: {  	[spmem:s4] =	stream.indirect.scatter.add.f32 [tilespmem:s25], [sflag:$0x3], $0x80, s7, s24, $0xb8;
	[tilespmem:$0x1D180] =	vst v63  }
0x13c: {  	_ =	swait.ge [sflag:s12], $0x4000  }
0x13d: {  	[sflag:s12] =	ssyncset.done $0x0  }
0x13e: {  	s8 =	rddreg [dreg:$0xe];
	[sflag:s12] =	ssyncadd.s32 $0xFFFFC000  }
0x13f: {  	[tilespmem:s26], [sflag:$0x2] =	stream.indirect.gather [hbm4b:s1+s24], $0x80, s8, s24, $0xb8;
	[tilespmem:$0x1D180] =	vst v63  }
0x140: {  	_ =	swait.ge [sflag:s3], $0x4000  }
0x141: {  	[sflag:s3] =	ssyncset.done $0x0  }
0x142: {  	s9 =	simm.s32 $0xD80;
	[sflag:s3] =	ssyncadd.s32 $0xFFFFC000  }
0x143: {  	[spmem:s5] =	stream.indirect.scatter.add.f32 [tilespmem:s28], [sflag:$0x5], $0x1, s9, s24, $0xb8;
	[tilespmem:$0x1D180] =	vst v63  }
0x144: {  	_ = 	snop  }
0x145: {  	[spmem:s4] =	stream.indirect.scatter.add.f32 [tilespmem:s26], [sflag:$0x4], $0x80, s9, s24, $0xb8;
	[tilespmem:$0x1D180] =	vst v63  }
0x146: {  	_ =	swait.ge [sflag:s10], $0x4000  }
0x147: {  	[sflag:s10] =	ssyncset.done $0x0  }
0x148: {  	s13 =	rddreg [dreg:$0xf];
	[sflag:s10] =	ssyncadd.s32 $0xFFFFC000  }
0x149: {  	[tilespmem:s25], [sflag:$0x1] =	stream.indirect.gather [hbm4b:s1+s24], $0x80, s13, s24, $0xb8;
	[tilespmem:$0x1D180] =	vst v63  }
0x14a: {  	_ =	swait.ge [sflag:s2], $0x4000  }
0x14b: {  	[sflag:s2] =	ssyncset.done $0x0  }
0x14c: {  	s14 =	simm.s32 $0xE00;
	[sflag:s2] =	ssyncadd.s32 $0xFFFFC000  }
0x14d: {  	[spmem:s5] =	stream.indirect.scatter.add.f32 [tilespmem:s28], [sflag:$0x5], $0x1, s14, s24, $0xb8;
	[tilespmem:$0x1D180] =	vst v63  }
0x14e: {  	_ = 	snop  }
0x14f: {  	[spmem:s4] =	stream.indirect.scatter.add.f32 [tilespmem:s25], [sflag:$0x3], $0x80, s14, s24, $0xb8;
	[tilespmem:$0x1D180] =	vst v63  }
0x150: {  	_ =	swait.ge [sflag:s12], $0x4000  }
0x151: {  	[sflag:s12] =	ssyncset.done $0x0  }
0x152: {  	s17 =	rddreg [dreg:$0x10];
	[sflag:s12] =	ssyncadd.s32 $0xFFFFC000  }
0x153: {  	[tilespmem:s26], [sflag:$0x2] =	stream.indirect.gather [hbm4b:s1+s24], $0x80, s17, s24, $0xb8;
	[tilespmem:$0x1D180] =	vst v63  }
0x154: {  	_ =	swait.ge [sflag:s3], $0x4000  }
0x155: {  	[sflag:s3] =	ssyncset.done $0x0  }
0x156: {  	s19 =	simm.s32 $0xE80;
	[sflag:s3] =	ssyncadd.s32 $0xFFFFC000  }
0x157: {  	[spmem:s5] =	stream.indirect.scatter.add.f32 [tilespmem:s28], [sflag:$0x5], $0x1, s19, s24, $0xb8;
	[tilespmem:$0x1D180] =	vst v63  }
0x158: {  	_ = 	snop  }
0x159: {  	[spmem:s4] =	stream.indirect.scatter.add.f32 [tilespmem:s26], [sflag:$0x4], $0x80, s19, s24, $0xb8;
	[tilespmem:$0x1D180] =	vst v63  }
0x15a: {  	_ =	swait.ge [sflag:s10], $0x4000  }
0x15b: {  	[sflag:s10] =	ssyncset.done $0x0  }
0x15c: {  	s20 =	rddreg [dreg:$0x11];
	[sflag:s10] =	ssyncadd.s32 $0xFFFFC000  }
0x15d: {  	[tilespmem:s25], [sflag:$0x1] =	stream.indirect.gather [hbm4b:s1+s24], $0x80, s20, s24, $0xb8;
	[tilespmem:$0x1D180] =	vst v63  }
0x15e: {  	_ =	swait.ge [sflag:s2], $0x4000  }
0x15f: {  	[sflag:s2] =	ssyncset.done $0x0  }
0x160: {  	s21 =	simm.s32 $0xF00;
	[sflag:s2] =	ssyncadd.s32 $0xFFFFC000  }
0x161: {  	[spmem:s5] =	stream.indirect.scatter.add.f32 [tilespmem:s28], [sflag:$0x5], $0x1, s21, s24, $0xb8;
	[tilespmem:$0x1D180] =	vst v63  }
0x162: {  	_ = 	snop  }
0x163: {  	[spmem:s4] =	stream.indirect.scatter.add.f32 [tilespmem:s25], [sflag:$0x3], $0x80, s21, s24, $0xb8;
	[tilespmem:$0x1D180] =	vst v63  }
0x164: {  	_ =	swait.ge [sflag:s12], $0x4000  }
0x165: {  	[sflag:s12] =	ssyncset.done $0x0  }
0x166: {  	s22 =	rddreg [dreg:$0x12];
	[sflag:s12] =	ssyncadd.s32 $0xFFFFC000  }
0x167: {  	[tilespmem:s26], [sflag:$0x2] =	stream.indirect.gather [hbm4b:s1+s24], $0x80, s22, s24, $0xb8;
	[tilespmem:$0x1D180] =	vst v63  }
0x168: {  	_ =	swait.ge [sflag:s3], $0x4000  }
0x169: {  	[sflag:s3] =	ssyncset.done $0x0  }
0x16a: {  	s23 =	simm.s32 $0xF80;
	[sflag:s3] =	ssyncadd.s32 $0xFFFFC000  }
0x16b: {  	[spmem:s5] =	stream.indirect.scatter.add.f32 [tilespmem:s28], [sflag:$0x5], $0x1, s23, s24, $0xb8;
	[tilespmem:$0x1D180] =	vst v63  }
0x16c: {  	p2 =	por $0x0, $0x0;
	s30 =	sadd.s32 $0x100, s30;
	s31 =	simm.s32 $0x980  }
0x16d: {  	[spmem:s4] =	stream.indirect.scatter.add.f32 [tilespmem:s26], [sflag:$0x4], $0x80, s23, s24, $0xb8;
	[tilespmem:$0x1D180] =	vst v63  }
0x16e: {  	s6 =	sadd.s32 $0x800, s16;
	s29 =	simm.s32 $0x880;
	_ =	swait.ge [sflag:s10], $0x4000  }
0x16f: {  	s0 =	simm.s32 $0x900;
	s7 =	simm.s32 $0x1;
	[sflag:s10] =	ssyncset.done $0x0  }
0x170: {  	s8 =	simm.s32 $0x800;
	s17 =	simm.s32 @!p1 $0x6;
	[sflag:s10] =	ssyncadd.s32 $0xFFFFC000  }
0x171: {  	s9 =	simm.s32 $0x2;
	s13 =	simm.s32 @!p1 $0x80;
	_ =	swait.ge @!p1 [sflag:s17], $0x400  }
0x172: {  	s14 =	simm.s32 @!p1 $0x1000;
	s19 =	simm.s32 $0xA00;
	[sflag:s17] =	ssyncset.done @!p1 $0x0  }
0x173: {  	s20 =	simm.s32 $0x0;
	s21 =	simm.s32 $0xA80;
	[sflag:s17] =	ssyncadd.s32 @!p1 $0xFFFFFC00  }
0x174: {  	s22 =	simm.s32 $0xC00;
	s23 =	sadd.s32 $0x100, s18;
	_ =	swait.ge @!p1 [sflag:s17], $0x400  }
.LBB2_4:
0x175: {  	[sflag:s17] =	ssyncset.done @!p1 $0x0  }
0x176: {  	s18 =	simm.s32 @!p2 $0x4;
	[sflag:s17] =	ssyncadd.s32 @!p1 $0xFFFFFC00  }
0x177: {  	[tilespmem:s14], [sflag:$0x1] =	stream.indirect.gather @!p1 [hbm4b:s1+s13], $0x80, s11, s13, $0xb8;
	[tilespmem:$0x1D180] =	vst v63  }
0x178: {  	_ =	swait.ge @!p2 [sflag:s18], $0x4000  }
0x179: {  	[sflag:s18] =	ssyncset.done @!p2 $0x0  }
0x17a: {  	s11 =	simm.s32 @!p2 $0x5;
	[sflag:s18] =	ssyncadd.s32 @!p2 $0xFFFFC000  }
0x17b: {  	_ =	swait.ge @!p2 [sflag:s11], $0x80  }
0x17c: {  	[sflag:s11] =	ssyncset.done @!p2 $0x0  }
0x17d: {  	[sflag:s11] =	ssyncadd.s32 @!p2 $0xFFFFFF80  }
0x17e: {  	_ =	swait.ge @!p2 [sflag:s11], $0x80  }
0x17f: {  	[sflag:s11] =	ssyncset.done @!p2 $0x0  }
0x180: {  	[sflag:s11] =	ssyncadd.s32 @!p2 $0xFFFFFF80  }
0x181: {  	_ =	swait.ge @!p2 [sflag:s11], $0x80  }
0x182: {  	[sflag:s11] =	ssyncset.done @!p2 $0x0  }
0x183: {  	[sflag:s11] =	ssyncadd.s32 @!p2 $0xFFFFFF80  }
0x184: {  	_ =	swait.ge @!p2 [sflag:s11], $0x80  }
0x185: {  	[sflag:s11] =	ssyncset.done @!p2 $0x0  }
0x186: {  	[sflag:s11] =	ssyncadd.s32 @!p2 $0xFFFFFF80  }
0x187: {  	_ =	swait.ge @!p2 [sflag:s11], $0x80  }
0x188: {  	[sflag:s11] =	ssyncset.done @!p2 $0x0  }
0x189: {  	[sflag:s11] =	ssyncadd.s32 @!p2 $0xFFFFFF80  }
0x18a: {  	_ =	swait.ge @!p2 [sflag:s11], $0x80  }
0x18b: {  	[sflag:s11] =	ssyncset.done @!p2 $0x0  }
0x18c: {  	[sflag:s11] =	ssyncadd.s32 @!p2 $0xFFFFFF80  }
0x18d: {  	_ =	swait.ge @!p2 [sflag:s11], $0x80  }
0x18e: {  	[sflag:s11] =	ssyncset.done @!p2 $0x0  }
0x18f: {  	[sflag:s11] =	ssyncadd.s32 @!p2 $0xFFFFFF80  }
0x190: {  	_ =	swait.ge @!p2 [sflag:s11], $0x80  }
0x191: {  	[sflag:s11] =	ssyncset.done @!p2 $0x0  }
0x192: {  	s14 =	simm.s32 $0x400;
	[sflag:s11] =	ssyncadd.s32 @!p2 $0xFFFFFF80  }
0x193: {  	[tilespmem:s14], [sflag:$0x6] =	stream.linear.gather [hbm4b:s30+s20], $0x400, $0x38;
	[tilespmem:$0x1D180] =	vst v63  }
0x194: {  	_ = 	snop  }
0x195: {  	[tilespmem:s22], [sflag:$0x6] =	stream.linear.gather [hbm4b:s23+s20], $0x400, $0x38;
	[tilespmem:$0x1D180] =	vst v63  }
0x196: {  	_ =	swait.ge [sflag:s2], $0x4000  }
0x197: {  	[sflag:s2] =	ssyncset.done $0x0  }
0x198: {  	[sflag:s2] =	ssyncadd.s32 $0xFFFFC000  }
0x199: {  	[spmem:s5] =	stream.indirect.scatter.add.f32 [tilespmem:s28], [sflag:$0x5], $0x1, s8, s24, $0xb8;
	[tilespmem:$0x1D180] =	vst v63  }
0x19a: {  	_ = 	snop  }
0x19b: {  	[spmem:s4] =	stream.indirect.scatter.add.f32 [tilespmem:s25], [sflag:$0x3], $0x80, s8, s24, $0xb8;
	[tilespmem:$0x1D180] =	vst v63  }
0x19c: {  	_ = 	snop  }
0x19d: {  	[tilespmem:s26], [sflag:$0x2] =	stream.indirect.gather [hbm4b:s1+s24], $0x80, s24, s24, $0xb8;
	[tilespmem:$0x1D180] =	vst v63  }
0x19e: {  	_ =	swait.ge [sflag:s3], $0x4000  }
0x19f: {  	[sflag:s3] =	ssyncset.done $0x0  }
0x1a0: {  	[sflag:s3] =	ssyncadd.s32 $0xFFFFC000  }
0x1a1: {  	[spmem:s5] =	stream.indirect.scatter.add.f32 [tilespmem:s28], [sflag:$0x5], $0x1, s29, s24, $0xb8;
	[tilespmem:$0x1D180] =	vst v63  }
0x1a2: {  	_ = 	snop  }
0x1a3: {  	[spmem:s4] =	stream.indirect.scatter.add.f32 [tilespmem:s26], [sflag:$0x4], $0x80, s29, s24, $0xb8;
	[tilespmem:$0x1D180] =	vst v63  }
0x1a4: {  	_ =	swait.ge [sflag:s10], $0x4000  }
0x1a5: {  	[sflag:s10] =	ssyncset.done $0x0  }
0x1a6: {  	s18 =	rddreg [dreg:$0x6];
	[sflag:s10] =	ssyncadd.s32 $0xFFFFC000  }
0x1a7: {  	[tilespmem:s25], [sflag:$0x1] =	stream.indirect.gather [hbm4b:s1+s24], $0x80, s18, s24, $0xb8;
	[tilespmem:$0x1D180] =	vst v63  }
0x1a8: {  	_ =	swait.ge [sflag:s2], $0x4000  }
0x1a9: {  	[sflag:s2] =	ssyncset.done $0x0  }
0x1aa: {  	[sflag:s2] =	ssyncadd.s32 $0xFFFFC000  }
0x1ab: {  	[spmem:s5] =	stream.indirect.scatter.add.f32 [tilespmem:s28], [sflag:$0x5], $0x1, s0, s24, $0xb8;
	[tilespmem:$0x1D180] =	vst v63  }
0x1ac: {  	_ = 	snop  }
0x1ad: {  	[spmem:s4] =	stream.indirect.scatter.add.f32 [tilespmem:s25], [sflag:$0x3], $0x80, s0, s24, $0xb8;
	[tilespmem:$0x1D180] =	vst v63  }
0x1ae: {  	_ =	swait.ge [sflag:s12], $0x4000  }
0x1af: {  	[sflag:s12] =	ssyncset.done $0x0  }
0x1b0: {  	s13 =	rddreg [dreg:$0x7];
	[sflag:s12] =	ssyncadd.s32 $0xFFFFC000  }
0x1b1: {  	[tilespmem:s26], [sflag:$0x2] =	stream.indirect.gather [hbm4b:s1+s24], $0x80, s13, s24, $0xb8;
	[tilespmem:$0x1D180] =	vst v63  }
0x1b2: {  	_ =	swait.ge [sflag:s3], $0x4000  }
0x1b3: {  	[sflag:s3] =	ssyncset.done $0x0  }
0x1b4: {  	[sflag:s3] =	ssyncadd.s32 $0xFFFFC000  }
0x1b5: {  	[spmem:s5] =	stream.indirect.scatter.add.f32 [tilespmem:s28], [sflag:$0x5], $0x1, s31, s24, $0xb8;
	[tilespmem:$0x1D180] =	vst v63  }
0x1b6: {  	_ = 	snop  }
0x1b7: {  	[spmem:s4] =	stream.indirect.scatter.add.f32 [tilespmem:s26], [sflag:$0x4], $0x80, s31, s24, $0xb8;
	[tilespmem:$0x1D180] =	vst v63  }
0x1b8: {  	_ =	swait.ge [sflag:s10], $0x4000  }
0x1b9: {  	[sflag:s10] =	ssyncset.done $0x0  }
0x1ba: {  	s17 =	rddreg [dreg:$0x8];
	[sflag:s10] =	ssyncadd.s32 $0xFFFFC000  }
0x1bb: {  	[tilespmem:s25], [sflag:$0x1] =	stream.indirect.gather [hbm4b:s1+s24], $0x80, s17, s24, $0xb8;
	[tilespmem:$0x1D180] =	vst v63  }
0x1bc: {  	_ =	swait.ge [sflag:s2], $0x4000  }
0x1bd: {  	[sflag:s2] =	ssyncset.done $0x0  }
0x1be: {  	[sflag:s2] =	ssyncadd.s32 $0xFFFFC000  }
0x1bf: {  	[spmem:s5] =	stream.indirect.scatter.add.f32 [tilespmem:s28], [sflag:$0x5], $0x1, s19, s24, $0xb8;
	[tilespmem:$0x1D180] =	vst v63  }
0x1c0: {  	_ = 	snop  }
0x1c1: {  	[spmem:s4] =	stream.indirect.scatter.add.f32 [tilespmem:s25], [sflag:$0x3], $0x80, s19, s24, $0xb8;
	[tilespmem:$0x1D180] =	vst v63  }
0x1c2: {  	_ =	swait.ge [sflag:s12], $0x4000  }
0x1c3: {  	[sflag:s12] =	ssyncset.done $0x0  }
0x1c4: {  	s18 =	rddreg [dreg:$0x9];
	[sflag:s12] =	ssyncadd.s32 $0xFFFFC000  }
0x1c5: {  	[tilespmem:s26], [sflag:$0x2] =	stream.indirect.gather [hbm4b:s1+s24], $0x80, s18, s24, $0xb8;
	[tilespmem:$0x1D180] =	vst v63  }
0x1c6: {  	_ =	swait.ge [sflag:s3], $0x4000  }
0x1c7: {  	[sflag:s3] =	ssyncset.done $0x0  }
0x1c8: {  	[sflag:s3] =	ssyncadd.s32 $0xFFFFC000  }
0x1c9: {  	[spmem:s5] =	stream.indirect.scatter.add.f32 [tilespmem:s28], [sflag:$0x5], $0x1, s21, s24, $0xb8;
	[tilespmem:$0x1D180] =	vst v63  }
0x1ca: {  	_ = 	snop  }
0x1cb: {  	[spmem:s4] =	stream.indirect.scatter.add.f32 [tilespmem:s26], [sflag:$0x4], $0x80, s21, s24, $0xb8;
	[tilespmem:$0x1D180] =	vst v63  }
0x1cc: {  	_ =	swait.ge [sflag:s10], $0x4000  }
0x1cd: {  	[sflag:s10] =	ssyncset.done $0x0  }
0x1ce: {  	s13 =	rddreg [dreg:$0xa];
	[sflag:s10] =	ssyncadd.s32 $0xFFFFC000  }
0x1cf: {  	[tilespmem:s25], [sflag:$0x1] =	stream.indirect.gather [hbm4b:s1+s24], $0x80, s13, s24, $0xb8;
	[tilespmem:$0x1D180] =	vst v63  }
0x1d0: {  	_ =	swait.ge [sflag:s2], $0x4000  }
0x1d1: {  	[sflag:s2] =	ssyncset.done $0x0  }
0x1d2: {  	s17 =	simm.s32 $0xB00;
	[sflag:s2] =	ssyncadd.s32 $0xFFFFC000  }
0x1d3: {  	[spmem:s5] =	stream.indirect.scatter.add.f32 [tilespmem:s28], [sflag:$0x5], $0x1, s17, s24, $0xb8;
	[tilespmem:$0x1D180] =	vst v63  }
0x1d4: {  	_ = 	snop  }
0x1d5: {  	[spmem:s4] =	stream.indirect.scatter.add.f32 [tilespmem:s25], [sflag:$0x3], $0x80, s17, s24, $0xb8;
	[tilespmem:$0x1D180] =	vst v63  }
0x1d6: {  	_ =	swait.ge [sflag:s12], $0x4000  }
0x1d7: {  	[sflag:s12] =	ssyncset.done $0x0  }
0x1d8: {  	s18 =	rddreg [dreg:$0xb];
	[sflag:s12] =	ssyncadd.s32 $0xFFFFC000  }
0x1d9: {  	[tilespmem:s26], [sflag:$0x2] =	stream.indirect.gather [hbm4b:s1+s24], $0x80, s18, s24, $0xb8;
	[tilespmem:$0x1D180] =	vst v63  }
0x1da: {  	_ =	swait.ge [sflag:s3], $0x4000  }
0x1db: {  	[sflag:s3] =	ssyncset.done $0x0  }
0x1dc: {  	s13 =	simm.s32 $0xB80;
	[sflag:s3] =	ssyncadd.s32 $0xFFFFC000  }
0x1dd: {  	[spmem:s5] =	stream.indirect.scatter.add.f32 [tilespmem:s28], [sflag:$0x5], $0x1, s13, s24, $0xb8;
	[tilespmem:$0x1D180] =	vst v63  }
0x1de: {  	_ = 	snop  }
0x1df: {  	[spmem:s4] =	stream.indirect.scatter.add.f32 [tilespmem:s26], [sflag:$0x4], $0x80, s13, s24, $0xb8;
	[tilespmem:$0x1D180] =	vst v63  }
0x1e0: {  	_ =	swait.ge [sflag:s10], $0x4000  }
0x1e1: {  	[sflag:s10] =	ssyncset.done $0x0  }
0x1e2: {  	[sflag:s10] =	ssyncadd.s32 $0xFFFFC000  }
0x1e3: {  	_ =	swait.ge [sflag:s15], $0x400  }
0x1e4: {  	[sflag:s15] =	ssyncset.done $0x0  }
0x1e5: {  	[sflag:s15] =	ssyncadd.s32 $0xFFFFFC00  }
0x1e6: {  	_ =	swait.ge [sflag:s15], $0x400  }
0x1e7: {  	p1 =	sgt.u32 s7, $0x3;
	[sflag:s15] =	ssyncset.done $0x0  }
0x1e8: {  	s11 =	simm.s32 @!p1 $0x4;
	[sflag:s15] =	ssyncadd.s32 $0xFFFFFC00  }
0x1e9: {  	[tilespmem:s25], [sflag:$0x1] =	stream.indirect.gather [hbm4b:s1+s24], $0x80, s14, s24, $0xb8;
	[tilespmem:$0x1D180] =	vst v63  }
0x1ea: {  	s16 =	smov.u32 s9;
	_ =	swait.ge @!p1 [sflag:s11], $0x4000  }
0x1eb: {  	s7 =	smov.u32 s16;
	s14 =	rddreg [dreg:$0x0];
	[sflag:s11] =	ssyncset.done @!p1 $0x0  }
0x1ec: {  	s18 =	simm.s32 @!p1 $0x5;
	s13 =	sshrl.u32 @!p1 s6, $0x3;
	[sflag:s11] =	ssyncadd.s32 @!p1 $0xFFFFC000  }
0x1ed: {  	s16 =	sadd.s32 @!p1 s14, s13;
	s14 =	rddreg [dreg:$0x13];
	_ =	swait.ge @!p1 [sflag:s18], $0x80  }
0x1ee: {  	[sflag:s18] =	ssyncset.done @!p1 $0x0  }
0x1ef: {  	[sflag:s18] =	ssyncadd.s32 @!p1 $0xFFFFFF80  }
0x1f0: {  	_ =	swait.ge @!p1 [sflag:s18], $0x80  }
0x1f1: {  	[sflag:s18] =	ssyncset.done @!p1 $0x0  }
0x1f2: {  	[sflag:s18] =	ssyncadd.s32 @!p1 $0xFFFFFF80  }
0x1f3: {  	_ =	swait.ge @!p1 [sflag:s18], $0x80  }
0x1f4: {  	[sflag:s18] =	ssyncset.done @!p1 $0x0  }
0x1f5: {  	[sflag:s18] =	ssyncadd.s32 @!p1 $0xFFFFFF80  }
0x1f6: {  	_ =	swait.ge @!p1 [sflag:s18], $0x80  }
0x1f7: {  	[sflag:s18] =	ssyncset.done @!p1 $0x0  }
0x1f8: {  	[sflag:s18] =	ssyncadd.s32 @!p1 $0xFFFFFF80  }
0x1f9: {  	_ =	swait.ge @!p1 [sflag:s18], $0x80  }
0x1fa: {  	[sflag:s18] =	ssyncset.done @!p1 $0x0  }
0x1fb: {  	[sflag:s18] =	ssyncadd.s32 @!p1 $0xFFFFFF80  }
0x1fc: {  	_ =	swait.ge @!p1 [sflag:s18], $0x80  }
0x1fd: {  	[sflag:s18] =	ssyncset.done @!p1 $0x0  }
0x1fe: {  	[sflag:s18] =	ssyncadd.s32 @!p1 $0xFFFFFF80  }
0x1ff: {  	_ =	swait.ge @!p1 [sflag:s18], $0x80  }
0x200: {  	[sflag:s18] =	ssyncset.done @!p1 $0x0  }
0x201: {  	[sflag:s18] =	ssyncadd.s32 @!p1 $0xFFFFFF80  }
0x202: {  	_ =	swait.ge @!p1 [sflag:s18], $0x80  }
0x203: {  	[sflag:s18] =	ssyncset.done @!p1 $0x0  }
0x204: {  	s11 =	simm.s32 @!p1 $0x0;
	[sflag:s18] =	ssyncadd.s32 @!p1 $0xFFFFFF80  }
0x205: {  	[tilespmem:s11], [sflag:$0x6] =	stream.linear.gather @!p1 [hbm4b:s16+s11], $0x400, $0x38;
	[tilespmem:$0x1D180] =	vst v63  }
0x206: {  	s17 =	sadd.s32 @!p1 s14, s13;
	s18 =	simm.s32 @!p1 $0x800  }
0x207: {  	[tilespmem:s18], [sflag:$0x6] =	stream.linear.gather @!p1 [hbm4b:s17+s11], $0x400, $0x38;
	[tilespmem:$0x1D180] =	vst v63  }
0x208: {  	_ =	swait.ge [sflag:s2], $0x4000  }
0x209: {  	[sflag:s2] =	ssyncset.done $0x0  }
0x20a: {  	[sflag:s2] =	ssyncadd.s32 $0xFFFFC000  }
0x20b: {  	[spmem:s5] =	stream.indirect.scatter.add.f32 [tilespmem:s28], [sflag:$0x5], $0x1, s22, s24, $0xb8;
	[tilespmem:$0x1D180] =	vst v63  }
0x20c: {  	_ = 	snop  }
0x20d: {  	[spmem:s4] =	stream.indirect.scatter.add.f32 [tilespmem:s25], [sflag:$0x3], $0x80, s22, s24, $0xb8;
	[tilespmem:$0x1D180] =	vst v63  }
0x20e: {  	s17 =	rddreg [dreg:$0xc]  }
0x20f: {  	[tilespmem:s26], [sflag:$0x2] =	stream.indirect.gather [hbm4b:s1+s24], $0x80, s17, s24, $0xb8;
	[tilespmem:$0x1D180] =	vst v63  }
0x210: {  	_ =	swait.ge [sflag:s3], $0x4000  }
0x211: {  	[sflag:s3] =	ssyncset.done $0x0  }
0x212: {  	s18 =	simm.s32 $0xC80;
	[sflag:s3] =	ssyncadd.s32 $0xFFFFC000  }
0x213: {  	[spmem:s5] =	stream.indirect.scatter.add.f32 [tilespmem:s28], [sflag:$0x5], $0x1, s18, s24, $0xb8;
	[tilespmem:$0x1D180] =	vst v63  }
0x214: {  	_ = 	snop  }
0x215: {  	[spmem:s4] =	stream.indirect.scatter.add.f32 [tilespmem:s26], [sflag:$0x4], $0x80, s18, s24, $0xb8;
	[tilespmem:$0x1D180] =	vst v63  }
0x216: {  	_ =	swait.ge [sflag:s10], $0x4000  }
0x217: {  	[sflag:s10] =	ssyncset.done $0x0  }
0x218: {  	s17 =	rddreg [dreg:$0xd];
	[sflag:s10] =	ssyncadd.s32 $0xFFFFC000  }
0x219: {  	[tilespmem:s25], [sflag:$0x1] =	stream.indirect.gather [hbm4b:s1+s24], $0x80, s17, s24, $0xb8;
	[tilespmem:$0x1D180] =	vst v63  }
0x21a: {  	_ =	swait.ge [sflag:s2], $0x4000  }
0x21b: {  	[sflag:s2] =	ssyncset.done $0x0  }
0x21c: {  	s18 =	simm.s32 $0xD00;
	[sflag:s2] =	ssyncadd.s32 $0xFFFFC000  }
0x21d: {  	[spmem:s5] =	stream.indirect.scatter.add.f32 [tilespmem:s28], [sflag:$0x5], $0x1, s18, s24, $0xb8;
	[tilespmem:$0x1D180] =	vst v63  }
0x21e: {  	_ = 	snop  }
0x21f: {  	[spmem:s4] =	stream.indirect.scatter.add.f32 [tilespmem:s25], [sflag:$0x3], $0x80, s18, s24, $0xb8;
	[tilespmem:$0x1D180] =	vst v63  }
0x220: {  	_ =	swait.ge [sflag:s12], $0x4000  }
0x221: {  	[sflag:s12] =	ssyncset.done $0x0  }
0x222: {  	s17 =	rddreg [dreg:$0xe];
	[sflag:s12] =	ssyncadd.s32 $0xFFFFC000  }
0x223: {  	[tilespmem:s26], [sflag:$0x2] =	stream.indirect.gather [hbm4b:s1+s24], $0x80, s17, s24, $0xb8;
	[tilespmem:$0x1D180] =	vst v63  }
0x224: {  	_ =	swait.ge [sflag:s3], $0x4000  }
0x225: {  	[sflag:s3] =	ssyncset.done $0x0  }
0x226: {  	s18 =	simm.s32 $0xD80;
	[sflag:s3] =	ssyncadd.s32 $0xFFFFC000  }
0x227: {  	[spmem:s5] =	stream.indirect.scatter.add.f32 [tilespmem:s28], [sflag:$0x5], $0x1, s18, s24, $0xb8;
	[tilespmem:$0x1D180] =	vst v63  }
0x228: {  	_ = 	snop  }
0x229: {  	[spmem:s4] =	stream.indirect.scatter.add.f32 [tilespmem:s26], [sflag:$0x4], $0x80, s18, s24, $0xb8;
	[tilespmem:$0x1D180] =	vst v63  }
0x22a: {  	_ =	swait.ge [sflag:s10], $0x4000  }
0x22b: {  	[sflag:s10] =	ssyncset.done $0x0  }
0x22c: {  	s17 =	rddreg [dreg:$0xf];
	[sflag:s10] =	ssyncadd.s32 $0xFFFFC000  }
0x22d: {  	[tilespmem:s25], [sflag:$0x1] =	stream.indirect.gather [hbm4b:s1+s24], $0x80, s17, s24, $0xb8;
	[tilespmem:$0x1D180] =	vst v63  }
0x22e: {  	_ =	swait.ge [sflag:s2], $0x4000  }
0x22f: {  	[sflag:s2] =	ssyncset.done $0x0  }
0x230: {  	s18 =	simm.s32 $0xE00;
	[sflag:s2] =	ssyncadd.s32 $0xFFFFC000  }
0x231: {  	[spmem:s5] =	stream.indirect.scatter.add.f32 [tilespmem:s28], [sflag:$0x5], $0x1, s18, s24, $0xb8;
	[tilespmem:$0x1D180] =	vst v63  }
0x232: {  	_ = 	snop  }
0x233: {  	[spmem:s4] =	stream.indirect.scatter.add.f32 [tilespmem:s25], [sflag:$0x3], $0x80, s18, s24, $0xb8;
	[tilespmem:$0x1D180] =	vst v63  }
0x234: {  	_ =	swait.ge [sflag:s12], $0x4000  }
0x235: {  	[sflag:s12] =	ssyncset.done $0x0  }
0x236: {  	s17 =	rddreg [dreg:$0x10];
	[sflag:s12] =	ssyncadd.s32 $0xFFFFC000  }
0x237: {  	[tilespmem:s26], [sflag:$0x2] =	stream.indirect.gather [hbm4b:s1+s24], $0x80, s17, s24, $0xb8;
	[tilespmem:$0x1D180] =	vst v63  }
0x238: {  	_ =	swait.ge [sflag:s3], $0x4000  }
0x239: {  	[sflag:s3] =	ssyncset.done $0x0  }
0x23a: {  	s18 =	simm.s32 $0xE80;
	[sflag:s3] =	ssyncadd.s32 $0xFFFFC000  }
0x23b: {  	[spmem:s5] =	stream.indirect.scatter.add.f32 [tilespmem:s28], [sflag:$0x5], $0x1, s18, s24, $0xb8;
	[tilespmem:$0x1D180] =	vst v63  }
0x23c: {  	_ = 	snop  }
0x23d: {  	[spmem:s4] =	stream.indirect.scatter.add.f32 [tilespmem:s26], [sflag:$0x4], $0x80, s18, s24, $0xb8;
	[tilespmem:$0x1D180] =	vst v63  }
0x23e: {  	_ =	swait.ge [sflag:s10], $0x4000  }
0x23f: {  	[sflag:s10] =	ssyncset.done $0x0  }
0x240: {  	s17 =	rddreg [dreg:$0x11];
	[sflag:s10] =	ssyncadd.s32 $0xFFFFC000  }
0x241: {  	[tilespmem:s25], [sflag:$0x1] =	stream.indirect.gather [hbm4b:s1+s24], $0x80, s17, s24, $0xb8;
	[tilespmem:$0x1D180] =	vst v63  }
0x242: {  	_ =	swait.ge [sflag:s2], $0x4000  }
0x243: {  	[sflag:s2] =	ssyncset.done $0x0  }
0x244: {  	s18 =	simm.s32 $0xF00;
	[sflag:s2] =	ssyncadd.s32 $0xFFFFC000  }
0x245: {  	[spmem:s5] =	stream.indirect.scatter.add.f32 [tilespmem:s28], [sflag:$0x5], $0x1, s18, s24, $0xb8;
	[tilespmem:$0x1D180] =	vst v63  }
0x246: {  	_ = 	snop  }
0x247: {  	[spmem:s4] =	stream.indirect.scatter.add.f32 [tilespmem:s25], [sflag:$0x3], $0x80, s18, s24, $0xb8;
	[tilespmem:$0x1D180] =	vst v63  }
0x248: {  	_ =	swait.ge [sflag:s12], $0x4000  }
0x249: {  	[sflag:s12] =	ssyncset.done $0x0  }
0x24a: {  	s17 =	rddreg [dreg:$0x12];
	[sflag:s12] =	ssyncadd.s32 $0xFFFFC000  }
0x24b: {  	[tilespmem:s26], [sflag:$0x2] =	stream.indirect.gather [hbm4b:s1+s24], $0x80, s17, s24, $0xb8;
	[tilespmem:$0x1D180] =	vst v63  }
0x24c: {  	_ =	swait.ge [sflag:s3], $0x4000  }
0x24d: {  	[sflag:s3] =	ssyncset.done $0x0  }
0x24e: {  	s18 =	simm.s32 $0xF80;
	[sflag:s3] =	ssyncadd.s32 $0xFFFFC000  }
0x24f: {  	[spmem:s5] =	stream.indirect.scatter.add.f32 [tilespmem:s28], [sflag:$0x5], $0x1, s18, s24, $0xb8;
	[tilespmem:$0x1D180] =	vst v63  }
0x250: {  	_ = 	snop  }
0x251: {  	[spmem:s4] =	stream.indirect.scatter.add.f32 [tilespmem:s26], [sflag:$0x4], $0x80, s18, s24, $0xb8;
	[tilespmem:$0x1D180] =	vst v63  }
0x252: {  	s9 =	sadd.s32 $0x1, s9;
	_ =	swait.ge [sflag:s10], $0x4000  }
0x253: {  	p0 =	sne.s32 s9, $0x5;
	[sflag:s10] =	ssyncset.done $0x0  }
.Ltmp1:
0x254: {  	s17 =	simm.s32 @!p1 $0x6;
	[sflag:s10] =	ssyncadd.s32 $0xFFFFC000;
	(pc) =	sbr.rel @p0 .LBB2_4-.Ltmp1, $4  }
0x255: {  	_ =	swait.ge @!p1 [sflag:s17], $0x400  }
0x256: {  	p2 =	seq.s32 s7, $0x0;
	s30 =	sadd.s32 $0x100, s30;
	[sflag:s17] =	ssyncset.done @!p1 $0x0  }
0x257: {  	s23 =	sadd.s32 $0x100, s23;
	s6 =	sadd.s32 $0x800, s6;
	[sflag:s17] =	ssyncadd.s32 @!p1 $0xFFFFFC00  }
0x258: {  	s13 =	simm.s32 @!p1 $0x80;
	s14 =	simm.s32 @!p1 $0x1000;
	_ =	swait.ge @!p1 [sflag:s17], $0x400  }
0x259: {  	[sflag:s17] =	ssyncset.done @!p1 $0x0  }
0x25a: {  	s9 =	simm.s32 @!p2 $0x4;
	[sflag:s17] =	ssyncadd.s32 @!p1 $0xFFFFFC00  }
0x25b: {  	[tilespmem:s14], [sflag:$0x1] =	stream.indirect.gather @!p1 [hbm4b:s1+s13], $0x80, s11, s13, $0xb8;
	[tilespmem:$0x1D180] =	vst v63  }
0x25c: {  	_ =	swait.ge @!p2 [sflag:s9], $0x4000  }
0x25d: {  	[sflag:s9] =	ssyncset.done @!p2 $0x0  }
0x25e: {  	[sflag:s9] =	ssyncadd.s32 @!p2 $0xFFFFC000;
	s9 =	simm.s32 @!p2 $0x5  }
0x25f: {  	_ =	swait.ge @!p2 [sflag:s9], $0x80  }
0x260: {  	[sflag:s9] =	ssyncset.done @!p2 $0x0  }
0x261: {  	[sflag:s9] =	ssyncadd.s32 @!p2 $0xFFFFFF80  }
0x262: {  	_ =	swait.ge @!p2 [sflag:s9], $0x80  }
0x263: {  	[sflag:s9] =	ssyncset.done @!p2 $0x0  }
0x264: {  	[sflag:s9] =	ssyncadd.s32 @!p2 $0xFFFFFF80  }
0x265: {  	_ =	swait.ge @!p2 [sflag:s9], $0x80  }
0x266: {  	[sflag:s9] =	ssyncset.done @!p2 $0x0  }
0x267: {  	[sflag:s9] =	ssyncadd.s32 @!p2 $0xFFFFFF80  }
0x268: {  	_ =	swait.ge @!p2 [sflag:s9], $0x80  }
0x269: {  	[sflag:s9] =	ssyncset.done @!p2 $0x0  }
0x26a: {  	[sflag:s9] =	ssyncadd.s32 @!p2 $0xFFFFFF80  }
0x26b: {  	_ =	swait.ge @!p2 [sflag:s9], $0x80  }
0x26c: {  	[sflag:s9] =	ssyncset.done @!p2 $0x0  }
0x26d: {  	[sflag:s9] =	ssyncadd.s32 @!p2 $0xFFFFFF80  }
0x26e: {  	_ =	swait.ge @!p2 [sflag:s9], $0x80  }
0x26f: {  	[sflag:s9] =	ssyncset.done @!p2 $0x0  }
0x270: {  	[sflag:s9] =	ssyncadd.s32 @!p2 $0xFFFFFF80  }
0x271: {  	_ =	swait.ge @!p2 [sflag:s9], $0x80  }
0x272: {  	[sflag:s9] =	ssyncset.done @!p2 $0x0  }
0x273: {  	[sflag:s9] =	ssyncadd.s32 @!p2 $0xFFFFFF80  }
0x274: {  	_ =	swait.ge @!p2 [sflag:s9], $0x80  }
0x275: {  	[sflag:s9] =	ssyncset.done @!p2 $0x0  }
0x276: {  	s14 =	simm.s32 $0x400;
	[sflag:s9] =	ssyncadd.s32 @!p2 $0xFFFFFF80  }
0x277: {  	[tilespmem:s14], [sflag:$0x6] =	stream.linear.gather [hbm4b:s30+s20], $0x400, $0x38;
	[tilespmem:$0x1D180] =	vst v63  }
0x278: {  	_ = 	snop  }
0x279: {  	[tilespmem:s22], [sflag:$0x6] =	stream.linear.gather [hbm4b:s23+s20], $0x400, $0x38;
	[tilespmem:$0x1D180] =	vst v63  }
0x27a: {  	_ =	swait.ge [sflag:s2], $0x4000  }
0x27b: {  	[sflag:s2] =	ssyncset.done $0x0  }
0x27c: {  	[sflag:s2] =	ssyncadd.s32 $0xFFFFC000  }
0x27d: {  	[spmem:s5] =	stream.indirect.scatter.add.f32 [tilespmem:s28], [sflag:$0x5], $0x1, s8, s24, $0xb8;
	[tilespmem:$0x1D180] =	vst v63  }
0x27e: {  	_ = 	snop  }
0x27f: {  	[spmem:s4] =	stream.indirect.scatter.add.f32 [tilespmem:s25], [sflag:$0x3], $0x80, s8, s24, $0xb8;
	[tilespmem:$0x1D180] =	vst v63  }
0x280: {  	_ = 	snop  }
0x281: {  	[tilespmem:s26], [sflag:$0x2] =	stream.indirect.gather [hbm4b:s1+s24], $0x80, s24, s24, $0xb8;
	[tilespmem:$0x1D180] =	vst v63  }
0x282: {  	_ =	swait.ge [sflag:s3], $0x4000  }
0x283: {  	[sflag:s3] =	ssyncset.done $0x0  }
0x284: {  	[sflag:s3] =	ssyncadd.s32 $0xFFFFC000  }
0x285: {  	[spmem:s5] =	stream.indirect.scatter.add.f32 [tilespmem:s28], [sflag:$0x5], $0x1, s29, s24, $0xb8;
	[tilespmem:$0x1D180] =	vst v63  }
0x286: {  	_ = 	snop  }
0x287: {  	[spmem:s4] =	stream.indirect.scatter.add.f32 [tilespmem:s26], [sflag:$0x4], $0x80, s29, s24, $0xb8;
	[tilespmem:$0x1D180] =	vst v63  }
0x288: {  	_ =	swait.ge [sflag:s10], $0x4000  }
0x289: {  	[sflag:s10] =	ssyncset.done $0x0  }
0x28a: {  	s16 =	rddreg [dreg:$0x6];
	[sflag:s10] =	ssyncadd.s32 $0xFFFFC000  }
0x28b: {  	[tilespmem:s25], [sflag:$0x1] =	stream.indirect.gather [hbm4b:s1+s24], $0x80, s16, s24, $0xb8;
	[tilespmem:$0x1D180] =	vst v63  }
0x28c: {  	_ =	swait.ge [sflag:s2], $0x4000  }
0x28d: {  	[sflag:s2] =	ssyncset.done $0x0  }
0x28e: {  	[sflag:s2] =	ssyncadd.s32 $0xFFFFC000  }
0x28f: {  	[spmem:s5] =	stream.indirect.scatter.add.f32 [tilespmem:s28], [sflag:$0x5], $0x1, s0, s24, $0xb8;
	[tilespmem:$0x1D180] =	vst v63  }
0x290: {  	_ = 	snop  }
0x291: {  	[spmem:s4] =	stream.indirect.scatter.add.f32 [tilespmem:s25], [sflag:$0x3], $0x80, s0, s24, $0xb8;
	[tilespmem:$0x1D180] =	vst v63  }
0x292: {  	_ =	swait.ge [sflag:s12], $0x4000  }
0x293: {  	[sflag:s12] =	ssyncset.done $0x0  }
0x294: {  	s17 =	rddreg [dreg:$0x7];
	[sflag:s12] =	ssyncadd.s32 $0xFFFFC000  }
0x295: {  	[tilespmem:s26], [sflag:$0x2] =	stream.indirect.gather [hbm4b:s1+s24], $0x80, s17, s24, $0xb8;
	[tilespmem:$0x1D180] =	vst v63  }
0x296: {  	_ =	swait.ge [sflag:s3], $0x4000  }
0x297: {  	[sflag:s3] =	ssyncset.done $0x0  }
0x298: {  	[sflag:s3] =	ssyncadd.s32 $0xFFFFC000  }
0x299: {  	[spmem:s5] =	stream.indirect.scatter.add.f32 [tilespmem:s28], [sflag:$0x5], $0x1, s31, s24, $0xb8;
	[tilespmem:$0x1D180] =	vst v63  }
0x29a: {  	_ = 	snop  }
0x29b: {  	[spmem:s4] =	stream.indirect.scatter.add.f32 [tilespmem:s26], [sflag:$0x4], $0x80, s31, s24, $0xb8;
	[tilespmem:$0x1D180] =	vst v63  }
0x29c: {  	_ =	swait.ge [sflag:s10], $0x4000  }
0x29d: {  	[sflag:s10] =	ssyncset.done $0x0  }
0x29e: {  	s18 =	rddreg [dreg:$0x8];
	[sflag:s10] =	ssyncadd.s32 $0xFFFFC000  }
0x29f: {  	[tilespmem:s25], [sflag:$0x1] =	stream.indirect.gather [hbm4b:s1+s24], $0x80, s18, s24, $0xb8;
	[tilespmem:$0x1D180] =	vst v63  }
0x2a0: {  	_ =	swait.ge [sflag:s2], $0x4000  }
0x2a1: {  	[sflag:s2] =	ssyncset.done $0x0  }
0x2a2: {  	[sflag:s2] =	ssyncadd.s32 $0xFFFFC000  }
0x2a3: {  	[spmem:s5] =	stream.indirect.scatter.add.f32 [tilespmem:s28], [sflag:$0x5], $0x1, s19, s24, $0xb8;
	[tilespmem:$0x1D180] =	vst v63  }
0x2a4: {  	_ = 	snop  }
0x2a5: {  	[spmem:s4] =	stream.indirect.scatter.add.f32 [tilespmem:s25], [sflag:$0x3], $0x80, s19, s24, $0xb8;
	[tilespmem:$0x1D180] =	vst v63  }
0x2a6: {  	_ =	swait.ge [sflag:s12], $0x4000  }
0x2a7: {  	[sflag:s12] =	ssyncset.done $0x0  }
0x2a8: {  	s20 =	rddreg [dreg:$0x9];
	[sflag:s12] =	ssyncadd.s32 $0xFFFFC000  }
0x2a9: {  	[tilespmem:s26], [sflag:$0x2] =	stream.indirect.gather [hbm4b:s1+s24], $0x80, s20, s24, $0xb8;
	[tilespmem:$0x1D180] =	vst v63  }
0x2aa: {  	_ =	swait.ge [sflag:s3], $0x4000  }
0x2ab: {  	[sflag:s3] =	ssyncset.done $0x0  }
0x2ac: {  	[sflag:s3] =	ssyncadd.s32 $0xFFFFC000  }
0x2ad: {  	[spmem:s5] =	stream.indirect.scatter.add.f32 [tilespmem:s28], [sflag:$0x5], $0x1, s21, s24, $0xb8;
	[tilespmem:$0x1D180] =	vst v63  }
0x2ae: {  	_ = 	snop  }
0x2af: {  	[spmem:s4] =	stream.indirect.scatter.add.f32 [tilespmem:s26], [sflag:$0x4], $0x80, s21, s24, $0xb8;
	[tilespmem:$0x1D180] =	vst v63  }
0x2b0: {  	_ =	swait.ge [sflag:s10], $0x4000  }
0x2b1: {  	[sflag:s10] =	ssyncset.done $0x0  }
0x2b2: {  	s23 =	rddreg [dreg:$0xa];
	[sflag:s10] =	ssyncadd.s32 $0xFFFFC000  }
0x2b3: {  	[tilespmem:s25], [sflag:$0x1] =	stream.indirect.gather [hbm4b:s1+s24], $0x80, s23, s24, $0xb8;
	[tilespmem:$0x1D180] =	vst v63  }
0x2b4: {  	_ =	swait.ge [sflag:s2], $0x4000  }
0x2b5: {  	[sflag:s2] =	ssyncset.done $0x0  }
0x2b6: {  	s30 =	simm.s32 $0xB00;
	[sflag:s2] =	ssyncadd.s32 $0xFFFFC000  }
0x2b7: {  	[spmem:s5] =	stream.indirect.scatter.add.f32 [tilespmem:s28], [sflag:$0x5], $0x1, s30, s24, $0xb8;
	[tilespmem:$0x1D180] =	vst v63  }
0x2b8: {  	_ = 	snop  }
0x2b9: {  	[spmem:s4] =	stream.indirect.scatter.add.f32 [tilespmem:s25], [sflag:$0x3], $0x80, s30, s24, $0xb8;
	[tilespmem:$0x1D180] =	vst v63  }
0x2ba: {  	_ =	swait.ge [sflag:s12], $0x4000  }
0x2bb: {  	[sflag:s12] =	ssyncset.done $0x0  }
0x2bc: {  	s8 =	rddreg [dreg:$0xb];
	[sflag:s12] =	ssyncadd.s32 $0xFFFFC000  }
0x2bd: {  	[tilespmem:s26], [sflag:$0x2] =	stream.indirect.gather [hbm4b:s1+s24], $0x80, s8, s24, $0xb8;
	[tilespmem:$0x1D180] =	vst v63  }
0x2be: {  	_ =	swait.ge [sflag:s3], $0x4000  }
0x2bf: {  	[sflag:s3] =	ssyncset.done $0x0  }
0x2c0: {  	s9 =	simm.s32 $0xB80;
	[sflag:s3] =	ssyncadd.s32 $0xFFFFC000  }
0x2c1: {  	[spmem:s5] =	stream.indirect.scatter.add.f32 [tilespmem:s28], [sflag:$0x5], $0x1, s9, s24, $0xb8;
	[tilespmem:$0x1D180] =	vst v63  }
0x2c2: {  	_ = 	snop  }
0x2c3: {  	[spmem:s4] =	stream.indirect.scatter.add.f32 [tilespmem:s26], [sflag:$0x4], $0x80, s9, s24, $0xb8;
	[tilespmem:$0x1D180] =	vst v63  }
0x2c4: {  	_ =	swait.ge [sflag:s10], $0x4000  }
0x2c5: {  	[sflag:s10] =	ssyncset.done $0x0  }
0x2c6: {  	[sflag:s10] =	ssyncadd.s32 $0xFFFFC000  }
0x2c7: {  	_ =	swait.ge [sflag:s15], $0x400  }
0x2c8: {  	[sflag:s15] =	ssyncset.done $0x0  }
0x2c9: {  	[sflag:s15] =	ssyncadd.s32 $0xFFFFFC00  }
0x2ca: {  	_ =	swait.ge [sflag:s15], $0x400  }
0x2cb: {  	p0 =	sgt.u32 s7, $0x3;
	[sflag:s15] =	ssyncset.done $0x0  }
0x2cc: {  	s7 =	simm.s32 @!p0 $0x4;
	[sflag:s15] =	ssyncadd.s32 $0xFFFFFC00  }
0x2cd: {  	[tilespmem:s25], [sflag:$0x1] =	stream.indirect.gather [hbm4b:s1+s24], $0x80, s14, s24, $0xb8;
	[tilespmem:$0x1D180] =	vst v63  }
0x2ce: {  	_ =	swait.ge @!p0 [sflag:s7], $0x4000  }
0x2cf: {  	[sflag:s7] =	ssyncset.done @!p0 $0x0  }
0x2d0: {  	s9 =	simm.s32 @!p0 $0x5;
	[sflag:s7] =	ssyncadd.s32 @!p0 $0xFFFFC000  }
0x2d1: {  	_ =	swait.ge @!p0 [sflag:s9], $0x80  }
0x2d2: {  	[sflag:s9] =	ssyncset.done @!p0 $0x0  }
0x2d3: {  	[sflag:s9] =	ssyncadd.s32 @!p0 $0xFFFFFF80  }
0x2d4: {  	_ =	swait.ge @!p0 [sflag:s9], $0x80  }
0x2d5: {  	[sflag:s9] =	ssyncset.done @!p0 $0x0  }
0x2d6: {  	[sflag:s9] =	ssyncadd.s32 @!p0 $0xFFFFFF80  }
0x2d7: {  	_ =	swait.ge @!p0 [sflag:s9], $0x80  }
0x2d8: {  	[sflag:s9] =	ssyncset.done @!p0 $0x0  }
0x2d9: {  	[sflag:s9] =	ssyncadd.s32 @!p0 $0xFFFFFF80  }
0x2da: {  	_ =	swait.ge @!p0 [sflag:s9], $0x80  }
0x2db: {  	[sflag:s9] =	ssyncset.done @!p0 $0x0  }
0x2dc: {  	[sflag:s9] =	ssyncadd.s32 @!p0 $0xFFFFFF80  }
0x2dd: {  	_ =	swait.ge @!p0 [sflag:s9], $0x80  }
0x2de: {  	[sflag:s9] =	ssyncset.done @!p0 $0x0  }
0x2df: {  	[sflag:s9] =	ssyncadd.s32 @!p0 $0xFFFFFF80  }
0x2e0: {  	_ =	swait.ge @!p0 [sflag:s9], $0x80  }
0x2e1: {  	[sflag:s9] =	ssyncset.done @!p0 $0x0  }
0x2e2: {  	[sflag:s9] =	ssyncadd.s32 @!p0 $0xFFFFFF80  }
0x2e3: {  	_ =	swait.ge @!p0 [sflag:s9], $0x80  }
0x2e4: {  	[sflag:s9] =	ssyncset.done @!p0 $0x0  }
0x2e5: {  	[sflag:s9] =	ssyncadd.s32 @!p0 $0xFFFFFF80  }
0x2e6: {  	_ =	swait.ge @!p0 [sflag:s9], $0x80  }
0x2e7: {  	[sflag:s9] =	ssyncset.done @!p0 $0x0  }
0x2e8: {  	s7 =	sshrl.u32 @!p0 s6, $0x3;
	s6 =	simm.s32 @!p0 $0x0;
	s20 =	rddreg [dreg:$0x0]  }
0x2e9: {  	s19 =	rddreg [dreg:$0x13];
	[sflag:s9] =	ssyncadd.s32 @!p0 $0xFFFFFF80;
	s11 =	sadd.s32 @!p0 s20, s7  }
0x2ea: {  	[tilespmem:s6], [sflag:$0x6] =	stream.linear.gather @!p0 [hbm4b:s11+s6], $0x400, $0x38;
	[tilespmem:$0x1D180] =	vst v63  }
0x2eb: {  	s9 =	simm.s32 @!p0 $0x800;
	s7 =	sadd.s32 @!p0 s19, s7  }
0x2ec: {  	[tilespmem:s9], [sflag:$0x6] =	stream.linear.gather @!p0 [hbm4b:s7+s6], $0x400, $0x38;
	[tilespmem:$0x1D180] =	vst v63  }
0x2ed: {  	_ =	swait.ge [sflag:s2], $0x4000  }
0x2ee: {  	[sflag:s2] =	ssyncset.done $0x0  }
0x2ef: {  	[sflag:s2] =	ssyncadd.s32 $0xFFFFC000  }
0x2f0: {  	[spmem:s5] =	stream.indirect.scatter.add.f32 [tilespmem:s28], [sflag:$0x5], $0x1, s22, s24, $0xb8;
	[tilespmem:$0x1D180] =	vst v63  }
0x2f1: {  	_ = 	snop  }
0x2f2: {  	[spmem:s4] =	stream.indirect.scatter.add.f32 [tilespmem:s25], [sflag:$0x3], $0x80, s22, s24, $0xb8;
	[tilespmem:$0x1D180] =	vst v63  }
0x2f3: {  	s11 =	rddreg [dreg:$0xc]  }
0x2f4: {  	[tilespmem:s26], [sflag:$0x2] =	stream.indirect.gather [hbm4b:s1+s24], $0x80, s11, s24, $0xb8;
	[tilespmem:$0x1D180] =	vst v63  }
0x2f5: {  	_ =	swait.ge [sflag:s3], $0x4000  }
0x2f6: {  	[sflag:s3] =	ssyncset.done $0x0  }
0x2f7: {  	s13 =	simm.s32 $0xC80;
	[sflag:s3] =	ssyncadd.s32 $0xFFFFC000  }
0x2f8: {  	[spmem:s5] =	stream.indirect.scatter.add.f32 [tilespmem:s28], [sflag:$0x5], $0x1, s13, s24, $0xb8;
	[tilespmem:$0x1D180] =	vst v63  }
0x2f9: {  	_ = 	snop  }
0x2fa: {  	[spmem:s4] =	stream.indirect.scatter.add.f32 [tilespmem:s26], [sflag:$0x4], $0x80, s13, s24, $0xb8;
	[tilespmem:$0x1D180] =	vst v63  }
0x2fb: {  	_ =	swait.ge [sflag:s10], $0x4000  }
0x2fc: {  	[sflag:s10] =	ssyncset.done $0x0  }
0x2fd: {  	s14 =	rddreg [dreg:$0xd];
	[sflag:s10] =	ssyncadd.s32 $0xFFFFC000  }
0x2fe: {  	[tilespmem:s25], [sflag:$0x1] =	stream.indirect.gather [hbm4b:s1+s24], $0x80, s14, s24, $0xb8;
	[tilespmem:$0x1D180] =	vst v63  }
0x2ff: {  	_ =	swait.ge [sflag:s2], $0x4000  }
0x300: {  	[sflag:s2] =	ssyncset.done $0x0  }
0x301: {  	s16 =	simm.s32 $0xD00;
	[sflag:s2] =	ssyncadd.s32 $0xFFFFC000  }
0x302: {  	[spmem:s5] =	stream.indirect.scatter.add.f32 [tilespmem:s28], [sflag:$0x5], $0x1, s16, s24, $0xb8;
	[tilespmem:$0x1D180] =	vst v63  }
0x303: {  	_ = 	snop  }
0x304: {  	[spmem:s4] =	stream.indirect.scatter.add.f32 [tilespmem:s25], [sflag:$0x3], $0x80, s16, s24, $0xb8;
	[tilespmem:$0x1D180] =	vst v63  }
0x305: {  	_ =	swait.ge [sflag:s12], $0x4000  }
0x306: {  	[sflag:s12] =	ssyncset.done $0x0  }
0x307: {  	s17 =	rddreg [dreg:$0xe];
	[sflag:s12] =	ssyncadd.s32 $0xFFFFC000  }
0x308: {  	[tilespmem:s26], [sflag:$0x2] =	stream.indirect.gather [hbm4b:s1+s24], $0x80, s17, s24, $0xb8;
	[tilespmem:$0x1D180] =	vst v63  }
0x309: {  	_ =	swait.ge [sflag:s3], $0x4000  }
0x30a: {  	[sflag:s3] =	ssyncset.done $0x0  }
0x30b: {  	s18 =	simm.s32 $0xD80;
	[sflag:s3] =	ssyncadd.s32 $0xFFFFC000  }
0x30c: {  	[spmem:s5] =	stream.indirect.scatter.add.f32 [tilespmem:s28], [sflag:$0x5], $0x1, s18, s24, $0xb8;
	[tilespmem:$0x1D180] =	vst v63  }
0x30d: {  	_ = 	snop  }
0x30e: {  	[spmem:s4] =	stream.indirect.scatter.add.f32 [tilespmem:s26], [sflag:$0x4], $0x80, s18, s24, $0xb8;
	[tilespmem:$0x1D180] =	vst v63  }
0x30f: {  	_ =	swait.ge [sflag:s10], $0x4000  }
0x310: {  	[sflag:s10] =	ssyncset.done $0x0  }
0x311: {  	s21 =	rddreg [dreg:$0xf];
	[sflag:s10] =	ssyncadd.s32 $0xFFFFC000  }
0x312: {  	[tilespmem:s25], [sflag:$0x1] =	stream.indirect.gather [hbm4b:s1+s24], $0x80, s21, s24, $0xb8;
	[tilespmem:$0x1D180] =	vst v63  }
0x313: {  	_ =	swait.ge [sflag:s2], $0x4000  }
0x314: {  	[sflag:s2] =	ssyncset.done $0x0  }
0x315: {  	s22 =	simm.s32 $0xE00;
	[sflag:s2] =	ssyncadd.s32 $0xFFFFC000  }
0x316: {  	[spmem:s5] =	stream.indirect.scatter.add.f32 [tilespmem:s28], [sflag:$0x5], $0x1, s22, s24, $0xb8;
	[tilespmem:$0x1D180] =	vst v63  }
0x317: {  	_ = 	snop  }
0x318: {  	[spmem:s4] =	stream.indirect.scatter.add.f32 [tilespmem:s25], [sflag:$0x3], $0x80, s22, s24, $0xb8;
	[tilespmem:$0x1D180] =	vst v63  }
0x319: {  	_ =	swait.ge [sflag:s12], $0x4000  }
0x31a: {  	[sflag:s12] =	ssyncset.done $0x0  }
0x31b: {  	s23 =	rddreg [dreg:$0x10];
	[sflag:s12] =	ssyncadd.s32 $0xFFFFC000  }
0x31c: {  	[tilespmem:s26], [sflag:$0x2] =	stream.indirect.gather [hbm4b:s1+s24], $0x80, s23, s24, $0xb8;
	[tilespmem:$0x1D180] =	vst v63  }
0x31d: {  	_ =	swait.ge [sflag:s3], $0x4000  }
0x31e: {  	[sflag:s3] =	ssyncset.done $0x0  }
0x31f: {  	s30 =	simm.s32 $0xE80;
	[sflag:s3] =	ssyncadd.s32 $0xFFFFC000  }
0x320: {  	[spmem:s5] =	stream.indirect.scatter.add.f32 [tilespmem:s28], [sflag:$0x5], $0x1, s30, s24, $0xb8;
	[tilespmem:$0x1D180] =	vst v63  }
0x321: {  	_ = 	snop  }
0x322: {  	[spmem:s4] =	stream.indirect.scatter.add.f32 [tilespmem:s26], [sflag:$0x4], $0x80, s30, s24, $0xb8;
	[tilespmem:$0x1D180] =	vst v63  }
0x323: {  	_ =	swait.ge [sflag:s10], $0x4000  }
0x324: {  	[sflag:s10] =	ssyncset.done $0x0  }
0x325: {  	s0 =	rddreg [dreg:$0x11];
	[sflag:s10] =	ssyncadd.s32 $0xFFFFC000  }
0x326: {  	[tilespmem:s25], [sflag:$0x1] =	stream.indirect.gather [hbm4b:s1+s24], $0x80, s0, s24, $0xb8;
	[tilespmem:$0x1D180] =	vst v63  }
0x327: {  	_ =	swait.ge [sflag:s2], $0x4000  }
0x328: {  	[sflag:s2] =	ssyncset.done $0x0  }
0x329: {  	s7 =	simm.s32 $0xF00;
	[sflag:s2] =	ssyncadd.s32 $0xFFFFC000  }
0x32a: {  	[spmem:s5] =	stream.indirect.scatter.add.f32 [tilespmem:s28], [sflag:$0x5], $0x1, s7, s24, $0xb8;
	[tilespmem:$0x1D180] =	vst v63  }
0x32b: {  	_ = 	snop  }
0x32c: {  	[spmem:s4] =	stream.indirect.scatter.add.f32 [tilespmem:s25], [sflag:$0x3], $0x80, s7, s24, $0xb8;
	[tilespmem:$0x1D180] =	vst v63  }
0x32d: {  	_ =	swait.ge [sflag:s12], $0x4000  }
0x32e: {  	[sflag:s12] =	ssyncset.done $0x0  }
0x32f: {  	s8 =	rddreg [dreg:$0x12];
	[sflag:s12] =	ssyncadd.s32 $0xFFFFC000  }
0x330: {  	[tilespmem:s26], [sflag:$0x2] =	stream.indirect.gather [hbm4b:s1+s24], $0x80, s8, s24, $0xb8;
	[tilespmem:$0x1D180] =	vst v63  }
0x331: {  	_ =	swait.ge [sflag:s3], $0x4000  }
0x332: {  	[sflag:s3] =	ssyncset.done $0x0  }
0x333: {  	s9 =	simm.s32 $0xF80;
	[sflag:s3] =	ssyncadd.s32 $0xFFFFC000  }
0x334: {  	[spmem:s5] =	stream.indirect.scatter.add.f32 [tilespmem:s28], [sflag:$0x5], $0x1, s9, s24, $0xb8;
	[tilespmem:$0x1D180] =	vst v63  }
0x335: {  	_ = 	snop  }
0x336: {  	[spmem:s4] =	stream.indirect.scatter.add.f32 [tilespmem:s26], [sflag:$0x4], $0x80, s9, s24, $0xb8;
	[tilespmem:$0x1D180] =	vst v63  }
0x337: {  	_ =	swait.ge [sflag:s10], $0x4000  }
0x338: {  	[sflag:s10] =	ssyncset.done $0x0  }
0x339: {  	s7 =	simm.s32 @!p0 $0x6;
	[sflag:s10] =	ssyncadd.s32 $0xFFFFC000  }
0x33a: {  	_ =	swait.ge @!p0 [sflag:s7], $0x400  }
0x33b: {  	[sflag:s7] =	ssyncset.done @!p0 $0x0  }
0x33c: {  	[sflag:s7] =	ssyncadd.s32 @!p0 $0xFFFFFC00  }
0x33d: {  	_ =	swait.ge @!p0 [sflag:s7], $0x400  }
0x33e: {  	[sflag:s7] =	ssyncset.done @!p0 $0x0  }
0x33f: {  	s9 =	simm.s32 @!p0 $0x80;
	[sflag:s7] =	ssyncadd.s32 @!p0 $0xFFFFFC00;
	s7 =	simm.s32 @!p0 $0x1000  }
0x340: {  	[tilespmem:s7], [sflag:$0x1] =	stream.indirect.gather @!p0 [hbm4b:s1+s9], $0x80, s6, s9, $0xb8;
	[tilespmem:$0x1D180] =	vst v63  }
0x341: {  	_ =	swait.ge [sflag:s12], $0x4000  }
0x342: {  	[sflag:s12] =	ssyncset.done $0x0  }
0x343: {  	[sflag:s12] =	ssyncadd.s32 $0xFFFFC000  }
0x344: {  	_ =	swait.ge [sflag:s12], $0x4000  }
0x345: {  	[sflag:s12] =	ssyncset.done $0x0  }
0x346: {  	s11 =	simm.s32 $0x5;
	[sflag:s12] =	ssyncadd.s32 $0xFFFFC000  }
0x347: {  	_ =	swait.ge [sflag:s11], $0x80  }
0x348: {  	[sflag:s11] =	ssyncset.done $0x0  }
0x349: {  	[sflag:s11] =	ssyncadd.s32 $0xFFFFFF80  }
0x34a: {  	_ =	swait.ge [sflag:s11], $0x80  }
0x34b: {  	[sflag:s11] =	ssyncset.done $0x0  }
0x34c: {  	[sflag:s11] =	ssyncadd.s32 $0xFFFFFF80  }
0x34d: {  	_ =	swait.ge [sflag:s11], $0x80  }
0x34e: {  	[sflag:s11] =	ssyncset.done $0x0  }
0x34f: {  	[sflag:s11] =	ssyncadd.s32 $0xFFFFFF80  }
0x350: {  	_ =	swait.ge [sflag:s11], $0x80  }
0x351: {  	[sflag:s11] =	ssyncset.done $0x0  }
0x352: {  	[sflag:s11] =	ssyncadd.s32 $0xFFFFFF80  }
0x353: {  	_ =	swait.ge [sflag:s11], $0x80  }
0x354: {  	[sflag:s11] =	ssyncset.done $0x0  }
0x355: {  	[sflag:s11] =	ssyncadd.s32 $0xFFFFFF80  }
0x356: {  	_ =	swait.ge [sflag:s11], $0x80  }
0x357: {  	[sflag:s11] =	ssyncset.done $0x0  }
0x358: {  	[sflag:s11] =	ssyncadd.s32 $0xFFFFFF80  }
0x359: {  	_ =	swait.ge [sflag:s11], $0x80  }
0x35a: {  	[sflag:s11] =	ssyncset.done $0x0  }
0x35b: {  	[sflag:s11] =	ssyncadd.s32 $0xFFFFFF80  }
0x35c: {  	_ =	swait.ge [sflag:s11], $0x80  }
0x35d: {  	[sflag:s11] =	ssyncset.done $0x0  }
0x35e: {  	[sflag:s11] =	ssyncadd.s32 $0xFFFFFF80  }
0x35f: {  	_ =	swait.ge [sflag:s11], $0x80  }
0x360: {  	[sflag:s11] =	ssyncset.done $0x0  }
0x361: {  	[sflag:s11] =	ssyncadd.s32 $0xFFFFFF80  }
0x362: {  	_ =	swait.ge [sflag:s11], $0x80  }
0x363: {  	[sflag:s11] =	ssyncset.done $0x0  }
0x364: {  	[sflag:s11] =	ssyncadd.s32 $0xFFFFFF80  }
0x365: {  	_ =	swait.ge [sflag:s11], $0x80  }
0x366: {  	[sflag:s11] =	ssyncset.done $0x0  }
0x367: {  	[sflag:s11] =	ssyncadd.s32 $0xFFFFFF80  }
0x368: {  	_ =	swait.ge [sflag:s11], $0x80  }
0x369: {  	[sflag:s11] =	ssyncset.done $0x0  }
0x36a: {  	[sflag:s11] =	ssyncadd.s32 $0xFFFFFF80  }
0x36b: {  	_ =	swait.ge [sflag:s11], $0x80  }
0x36c: {  	[sflag:s11] =	ssyncset.done $0x0  }
0x36d: {  	[sflag:s11] =	ssyncadd.s32 $0xFFFFFF80  }
0x36e: {  	_ =	swait.ge [sflag:s11], $0x80  }
0x36f: {  	[sflag:s11] =	ssyncset.done $0x0  }
0x370: {  	[sflag:s11] =	ssyncadd.s32 $0xFFFFFF80  }
0x371: {  	_ =	swait.ge [sflag:s11], $0x80  }
0x372: {  	[sflag:s11] =	ssyncset.done $0x0  }
0x373: {  	[sflag:s11] =	ssyncadd.s32 $0xFFFFFF80  }
0x374: {  	_ =	swait.ge [sflag:s11], $0x80  }
0x375: {  	[sflag:s11] =	ssyncset.done $0x0  }
0x376: {  	[sflag:s11] =	ssyncadd.s32 $0xFFFFFF80  }
0x377: {  	s13 =	stileid.u32;
	[bflag:$0x0] =	sbarrier.arrive $0xFFFF  }
0x378: {  	s6 =	sshll.u32 s13, $0x6;
	s9 =	rddreg [dreg:$0x14]  }
0x379: {  	s6 =	sor.u32 $0x1C08, s6;
	s16 =	rddreg [dreg:$0x1c];
	s14 =	sshrl.u32 s9, $0x3  }
0x37a: {  	[hbm:s16], [sflag:s6] =	dma.local [spmem:s14], $0x2780  }
0x37b: {  	s16 =	simm.s32 $0x8  }
0x37c: {  	s21 =	simm.s32 $0x20;
	_ =	swait.ge [sflag:s16], $0x2780  }
0x37d: {  	s22 =	simm.s32 $0x10;
	[sflag:s16] =	ssyncset.done $0x0;
	s14 =	rddreg [dreg:$0x1b]  }
0x37e: {  	s18 =	rddreg [dreg:$0x1d];
	[sflag:s16] =	ssyncadd.s32 $0xFFFFD880;
	s17 =	sshrl.u32 s14, $0x3  }
0x37f: {  	[hbm:s18@s21], [sflag:s6] =	dma.strided [spmem:s17@s22], $0x50, s2, $0x10   }
0x380: {  	_ =	swait.ge [sflag:s16], $0x50  }
0x381: {  	s23 =	sld [smem:$0x7FB];
	_ =	sdelay $0x2  }
0x382: {  	s30 =	rddreg [dreg:$0x1e];
	s7 =	sadd.s32 $0x1, s23  }
0x383: {  	p0 =	sne.s32 s7, s30  }
.Ltmp2:
0x384: {  	_ = 	snop;
	(pc) =	sbr.rel @p0 .LBB2_1-.Ltmp2, $4  }
0x385: {  	s29 =	simm.s32 $0xC00;
	s31 =	simm.s32 $0xB00;
	s0 =	simm.s32 $0x900  }
0x386: {  	s8 =	simm.s32 $0x800;
	s13 =	simm.s32 $0x0;
	s11 =	simm.s32 $0x400  }
0x387: {  	s17 =	simm.s32 $0x880;
	s22 =	simm.s32 $0x980;
	[sflag:s16] =	ssyncset.done $0x0  }
0x388: {  	s21 =	simm.s32 $0xA80;
	[sflag:s16] =	ssyncadd.s32 $0xFFFFFFB0;
	s23 =	simm.s32 $0xA00  }
0x389: {  	_ =	sfence.sel $0x180000  }
0x38a: {  	[bflag:$0x0] =	sbarrier.arrive $0xFFFF  }
0x38b: {  	_ =	strace $0x90000047  }
0x38c: {  	s0 =	stileid.u32;
	[bflag:$0x2] =	sbarrier.arrive $0xFFFF  }
0x38d: {  	p0 =	sne.s32 s0, $0x0;
	s0 =	rddreg [dreg:$0x5]  }
0x38e: {  	s0 =	sadd.s32 @!p0 $0x100000, s0  }
0x38f: {  	[sflag:s0] =	ssyncadd.tile.s32 @!p0 $0x1;
	_ =	shalt  }
.Lfunc_end2:
_tile_overlayer_lowered:
.L_overlay_start_2:
0x390: {  	(tag) =	ssettag $0x2  }
0x391: {  	s0 =	rddreg [dreg:$0x0];
	s2 =	stileid.u32  }
0x392: {  	s1 =	rddreg [dreg:$0x1];
	p0 =	sne.s32 s2, $0x0  }
0x393: {  	s3 =	rddreg [dreg:$0x2];
	[bflag:$0x3] =	sbarrier.arrive $0xFFFF;
	s2 =	simm.s32 @!p0 $0x1C08  }
0x394: {  	[timem:s3], [sflag:s2] =	dma.local @!p0 [hbm:s0], s1  }
0x395: {  	s0 =	simm.s32 @!p0 $0x8  }
0x396: {  	_ =	swait.ge @!p0 [sflag:s0], s1  }
0x397: {  	s1 =	ssub.s32 @!p0 $0x0, s1;
	[sflag:s0] =	ssyncset.done @!p0 $0x0  }
0x398: {  	[sflag:s0] =	ssyncadd.s32 @!p0 s1  }
0x399: {  	[bflag:$0x3] =	sbarrier.arrive $0xFFFF  }
0x39a: {  	_ =	shalt  }

</sc_bundles>
